<compile_context>
chip_gen: v7x
topology: tpu7x:2x2x1
jax: 0.10.2.dev20260603
libtpu: 0.0.44.dev20260713+nightly
codegen_flags: <defaults>
</compile_context>

<pallas_src>
import functools

import jax
import jax.numpy as jnp
from jax import lax
from jax.experimental import pallas as pl
from jax.experimental.pallas import tpu as pltpu
from jax.experimental.pallas import tpu_sc as plsc

B = 16
CLASSES = 80
N_ANCHORS = 4096 + 1024 + 256
PRE_NMS_TOPK = 256
MAX_DET = 100
NCOLS = 128
BIGI = 2**30


def _sigmoid(x):
    return 1.0 / (1.0 + jnp.exp(-x))


def _decode_body(p0_ref, p1_ref, p2_ref, out_ref):
    p = jnp.concatenate([p0_ref[0], p1_ref[0], p2_ref[0]], axis=0)
    n = lax.broadcasted_iota(jnp.int32, (N_ANCHORS, 1), 0)
    l1 = n >= 4096
    l2 = n >= 5120
    base = jnp.where(l2, 5120, jnp.where(l1, 4096, 0))
    shift = jnp.where(l2, 4, jnp.where(l1, 5, 6))
    stride = jnp.where(l2, 32.0, jnp.where(l1, 16.0, 8.0))
    local = n - base
    gx = (local & ((1 << shift) - 1)).astype(jnp.float32)
    gy = (local >> shift).astype(jnp.float32)
    x1 = (p[:, 0:1] + gx) * stride
    y1 = (p[:, 1:2] + gy) * stride
    w = jnp.exp(p[:, 2:3]) * stride
    h = jnp.exp(p[:, 3:4]) * stride
    x2 = x1 + w
    y2 = y1 + h
    conf = _sigmoid(p[:, 4:5])
    cls_probs = _sigmoid(p[:, 5:85])
    scores = conf * cls_probs
    smax = jnp.max(scores, axis=1, keepdims=True)
    pad = jnp.zeros((N_ANCHORS, NCOLS - 85), jnp.float32)
    out_ref[0] = jnp.concatenate([scores, x1, y1, x2, y2, smax, pad], axis=1)


def _topk_anchors_body(smax_ref, idx_ref):
    x = smax_ref[...]
    lane = lax.broadcasted_iota(jnp.int32, (B, N_ANCHORS), 1)
    out_lane = lax.broadcasted_iota(jnp.int32, (B, PRE_NMS_TOPK), 1)

    def body(k, carry):
        x, acc = carry
        m = jnp.max(x, axis=1, keepdims=True)
        cand = jnp.min(jnp.where(x == m, lane, BIGI), axis=1, keepdims=True)
        acc = acc + jnp.where(out_lane == k, cand, 0)
        x = jnp.where(lane == cand, -1.0, x)
        return x, acc

    _, acc = lax.fori_loop(0, PRE_NMS_TOPK, body,
                           (x, jnp.zeros((B, PRE_NMS_TOPK), jnp.int32)))
    idx_ref[...] = acc


def _transpose(x, n):
    eye = (lax.broadcasted_iota(jnp.int32, (n, n), 0)
           == lax.broadcasted_iota(jnp.int32, (n, n), 1)).astype(jnp.float32)
    return lax.dot_general(x, eye, (((0,), (0,)), ((), ())),
                           preferred_element_type=jnp.float32)


def _extract_pairs_3d(x, poolc=None):
    K = PRE_NMS_TOPK
    R = x.shape[1]
    pidx = (lax.broadcasted_iota(jnp.int32, (B, R, K), 1) * K
            + lax.broadcasted_iota(jnp.int32, (B, R, K), 2))
    out_lane = lax.broadcasted_iota(jnp.int32, (B, K), 1)
    laneK = lax.broadcasted_iota(jnp.int32, (B, K), 1)

    def body(k, carry):
        x, accv, acca, accc, cnt = carry
        m1 = jnp.max(x, axis=1, keepdims=True)
        m = jnp.max(m1, axis=2, keepdims=True)
        e = jnp.where(x == m, pidx, BIGI)
        cand = jnp.min(jnp.min(e, axis=1, keepdims=True), axis=2,
                       keepdims=True)
        a2 = cand % K
        r = cand // K
        if poolc is None:
            c = r
        else:
            ce = jnp.where(pidx == cand, poolc, -1)
            c = jnp.max(jnp.max(ce, axis=1, keepdims=True), axis=2,
                        keepdims=True)
        sel = out_lane == k
        accv = accv + jnp.where(sel, m[:, 0, :], 0.0)
        acca = acca + jnp.where(sel, a2[:, 0, :], 0)
        accc = accc + jnp.where(sel, c[:, 0, :], 0)
        cnt = cnt + jnp.where(laneK == a2[:, 0, :], 1, 0)
        x = jnp.where(pidx == cand, -1.0, x)
        return x, accv, acca, accc, cnt

    z_f = jnp.zeros((B, K), jnp.float32)
    z_i = jnp.zeros((B, K), jnp.int32)
    _, vals, a2, c, cnt = lax.fori_loop(0, K, body, (x, z_f, z_i, z_i, z_i))
    return vals, a2, c, cnt


def _nms_body_fast(s_ref, box_ref, out_ref):
    K = PRE_NMS_TOPK
    POOL = 8
    xfull = s_ref[...]

    cio = lax.broadcasted_iota(jnp.int32, (B, CLASSES, K), 1)
    rio = lax.broadcasted_iota(jnp.int32, (B, POOL, K), 1)

    def pool_body(r, carry):
        x, pv, pc = carry
        m = jnp.max(x, axis=1, keepdims=True)
        c = jnp.min(jnp.where(x == m, cio, BIGI), axis=1, keepdims=True)
        pv = pv + jnp.where(rio == r, m, 0.0)
        pc = pc + jnp.where(rio == r, c, 0)
        x = jnp.where(cio == c, -1.0, x)
        return x, pv, pc

    xrem, poolv, poolc = lax.fori_loop(
        0, POOL, pool_body,
        (xfull, jnp.zeros((B, POOL, K), jnp.float32),
         jnp.zeros((B, POOL, K), jnp.int32)))

    vals, a2, ci, _ = _extract_pairs_3d(poolv, poolc)
    v9 = jnp.max(xrem, axis=1, keepdims=True)[:, 0, :]
    vmin = vals[:, PRE_NMS_TOPK - 1:PRE_NMS_TOPK]
    exhausted = jnp.any(v9 >= vmin)

    def fb_body(c):
        v, a, cc = _extract_pairs_3d(xfull)[0:3]
        return jnp.bool_(False), v, a, cc

    _, vals, a2, ci = lax.while_loop(
        lambda c: c[0], fb_body, (exhausted, vals, a2, ci))
    _nms_downstream(vals, a2, ci.astype(jnp.float32), box_ref, out_ref)


def _nms_downstream(vals, a2, cf, box_ref, out_ref):
    K = PRE_NMS_TOPK
    a2T = _transpose(a2.astype(jnp.float32), B)
    cT = _transpose(cf, B)
    valsT = _transpose(vals, B)

    sub = lax.broadcasted_iota(jnp.int32, (K, K), 0)
    lan = lax.broadcasted_iota(jnp.int32, (K, K), 1)
    lan_f = lan.astype(jnp.float32)
    later = (sub < lan).astype(jnp.float32)

    supps = []
    rows8 = []
    for b in range(B):
        A = box_ref[b]
        onehot = (a2T[:, b:b + 1] == lan_f).astype(jnp.float32)
        cb = lax.dot_general(onehot, A, (((1,), (0,)), ((), ())),
                             preferred_element_type=jnp.float32)
        cbT = _transpose(cb, K)
        x1c, y1c = cb[:, 0:1], cb[:, 1:2]
        x2c, y2c = cb[:, 2:3], cb[:, 3:4]
        x1r, y1r = cbT[0:1, :], cbT[1:2, :]
        x2r, y2r = cbT[2:3, :], cbT[3:4, :]
        areac = jnp.maximum(x2c - x1c, 0.0) * jnp.maximum(y2c - y1c, 0.0)
        arear = jnp.maximum(x2r - x1r, 0.0) * jnp.maximum(y2r - y1r, 0.0)
        inter = (jnp.maximum(jnp.minimum(x2c, x2r) - jnp.maximum(x1c, x1r), 0.0)
                 * jnp.maximum(jnp.minimum(y2c, y2r) - jnp.maximum(y1c, y1r), 0.0))
        union = areac + arear - inter
        iou = inter / jnp.maximum(union, 1e-8)
        same = (cT[:, b:b + 1] == cf[b:b + 1, :]).astype(jnp.float32)
        supps.append((iou > 0.5).astype(jnp.float32) * same * later)
        rows8.append(jnp.concatenate(
            [cb, cT[:, b:b + 1], valsT[:, b:b + 1],
             jnp.zeros((K, 2), jnp.float32)], axis=1))

    def cond(c):
        keep, changed, it = c
        return jnp.logical_and(changed, it < K + 4)

    def wbody(c):
        keep, _, it = c
        new = []
        for b in range(B):
            s = lax.dot_general(keep[b:b + 1, :], supps[b],
                                (((1,), (0,)), ((), ())),
                                preferred_element_type=jnp.float32)
            new.append(jnp.where(s == 0.0, 1.0, 0.0))
        newk = jnp.concatenate(new, axis=0)
        return newk, jnp.any(newk != keep), it + 1

    keep, _, _ = lax.while_loop(
        cond, wbody, (jnp.ones((B, K), jnp.float32), jnp.bool_(True), 0))

    masked = vals * keep
    lane100 = lax.broadcasted_iota(jnp.int32, (B, MAX_DET), 1)
    laneK = lax.broadcasted_iota(jnp.int32, (B, K), 1)

    def fbody(k, carry):
        y, acc = carry
        m = jnp.max(y, axis=1, keepdims=True)
        cand = jnp.min(jnp.where(y == m, laneK, BIGI), axis=1, keepdims=True)
        acc = acc + jnp.where(lane100 == k, cand.astype(jnp.float32), 0.0)
        y = jnp.where(laneK == cand, -2.0, y)
        return y, acc

    _, sel = lax.fori_loop(0, MAX_DET, fbody,
                           (masked, jnp.zeros((B, MAX_DET), jnp.float32)))
    selT = _transpose(sel, B)
    keepT = _transpose(keep, B)
    lane_sel = lax.broadcasted_iota(jnp.int32, (MAX_DET, K), 1).astype(jnp.float32)
    for b in range(B):
        onehot = (selT[:, b:b + 1] == lane_sel).astype(jnp.float32)
        mrows = rows8[b] * keepT[:, b:b + 1]
        out_ref[b] = lax.dot_general(onehot, mrows, (((1,), (0,)), ((), ())),
                                     preferred_element_type=jnp.float32)


def _sc_gather(table, idx_flat):
    rows = B * PRE_NMS_TOPK
    nw = 32
    per = rows // nw
    mesh = plsc.VectorSubcoreMesh(core_axis_name="c", subcore_axis_name="s")

    @functools.partial(
        pl.kernel, mesh=mesh,
        out_type=jax.ShapeDtypeStruct((rows, NCOLS), jnp.float32),
        scratch_types=[
            pltpu.VMEM((per,), jnp.int32),
            pltpu.VMEM((per, NCOLS), jnp.float32),
            pltpu.SemaphoreType.DMA,
        ],
    )
    def k(table_hbm, idx_hbm, out_hbm, idx_v, rows_v, sem):
        wid = lax.axis_index("s") * 2 + lax.axis_index("c")
        base = wid * per
        pltpu.sync_copy(idx_hbm.at[pl.ds(base, per)], idx_v)
        pltpu.async_copy(table_hbm.at[idx_v], rows_v, sem).wait()
        pltpu.sync_copy(rows_v, out_hbm.at[pl.ds(base, per)])

    return k(table, idx_flat)


def _gather_rows(combined, anchor_idx):
    flat = (anchor_idx
            + N_ANCHORS * lax.broadcasted_iota(jnp.int32, (B, PRE_NMS_TOPK), 0))
    return _sc_gather(combined, flat.reshape(-1))


def kernel(images, predictions_0, predictions_1, predictions_2):
    del images
    p0 = predictions_0.reshape(B, -1, 5 + CLASSES)
    p1 = predictions_1.reshape(B, -1, 5 + CLASSES)
    p2 = predictions_2.reshape(B, -1, 5 + CLASSES)

    combined = pl.pallas_call(
        _decode_body,
        grid=(B,),
        in_specs=[
            pl.BlockSpec((1, 4096, 85), lambda b: (b, 0, 0)),
            pl.BlockSpec((1, 1024, 85), lambda b: (b, 0, 0)),
            pl.BlockSpec((1, 256, 85), lambda b: (b, 0, 0)),
        ],
        out_specs=pl.BlockSpec((1, N_ANCHORS, NCOLS), lambda b: (b, 0, 0)),
        out_shape=jax.ShapeDtypeStruct((B, N_ANCHORS, NCOLS), jnp.float32),
    )(p0, p1, p2)

    smax = combined[:, :, 84]
    anchor_idx = pl.pallas_call(
        _topk_anchors_body,
        out_shape=jax.ShapeDtypeStruct((B, PRE_NMS_TOPK), jnp.int32),
    )(smax)

    g = _gather_rows(combined.reshape(B * N_ANCHORS, NCOLS), anchor_idx)
    g = g.reshape(B, PRE_NMS_TOPK, NCOLS)
    gst = g[:, :, 0:CLASSES].transpose(0, 2, 1)
    gbox = g[:, :, CLASSES:CLASSES + 4]

    out = pl.pallas_call(
        _nms_body_fast,
        out_shape=jax.ShapeDtypeStruct((B, MAX_DET, 8), jnp.float32),
    )(gst, gbox)
    return out[:, :, 0:6]

# --- scband reference (transcript-rebuilt; emitter-appended) ---
"""Pipeline reference for scband-decode-predictions-12197707120949 (READ-ONLY COPY).

The authoritative reference and input builder live on the scoring server;
editing this copy changes nothing except your own understanding.
"""

import jax, jax.numpy as jnp
import numpy as np

CLASSES = 80
IOU_THRESH = 0.5
MAX_DET = 100
PRE_NMS_TOPK = 256


def setup_inputs(seed: int = 0) -> dict:
    key = jax.random.key(seed)
    k1, k2, k3, k4 = jax.random.split(key, 4)
    images = jax.random.uniform(k1, (16, 512, 512, 3), dtype=jnp.float32)
    p0 = jax.random.normal(k2, (16, 64, 64, 5 + CLASSES), dtype=jnp.float32)
    p1 = jax.random.normal(k3, (16, 32, 32, 5 + CLASSES), dtype=jnp.float32)
    p2 = jax.random.normal(k4, (16, 16, 16, 5 + CLASSES), dtype=jnp.float32)
    return {"images": images, "predictions_0": p0, "predictions_1": p1, "predictions_2": p2}


def _decode(images, preds):
    B = preds[0].shape[0]
    img_h = float(images.shape[1])
    img_w = float(images.shape[2])
    image_shape = jnp.array([img_h, img_w], jnp.float32)
    shapes = [(p.shape[1], p.shape[2]) for p in preds]
    flat = [p.reshape(B, -1, 5 + CLASSES) for p in preds]
    predictions = jnp.concatenate(flat, axis=1)
    grids = []
    strides = []
    for (shape_x, shape_y) in shapes:
        grid_x, grid_y = jnp.meshgrid(jnp.arange(shape_y), jnp.arange(shape_x))
        grid = jnp.reshape(jnp.stack((grid_x, grid_y), 2), (1, -1, 2)).astype(jnp.float32)
        grids.append(grid)
        strides.append(jnp.ones((1, grid.shape[1], 1), jnp.float32) * img_h / float(shape_x))
    grids = jnp.concatenate(grids, axis=1)
    strides_c = jnp.concatenate(strides, axis=1)
    N = predictions.shape[1]
    box_xy = ((predictions[..., :2] + grids) * strides_c / image_shape)[:, :, None, :]
    box_xy = jnp.broadcast_to(box_xy, (B, N, CLASSES, 2))
    box_wh = (jnp.exp(predictions[..., 2:4]) * strides_c / image_shape)[:, :, None, :]
    box_wh = jnp.broadcast_to(box_wh, (B, N, CLASSES, 2))
    box_confidence = jax.nn.sigmoid(predictions[..., 4:5])
    box_class_probs = jax.nn.sigmoid(predictions[..., 5:])
    box_classes = jnp.broadcast_to(jnp.arange(CLASSES, dtype=jnp.float32)[:, None], (B, N, CLASSES, 1))
    box_scores = (box_confidence * box_class_probs)[..., None]
    outputs = jnp.concatenate([box_xy, box_wh, box_classes, box_scores], axis=-1)
    outputs = outputs.reshape(B, -1, 6)
    # convert rel_xywh -> xyxy
    x = outputs[..., 0] * img_w
    y = outputs[..., 1] * img_h
    w = outputs[..., 2] * img_w
    h = outputs[..., 3] * img_h
    boxes = jnp.stack([x, y, x + w, y + h], axis=-1)
    return jnp.concatenate([boxes, outputs[..., 4:]], axis=-1)


def _iou(boxes):
    x1, y1, x2, y2 = boxes[:, 0], boxes[:, 1], boxes[:, 2], boxes[:, 3]
    area = jnp.maximum(x2 - x1, 0.0) * jnp.maximum(y2 - y1, 0.0)
    xx1 = jnp.maximum(x1[:, None], x1[None, :])
    yy1 = jnp.maximum(y1[:, None], y1[None, :])
    xx2 = jnp.minimum(x2[:, None], x2[None, :])
    yy2 = jnp.minimum(y2[:, None], y2[None, :])
    inter = jnp.maximum(xx2 - xx1, 0.0) * jnp.maximum(yy2 - yy1, 0.0)
    union = area[:, None] + area[None, :] - inter
    return inter / jnp.maximum(union, 1e-8)


def _nms_single(rows):
    # rows: [N*CLASSES, 6] = (x1, y1, x2, y2, class, score)
    scores_all = rows[:, 5]
    _, idx = jax.lax.top_k(scores_all, PRE_NMS_TOPK)
    cand = rows[idx]
    boxes = cand[:, :4]
    cls = cand[:, 4]
    scores = cand[:, 5]
    iou = _iou(boxes)
    same = cls[:, None] == cls[None, :]
    later = jnp.triu(jnp.ones((PRE_NMS_TOPK, PRE_NMS_TOPK), bool), k=1)
    supp_mat = same & later & (iou > IOU_THRESH)
    keep = jnp.ones((PRE_NMS_TOPK,), bool)
    for i in range(PRE_NMS_TOPK):
        keep = keep & ~(keep[i] & supp_mat[i])
    masked = scores * keep.astype(scores.dtype)
    _, i2 = jax.lax.top_k(masked, MAX_DET)
    sel = cand[i2] * keep[i2].astype(cand.dtype)[:, None]
    return sel  # [MAX_DET, 6]


def reference(images, predictions_0, predictions_1, predictions_2):
    rows = _decode(images, [predictions_0, predictions_1, predictions_2])
    return jax.vmap(_nms_single)(rows)

if __name__ == "__main__":
    import jax
    _d = setup_inputs()
    print(jax.jit(kernel)(*tuple(_d.values())))

</pallas_src>

<mosaic_0001>
#map = affine_map<(d0, d1) -> (0, 0)>
#map1 = affine_map<(d0, d1) -> (0)>
module attributes {stable_mosaic.version = 14 : i64} {
  func.func @k(%arg0: i32, %arg1: i32, %arg2: memref<86016x128xf32, #tpu.memory_space<hbm>>, %arg3: memref<4096xi32, #tpu.memory_space<hbm>>, %arg4: memref<4096x128xf32, #tpu.memory_space<hbm>>, %arg5: memref<128xi32, #tpu.memory_space<vmem>>, %arg6: memref<128x128xf32, #tpu.memory_space<vmem>>, %arg7: memref<!tpu.dma_semaphore, #tpu.memory_space<semaphore_mem>>) attributes {dimension_semantics = [#tpu.dimension_semantics<core_parallel>, #tpu.dimension_semantics<subcore_parallel>], iteration_bounds = array<i64: 2, 16>, scalar_prefetch = 0 : i64, scratch_operands = 3 : i64, tpu.core_type = #tpu.core_type<sc_vector_subcore>, window_params = [{transform_indices = #map}, {transform_indices = #map1}, {transform_indices = #map}]} {
    %mul3A = arith.constant 2 : i32
    %mul3A_0 = arith.muli %arg1, %mul3A : i32
    %add3A = arith.addi %mul3A_0, %arg0 : i32
    %mul3A_1 = arith.constant 128 : i32
    %mul3A_2 = arith.muli %add3A, %mul3A_1 : i32
    "tpu.region"() ({
      %run_scoped3A = tpu.sem_alloc : memref<!tpu.dma_semaphore, #tpu.memory_space<semaphore_mem>>
      %dma_start3A_7 = tpu.memref_slice %arg3[%mul3A_2] : memref<4096xi32, #tpu.memory_space<hbm>> -> memref<128xi32, #tpu.memory_space<hbm>>
      %dma_start3A_8 = tpu.memref_slice %arg3[%mul3A_2] : memref<4096xi32, #tpu.memory_space<hbm>> -> memref<128xi32, #tpu.memory_space<hbm>>
      tpu.enqueue_dma source(%dma_start3A_8 : memref<128xi32, #tpu.memory_space<hbm>>) target(%arg5 : memref<128xi32, #tpu.memory_space<vmem>>) target_semaphore(%run_scoped3A : memref<!tpu.dma_semaphore, #tpu.memory_space<semaphore_mem>>)
      %dma_wait3A_9 = tpu.memref_slice %arg3[%mul3A_2] : memref<4096xi32, #tpu.memory_space<hbm>> -> memref<128xi32, #tpu.memory_space<hbm>>
      %dma_wait3A_10 = tpu.memref_slice %arg3[%mul3A_2] : memref<4096xi32, #tpu.memory_space<hbm>> -> memref<128xi32, #tpu.memory_space<hbm>>
      tpu.wait_dma2 semaphore(%run_scoped3A : memref<!tpu.dma_semaphore, #tpu.memory_space<semaphore_mem>>) src(%dma_wait3A_10 : memref<128xi32, #tpu.memory_space<hbm>>) dst(%arg5 : memref<128xi32, #tpu.memory_space<vmem>>)
      tpu.yield
    }) : () -> ()
    %dma_start3A = arith.constant 0 : i32
    %dma_start3A_3 = arith.constant 0 : i32
    %dma_start3A_4 = tpu.memref_slice %arg2[%dma_start3A, %dma_start3A_3] : memref<86016x128xf32, #tpu.memory_space<hbm>> -> memref<86016x128xf32, #tpu.memory_space<hbm>>
    tpu.enqueue_indirect_dma source(%dma_start3A_4 : memref<86016x128xf32, #tpu.memory_space<hbm>>) target(%arg6 : memref<128x128xf32, #tpu.memory_space<vmem>>) offsets(%arg5 : memref<128xi32, #tpu.memory_space<vmem>>) semaphore(%arg7 : memref<!tpu.dma_semaphore, #tpu.memory_space<semaphore_mem>>)
    %dma_wait3A = arith.constant 0 : i32
    %dma_wait3A_5 = arith.constant 0 : i32
    %dma_wait3A_6 = tpu.memref_slice %arg2[%dma_wait3A, %dma_wait3A_5] : memref<86016x128xf32, #tpu.memory_space<hbm>> -> memref<86016x128xf32, #tpu.memory_space<hbm>>
    tpu.wait_indirect_dma semaphore(%arg7 : memref<!tpu.dma_semaphore, #tpu.memory_space<semaphore_mem>>) src(%dma_wait3A_6 : memref<86016x128xf32, #tpu.memory_space<hbm>>) dst(%arg6 : memref<128x128xf32, #tpu.memory_space<vmem>>)
    "tpu.region"() ({
      %run_scoped3A = tpu.sem_alloc : memref<!tpu.dma_semaphore, #tpu.memory_space<semaphore_mem>>
      %dma_start3A_7 = arith.constant 0 : i32
      %dma_start3A_8 = tpu.memref_slice %arg4[%mul3A_2, %dma_start3A_7] : memref<4096x128xf32, #tpu.memory_space<hbm>> -> memref<128x128xf32, #tpu.memory_space<hbm>>
      %dma_start3A_9 = arith.constant 0 : i32
      %dma_start3A_10 = tpu.memref_slice %arg4[%mul3A_2, %dma_start3A_9] : memref<4096x128xf32, #tpu.memory_space<hbm>> -> memref<128x128xf32, #tpu.memory_space<hbm>>
      tpu.enqueue_dma source(%arg6 : memref<128x128xf32, #tpu.memory_space<vmem>>) target(%dma_start3A_10 : memref<128x128xf32, #tpu.memory_space<hbm>>) target_semaphore(%run_scoped3A : memref<!tpu.dma_semaphore, #tpu.memory_space<semaphore_mem>>)
      %dma_wait3A_11 = arith.constant 0 : i32
      %dma_wait3A_12 = tpu.memref_slice %arg4[%mul3A_2, %dma_wait3A_11] : memref<4096x128xf32, #tpu.memory_space<hbm>> -> memref<128x128xf32, #tpu.memory_space<hbm>>
      %dma_wait3A_13 = arith.constant 0 : i32
      %dma_wait3A_14 = tpu.memref_slice %arg4[%mul3A_2, %dma_wait3A_13] : memref<4096x128xf32, #tpu.memory_space<hbm>> -> memref<128x128xf32, #tpu.memory_space<hbm>>
      tpu.wait_dma2 semaphore(%run_scoped3A : memref<!tpu.dma_semaphore, #tpu.memory_space<semaphore_mem>>) src(%arg6 : memref<128x128xf32, #tpu.memory_space<vmem>>) dst(%dma_wait3A_14 : memref<128x128xf32, #tpu.memory_space<hbm>>)
      tpu.yield
    }) : () -> ()
    return
  }
}

module attributes {stable_mosaic.version = 14 : i64} {
  func.func @_topk_anchors_body(%arg0: memref<16x5376xf32, #tpu.memory_space<vmem>>, %arg1: memref<16x256xi32, #tpu.memory_space<vmem>>) attributes {dimension_semantics = [], scalar_prefetch = 0 : i64, scratch_operands = 0 : i64, tpu.core_type = #tpu.core_type<tc>} {
    %get3A = arith.constant 0 : index
    %get3A_0 = arith.constant 0 : index
    %get3A_1 = vector.load %arg0[%get3A, %get3A_0] : memref<16x5376xf32, #tpu.memory_space<vmem>>, vector<16x5376xf32>
    %iota3A = tpu.iota {dimensions = array<i32: 1>} : vector<16x5376xi32>
    %iota3A_2 = tpu.iota {dimensions = array<i32: 1>} : vector<16x256xi32>
    %broadcast_in_dim3A = arith.constant 0 : i32
    %broadcast_in_dim3A_3 = vector.broadcast %broadcast_in_dim3A : i32 to vector<16x256xi32>
    %scan3A = arith.constant 0 : i32
    %scan3A_4 = arith.constant 256 : i32
    %scan3A_5 = arith.addi %scan3A, %scan3A_4 : i32
    %scan3A_6 = arith.constant 1 : i32
    %scan3A_7:2 = scf.for %scan3A_11 = %scan3A to %scan3A_5 step %scan3A_6 iter_args(%scan3A_12 = %get3A_1, %scan3A_13 = %broadcast_in_dim3A_3) -> (vector<16x5376xf32>, vector<16x256xi32>)  : i32 {
      %reduce_max3A = arith.constant dense<0xFF800000> : vector<16xf32>
      %reduce_max3A_14 = vector.multi_reduction <maximumf>, %scan3A_12, %reduce_max3A [1] : vector<16x5376xf32> to vector<16xf32>
      %broadcast_in_dim3A_15 = vector.shape_cast %reduce_max3A_14 : vector<16xf32> to vector<16x1xf32>
      %eq3A = vector.broadcast %broadcast_in_dim3A_15 : vector<16x1xf32> to vector<16x5376xf32>
      %eq3A_16 = arith.cmpf oeq, %scan3A_12, %eq3A : vector<16x5376xf32>
      %jit3A = arith.constant 1073741824 : i32
      %broadcast_in_dim3A_17 = vector.broadcast %jit3A : i32 to vector<16x5376xi32>
      %select_n3A = arith.select %eq3A_16, %iota3A, %broadcast_in_dim3A_17 : vector<16x5376xi1>, vector<16x5376xi32>
      %reduce_min3A = arith.constant dense<2147483647> : vector<16xi32>
      %reduce_min3A_18 = vector.multi_reduction <minsi>, %select_n3A, %reduce_min3A [1] : vector<16x5376xi32> to vector<16xi32>
      %broadcast_in_dim3A_19 = vector.shape_cast %reduce_min3A_18 : vector<16xi32> to vector<16x1xi32>
      %eq3A_20 = vector.broadcast %scan3A_11 : i32 to vector<16x256xi32>
      %eq3A_21 = arith.cmpi eq, %iota3A_2, %eq3A_20 : vector<16x256xi32>
      %jit3A_22 = arith.constant 0 : i32
      %broadcast_in_dim3A_23 = vector.shape_cast %broadcast_in_dim3A_19 : vector<16x1xi32> to vector<16x1xi32>
      %broadcast_in_dim3A_24 = vector.broadcast %broadcast_in_dim3A_23 : vector<16x1xi32> to vector<16x256xi32>
      %broadcast_in_dim3A_25 = vector.broadcast %jit3A_22 : i32 to vector<16x256xi32>
      %select_n3A_26 = arith.select %eq3A_21, %broadcast_in_dim3A_24, %broadcast_in_dim3A_25 : vector<16x256xi1>, vector<16x256xi32>
      %add3A = arith.addi %scan3A_13, %select_n3A_26 : vector<16x256xi32>
      %eq3A_27 = vector.broadcast %broadcast_in_dim3A_19 : vector<16x1xi32> to vector<16x5376xi32>
      %eq3A_28 = arith.cmpi eq, %iota3A, %eq3A_27 : vector<16x5376xi32>
      %jit3A_29 = arith.constant -1.000000e+00 : f32
      %broadcast_in_dim3A_30 = vector.broadcast %jit3A_29 : f32 to vector<16x5376xf32>
      %select_n3A_31 = arith.select %eq3A_28, %broadcast_in_dim3A_30, %scan3A_12 : vector<16x5376xi1>, vector<16x5376xf32>
      scf.yield %select_n3A_31, %add3A : vector<16x5376xf32>, vector<16x256xi32>
    }
    %scan3A_8 = arith.constant 256 : i32
    %swap3A = arith.constant 0 : index
    %swap3A_9 = arith.constant 0 : index
    %swap3A_10 = vector.load %arg1[%swap3A, %swap3A_9] : memref<16x256xi32, #tpu.memory_space<vmem>>, vector<16x256xi32>
    tpu.vector_store %arg1[%swap3A, %swap3A_9], %scan3A_7#1 {strides = array<i32>} : memref<16x256xi32, #tpu.memory_space<vmem>>, vector<16x256xi32>,
    return
  }
}

module attributes {stable_mosaic.version = 14 : i64} {
  func.func @_decode_body(%arg0: i32, %arg1: memref<1x4096x85xf32, #tpu.memory_space<vmem>>, %arg2: memref<1x1024x85xf32, #tpu.memory_space<vmem>>, %arg3: memref<1x256x85xf32, #tpu.memory_space<vmem>>, %arg4: memref<1x5376x128xf32, #tpu.memory_space<vmem>>) attributes {dimension_semantics = [#tpu.dimension_semantics<arbitrary>], iteration_bounds = array<i64: 16>, scalar_prefetch = 0 : i64, scratch_operands = 0 : i64, tpu.core_type = #tpu.core_type<tc>, window_params = [{transform_indices = @transform_0, window_bounds = array<i64: 1, 4096, 85>}, {transform_indices = @transform_1, window_bounds = array<i64: 1, 1024, 85>}, {transform_indices = @transform_2, window_bounds = array<i64: 1, 256, 85>}, {transform_indices = @transform_3, window_bounds = array<i64: 1, 5376, 128>}]} {
    %get3A = arith.constant 0 : index
    %get3A_0 = arith.constant 0 : index
    %get3A_1 = arith.constant 0 : index
    %get3A_2 = vector.load %arg1[%get3A, %get3A_0, %get3A_1] : memref<1x4096x85xf32, #tpu.memory_space<vmem>>, vector<1x4096x85xf32>
    %get3A_3 = vector.shape_cast %get3A_2 : vector<1x4096x85xf32> to vector<4096x85xf32>
    %get3A_4 = arith.constant 0 : index
    %get3A_5 = arith.constant 0 : index
    %get3A_6 = arith.constant 0 : index
    %get3A_7 = vector.load %arg2[%get3A_4, %get3A_5, %get3A_6] : memref<1x1024x85xf32, #tpu.memory_space<vmem>>, vector<1x1024x85xf32>
    %get3A_8 = vector.shape_cast %get3A_7 : vector<1x1024x85xf32> to vector<1024x85xf32>
    %get3A_9 = arith.constant 0 : index
    %get3A_10 = arith.constant 0 : index
    %get3A_11 = arith.constant 0 : index
    %get3A_12 = vector.load %arg3[%get3A_9, %get3A_10, %get3A_11] : memref<1x256x85xf32, #tpu.memory_space<vmem>>, vector<1x256x85xf32>
    %get3A_13 = vector.shape_cast %get3A_12 : vector<1x256x85xf32> to vector<256x85xf32>
    %concatenate3A = tpu.concatenate %get3A_3, %get3A_8, %get3A_13 in 0 : vector<4096x85xf32>, vector<1024x85xf32>, vector<256x85xf32> -> vector<5376x85xf32>
    %iota3A = tpu.iota {dimensions = array<i32: 0>} : vector<5376x1xi32>
    %ge3A = arith.constant 4096 : i32
    %ge3A_14 = vector.broadcast %ge3A : i32 to vector<5376x1xi32>
    %ge3A_15 = arith.cmpi sge, %iota3A, %ge3A_14 : vector<5376x1xi32>
    %ge3A_16 = arith.constant 5120 : i32
    %ge3A_17 = vector.broadcast %ge3A_16 : i32 to vector<5376x1xi32>
    %ge3A_18 = arith.cmpi sge, %iota3A, %ge3A_17 : vector<5376x1xi32>
    %jit3A = arith.constant 4096 : i32
    %jit3A_19 = arith.constant 0 : i32
    %broadcast_in_dim3A = vector.broadcast %jit3A : i32 to vector<5376x1xi32>
    %broadcast_in_dim3A_20 = vector.broadcast %jit3A_19 : i32 to vector<5376x1xi32>
    %select_n3A = arith.select %ge3A_15, %broadcast_in_dim3A, %broadcast_in_dim3A_20 : vector<5376x1xi1>, vector<5376x1xi32>
    %jit3A_21 = arith.constant 5120 : i32
    %broadcast_in_dim3A_22 = vector.broadcast %jit3A_21 : i32 to vector<5376x1xi32>
    %select_n3A_23 = arith.select %ge3A_18, %broadcast_in_dim3A_22, %select_n3A : vector<5376x1xi1>, vector<5376x1xi32>
    %jit3A_24 = arith.constant 5 : i32
    %jit3A_25 = arith.constant 6 : i32
    %broadcast_in_dim3A_26 = vector.broadcast %jit3A_24 : i32 to vector<5376x1xi32>
    %broadcast_in_dim3A_27 = vector.broadcast %jit3A_25 : i32 to vector<5376x1xi32>
    %select_n3A_28 = arith.select %ge3A_15, %broadcast_in_dim3A_26, %broadcast_in_dim3A_27 : vector<5376x1xi1>, vector<5376x1xi32>
    %jit3A_29 = arith.constant 4 : i32
    %broadcast_in_dim3A_30 = vector.broadcast %jit3A_29 : i32 to vector<5376x1xi32>
    %select_n3A_31 = arith.select %ge3A_18, %broadcast_in_dim3A_30, %select_n3A_28 : vector<5376x1xi1>, vector<5376x1xi32>
    %jit3A_32 = arith.constant 1.600000e+01 : f32
    %jit3A_33 = arith.constant 8.000000e+00 : f32
    %broadcast_in_dim3A_34 = vector.broadcast %jit3A_32 : f32 to vector<5376x1xf32>
    %broadcast_in_dim3A_35 = vector.broadcast %jit3A_33 : f32 to vector<5376x1xf32>
    %select_n3A_36 = arith.select %ge3A_15, %broadcast_in_dim3A_34, %broadcast_in_dim3A_35 : vector<5376x1xi1>, vector<5376x1xf32>
    %jit3A_37 = arith.constant 3.200000e+01 : f32
    %broadcast_in_dim3A_38 = vector.broadcast %jit3A_37 : f32 to vector<5376x1xf32>
    %select_n3A_39 = arith.select %ge3A_18, %broadcast_in_dim3A_38, %select_n3A_36 : vector<5376x1xi1>, vector<5376x1xf32>
    %sub3A = arith.subi %iota3A, %select_n3A_23 : vector<5376x1xi32>
    %shift_left3A = arith.constant 1 : i32
    %shift_left3A_40 = vector.broadcast %shift_left3A : i32 to vector<5376x1xi32>
    %shift_left3A_41 = arith.shli %shift_left3A_40, %select_n3A_31 : vector<5376x1xi32>
    %sub3A_42 = arith.constant 1 : i32
    %sub3A_43 = vector.broadcast %sub3A_42 : i32 to vector<5376x1xi32>
    %sub3A_44 = arith.subi %shift_left3A_41, %sub3A_43 : vector<5376x1xi32>
    %and3A = arith.andi %sub3A, %sub3A_44 : vector<5376x1xi32>
    %convert_element_type3A = arith.sitofp %and3A : vector<5376x1xi32> to vector<5376x1xf32>
    %shift_right_arithmetic3A = arith.shrsi %sub3A, %select_n3A_31 : vector<5376x1xi32>
    %convert_element_type3A_45 = arith.sitofp %shift_right_arithmetic3A : vector<5376x1xi32> to vector<5376x1xf32>
    %slice3A = vector.extract_strided_slice %concatenate3A {offsets = [0, 0], sizes = [5376, 1], strides = [1, 1]} : vector<5376x85xf32> to vector<5376x1xf32>
    %add3A = arith.addf %slice3A, %convert_element_type3A : vector<5376x1xf32>
    %mul3A = arith.mulf %add3A, %select_n3A_39 : vector<5376x1xf32>
    %slice3A_46 = vector.extract_strided_slice %concatenate3A {offsets = [0, 1], sizes = [5376, 1], strides = [1, 1]} : vector<5376x85xf32> to vector<5376x1xf32>
    %add3A_47 = arith.addf %slice3A_46, %convert_element_type3A_45 : vector<5376x1xf32>
    %mul3A_48 = arith.mulf %add3A_47, %select_n3A_39 : vector<5376x1xf32>
    %slice3A_49 = vector.extract_strided_slice %concatenate3A {offsets = [0, 2], sizes = [5376, 1], strides = [1, 1]} : vector<5376x85xf32> to vector<5376x1xf32>
    %exp3A = math.exp %slice3A_49 : vector<5376x1xf32>
    %mul3A_50 = arith.mulf %exp3A, %select_n3A_39 : vector<5376x1xf32>
    %slice3A_51 = vector.extract_strided_slice %concatenate3A {offsets = [0, 3], sizes = [5376, 1], strides = [1, 1]} : vector<5376x85xf32> to vector<5376x1xf32>
    %exp3A_52 = math.exp %slice3A_51 : vector<5376x1xf32>
    %mul3A_53 = arith.mulf %exp3A_52, %select_n3A_39 : vector<5376x1xf32>
    %add3A_54 = arith.addf %mul3A, %mul3A_50 : vector<5376x1xf32>
    %add3A_55 = arith.addf %mul3A_48, %mul3A_53 : vector<5376x1xf32>
    %slice3A_56 = vector.extract_strided_slice %concatenate3A {offsets = [0, 4], sizes = [5376, 1], strides = [1, 1]} : vector<5376x85xf32> to vector<5376x1xf32>
    %neg3A = arith.constant 0.000000e+00 : f32
    %neg3A_57 = vector.broadcast %neg3A : f32 to vector<5376x1xf32>
    %neg3A_58 = arith.subf %neg3A_57, %slice3A_56 : vector<5376x1xf32>
    %exp3A_59 = math.exp %neg3A_58 : vector<5376x1xf32>
    %add3A_60 = arith.constant 1.000000e+00 : f32
    %add3A_61 = vector.broadcast %add3A_60 : f32 to vector<5376x1xf32>
    %add3A_62 = arith.addf %add3A_61, %exp3A_59 : vector<5376x1xf32>
    %div3A = arith.constant 1.000000e+00 : f32
    %div3A_63 = vector.broadcast %div3A : f32 to vector<5376x1xf32>
    %div3A_64 = arith.divf %div3A_63, %add3A_62 : vector<5376x1xf32>
    %slice3A_65 = vector.extract_strided_slice %concatenate3A {offsets = [0, 5], sizes = [5376, 80], strides = [1, 1]} : vector<5376x85xf32> to vector<5376x80xf32>
    %neg3A_66 = arith.constant 0.000000e+00 : f32
    %neg3A_67 = vector.broadcast %neg3A_66 : f32 to vector<5376x80xf32>
    %neg3A_68 = arith.subf %neg3A_67, %slice3A_65 : vector<5376x80xf32>
    %exp3A_69 = math.exp %neg3A_68 : vector<5376x80xf32>
    %add3A_70 = arith.constant 1.000000e+00 : f32
    %add3A_71 = vector.broadcast %add3A_70 : f32 to vector<5376x80xf32>
    %add3A_72 = arith.addf %add3A_71, %exp3A_69 : vector<5376x80xf32>
    %div3A_73 = arith.constant 1.000000e+00 : f32
    %div3A_74 = vector.broadcast %div3A_73 : f32 to vector<5376x80xf32>
    %div3A_75 = arith.divf %div3A_74, %add3A_72 : vector<5376x80xf32>
    %mul3A_76 = vector.broadcast %div3A_64 : vector<5376x1xf32> to vector<5376x80xf32>
    %mul3A_77 = arith.mulf %mul3A_76, %div3A_75 : vector<5376x80xf32>
    %reduce_max3A = arith.constant dense<0xFF800000> : vector<5376xf32>
    %reduce_max3A_78 = vector.multi_reduction <maximumf>, %mul3A_77, %reduce_max3A [1] : vector<5376x80xf32> to vector<5376xf32>
    %broadcast_in_dim3A_79 = vector.shape_cast %reduce_max3A_78 : vector<5376xf32> to vector<5376x1xf32>
    %broadcast_in_dim3A_80 = arith.constant 0.000000e+00 : f32
    %broadcast_in_dim3A_81 = vector.broadcast %broadcast_in_dim3A_80 : f32 to vector<5376x43xf32>
    %concatenate3A_82 = tpu.concatenate %mul3A_77, %mul3A, %mul3A_48, %add3A_54, %add3A_55, %broadcast_in_dim3A_79, %broadcast_in_dim3A_81 in 1 : vector<5376x80xf32>, vector<5376x1xf32>, vector<5376x1xf32>, vector<5376x1xf32>, vector<5376x1xf32>, vector<5376x1xf32>, vector<5376x43xf32> -> vector<5376x128xf32>
    %swap3A = arith.constant 0 : index
    %swap3A_83 = arith.constant 0 : index
    %swap3A_84 = arith.constant 0 : index
    %swap3A_85 = vector.load %arg4[%swap3A, %swap3A_83, %swap3A_84] : memref<1x5376x128xf32, #tpu.memory_space<vmem>>, vector<1x5376x128xf32>
    %swap3A_86 = vector.shape_cast %swap3A_85 : vector<1x5376x128xf32> to vector<5376x128xf32>
    %swap3A_87 = vector.shape_cast %concatenate3A_82 : vector<5376x128xf32> to vector<1x5376x128xf32>
    tpu.vector_store %arg4[%swap3A, %swap3A_83, %swap3A_84], %swap3A_87 {strides = array<i32>} : memref<1x5376x128xf32, #tpu.memory_space<vmem>>, vector<1x5376x128xf32>,
    return
  }
  func.func @transform_0(%arg0: i32) -> (i32, i32, i32) {
    %c0_i32 = arith.constant 0 : i32
    %c0_i32_0 = arith.constant 0 : i32
    %c0_i32_1 = arith.constant 0 : i32
    return %arg0, %c0_i32, %c0_i32_0 : i32, i32, i32
  }
  func.func @transform_1(%arg0: i32) -> (i32, i32, i32) {
    %c0_i32 = arith.constant 0 : i32
    %c0_i32_0 = arith.constant 0 : i32
    %c0_i32_1 = arith.constant 0 : i32
    return %arg0, %c0_i32, %c0_i32_0 : i32, i32, i32
  }
  func.func @transform_2(%arg0: i32) -> (i32, i32, i32) {
    %c0_i32 = arith.constant 0 : i32
    %c0_i32_0 = arith.constant 0 : i32
    %c0_i32_1 = arith.constant 0 : i32
    return %arg0, %c0_i32, %c0_i32_0 : i32, i32, i32
  }
  func.func @transform_3(%arg0: i32) -> (i32, i32, i32) {
    %c0_i32 = arith.constant 0 : i32
    %c0_i32_0 = arith.constant 0 : i32
    %c0_i32_1 = arith.constant 0 : i32
    return %arg0, %c0_i32, %c0_i32_0 : i32, i32, i32
  }
}

module attributes {stable_mosaic.version = 14 : i64} {
  func.func @_nms_body_fast(%arg0: memref<16x80x256xf32, #tpu.memory_space<vmem>>, %arg1: memref<16x256x4xf32, #tpu.memory_space<vmem>>, %arg2: memref<16x100x8xf32, #tpu.memory_space<vmem>>) attributes {dimension_semantics = [], scalar_prefetch = 0 : i64, scratch_operands = 0 : i64, tpu.core_type = #tpu.core_type<tc>} {
    %get3A = arith.constant 0 : index
    %get3A_0 = arith.constant 0 : index
    %get3A_1 = arith.constant 0 : index
    %get3A_2 = vector.load %arg0[%get3A, %get3A_0, %get3A_1] : memref<16x80x256xf32, #tpu.memory_space<vmem>>, vector<16x80x256xf32>
    %iota3A = tpu.iota {dimensions = array<i32: 1>} : vector<16x80x256xi32>
    %iota3A_3 = tpu.iota {dimensions = array<i32: 1>} : vector<16x8x256xi32>
    %broadcast_in_dim3A = arith.constant 0.000000e+00 : f32
    %broadcast_in_dim3A_4 = vector.broadcast %broadcast_in_dim3A : f32 to vector<16x8x256xf32>
    %broadcast_in_dim3A_5 = arith.constant 0 : i32
    %broadcast_in_dim3A_6 = vector.broadcast %broadcast_in_dim3A_5 : i32 to vector<16x8x256xi32>
    %scan3A = arith.constant 0 : i32
    %scan3A_7 = arith.constant 8 : i32
    %scan3A_8 = arith.addi %scan3A, %scan3A_7 : i32
    %scan3A_9 = arith.constant 1 : i32
    %scan3A_10:3 = scf.for %scan3A_1835 = %scan3A to %scan3A_8 step %scan3A_9 iter_args(%scan3A_1836 = %get3A_2, %scan3A_1837 = %broadcast_in_dim3A_4, %scan3A_1838 = %broadcast_in_dim3A_6) -> (vector<16x80x256xf32>, vector<16x8x256xf32>, vector<16x8x256xi32>)  : i32 {
      %reduce_max3A_1839 = arith.constant dense<0xFF800000> : vector<16x256xf32>
      %reduce_max3A_1840 = vector.multi_reduction <maximumf>, %scan3A_1836, %reduce_max3A_1839 [1] : vector<16x80x256xf32> to vector<16x256xf32>
      %broadcast_in_dim3A_1841 = vector.shape_cast %reduce_max3A_1840 : vector<16x256xf32> to vector<16x1x256xf32>
      %eq3A_1842 = vector.broadcast %broadcast_in_dim3A_1841 : vector<16x1x256xf32> to vector<16x80x256xf32>
      %eq3A_1843 = arith.cmpf oeq, %scan3A_1836, %eq3A_1842 : vector<16x80x256xf32>
      %jit3A = arith.constant 1073741824 : i32
      %broadcast_in_dim3A_1844 = vector.broadcast %jit3A : i32 to vector<16x80x256xi32>
      %select_n3A = arith.select %eq3A_1843, %iota3A, %broadcast_in_dim3A_1844 : vector<16x80x256xi1>, vector<16x80x256xi32>
      %reduce_min3A = arith.constant dense<2147483647> : vector<16x256xi32>
      %reduce_min3A_1845 = vector.multi_reduction <minsi>, %select_n3A, %reduce_min3A [1] : vector<16x80x256xi32> to vector<16x256xi32>
      %broadcast_in_dim3A_1846 = vector.shape_cast %reduce_min3A_1845 : vector<16x256xi32> to vector<16x1x256xi32>
      %eq3A_1847 = vector.broadcast %scan3A_1835 : i32 to vector<16x8x256xi32>
      %eq3A_1848 = arith.cmpi eq, %iota3A_3, %eq3A_1847 : vector<16x8x256xi32>
      %jit3A_1849 = arith.constant 0.000000e+00 : f32
      %broadcast_in_dim3A_1850 = vector.shape_cast %broadcast_in_dim3A_1841 : vector<16x1x256xf32> to vector<16x1x256xf32>
      %broadcast_in_dim3A_1851 = vector.broadcast %broadcast_in_dim3A_1850 : vector<16x1x256xf32> to vector<16x8x256xf32>
      %broadcast_in_dim3A_1852 = vector.broadcast %jit3A_1849 : f32 to vector<16x8x256xf32>
      %select_n3A_1853 = arith.select %eq3A_1848, %broadcast_in_dim3A_1851, %broadcast_in_dim3A_1852 : vector<16x8x256xi1>, vector<16x8x256xf32>
      %add3A_1854 = arith.addf %scan3A_1837, %select_n3A_1853 : vector<16x8x256xf32>
      %eq3A_1855 = vector.broadcast %scan3A_1835 : i32 to vector<16x8x256xi32>
      %eq3A_1856 = arith.cmpi eq, %iota3A_3, %eq3A_1855 : vector<16x8x256xi32>
      %jit3A_1857 = arith.constant 0 : i32
      %broadcast_in_dim3A_1858 = vector.shape_cast %broadcast_in_dim3A_1846 : vector<16x1x256xi32> to vector<16x1x256xi32>
      %broadcast_in_dim3A_1859 = vector.broadcast %broadcast_in_dim3A_1858 : vector<16x1x256xi32> to vector<16x8x256xi32>
      %broadcast_in_dim3A_1860 = vector.broadcast %jit3A_1857 : i32 to vector<16x8x256xi32>
      %select_n3A_1861 = arith.select %eq3A_1856, %broadcast_in_dim3A_1859, %broadcast_in_dim3A_1860 : vector<16x8x256xi1>, vector<16x8x256xi32>
      %add3A_1862 = arith.addi %scan3A_1838, %select_n3A_1861 : vector<16x8x256xi32>
      %eq3A_1863 = vector.broadcast %broadcast_in_dim3A_1846 : vector<16x1x256xi32> to vector<16x80x256xi32>
      %eq3A_1864 = arith.cmpi eq, %iota3A, %eq3A_1863 : vector<16x80x256xi32>
      %jit3A_1865 = arith.constant -1.000000e+00 : f32
      %broadcast_in_dim3A_1866 = vector.broadcast %jit3A_1865 : f32 to vector<16x80x256xf32>
      %select_n3A_1867 = arith.select %eq3A_1864, %broadcast_in_dim3A_1866, %scan3A_1836 : vector<16x80x256xi1>, vector<16x80x256xf32>
      scf.yield %select_n3A_1867, %add3A_1854, %add3A_1862 : vector<16x80x256xf32>, vector<16x8x256xf32>, vector<16x8x256xi32>
    }
    %scan3A_11 = arith.constant 8 : i32
    %iota3A_12 = tpu.iota {dimensions = array<i32: 1>} : vector<16x8x256xi32>
    %mul3A = arith.constant 256 : i32
    %mul3A_13 = vector.broadcast %mul3A : i32 to vector<16x8x256xi32>
    %mul3A_14 = arith.muli %iota3A_12, %mul3A_13 : vector<16x8x256xi32>
    %iota3A_15 = tpu.iota {dimensions = array<i32: 2>} : vector<16x8x256xi32>
    %add3A = arith.addi %mul3A_14, %iota3A_15 : vector<16x8x256xi32>
    %iota3A_16 = tpu.iota {dimensions = array<i32: 1>} : vector<16x256xi32>
    %broadcast_in_dim3A_17 = arith.constant 0.000000e+00 : f32
    %broadcast_in_dim3A_18 = vector.broadcast %broadcast_in_dim3A_17 : f32 to vector<16x256xf32>
    %broadcast_in_dim3A_19 = arith.constant 0 : i32
    %broadcast_in_dim3A_20 = vector.broadcast %broadcast_in_dim3A_19 : i32 to vector<16x256xi32>
    %scan3A_21 = arith.constant 0 : i32
    %scan3A_22 = arith.constant 256 : i32
    %scan3A_23 = arith.addi %scan3A_21, %scan3A_22 : i32
    %scan3A_24 = arith.constant 1 : i32
    %scan3A_25:4 = scf.for %scan3A_1835 = %scan3A_21 to %scan3A_23 step %scan3A_24 iter_args(%scan3A_1836 = %scan3A_10#1, %scan3A_1837 = %broadcast_in_dim3A_18, %scan3A_1838 = %broadcast_in_dim3A_20, %scan3A_1839 = %broadcast_in_dim3A_20) -> (vector<16x8x256xf32>, vector<16x256xf32>, vector<16x256xi32>, vector<16x256xi32>)  : i32 {
      %reduce_max3A_1840 = arith.constant dense<0xFF800000> : vector<16x256xf32>
      %reduce_max3A_1841 = vector.multi_reduction <maximumf>, %scan3A_1836, %reduce_max3A_1840 [1] : vector<16x8x256xf32> to vector<16x256xf32>
      %broadcast_in_dim3A_1842 = vector.shape_cast %reduce_max3A_1841 : vector<16x256xf32> to vector<16x1x256xf32>
      %reduce_max3A_1843 = arith.constant dense<0xFF800000> : vector<16x1xf32>
      %reduce_max3A_1844 = vector.multi_reduction <maximumf>, %broadcast_in_dim3A_1842, %reduce_max3A_1843 [2] : vector<16x1x256xf32> to vector<16x1xf32>
      %broadcast_in_dim3A_1845 = vector.shape_cast %reduce_max3A_1844 : vector<16x1xf32> to vector<16x1x1xf32>
      %eq3A_1846 = vector.broadcast %broadcast_in_dim3A_1845 : vector<16x1x1xf32> to vector<16x8x256xf32>
      %eq3A_1847 = arith.cmpf oeq, %scan3A_1836, %eq3A_1846 : vector<16x8x256xf32>
      %jit3A = arith.constant 1073741824 : i32
      %broadcast_in_dim3A_1848 = vector.broadcast %jit3A : i32 to vector<16x8x256xi32>
      %select_n3A = arith.select %eq3A_1847, %add3A, %broadcast_in_dim3A_1848 : vector<16x8x256xi1>, vector<16x8x256xi32>
      %reduce_min3A = arith.constant dense<2147483647> : vector<16x256xi32>
      %reduce_min3A_1849 = vector.multi_reduction <minsi>, %select_n3A, %reduce_min3A [1] : vector<16x8x256xi32> to vector<16x256xi32>
      %broadcast_in_dim3A_1850 = vector.shape_cast %reduce_min3A_1849 : vector<16x256xi32> to vector<16x1x256xi32>
      %reduce_min3A_1851 = arith.constant dense<2147483647> : vector<16x1xi32>
      %reduce_min3A_1852 = vector.multi_reduction <minsi>, %broadcast_in_dim3A_1850, %reduce_min3A_1851 [2] : vector<16x1x256xi32> to vector<16x1xi32>
      %broadcast_in_dim3A_1853 = vector.shape_cast %reduce_min3A_1852 : vector<16x1xi32> to vector<16x1x1xi32>
      %jit3A_1854 = arith.constant 256 : i32
      %eq3A_1855 = arith.constant 0 : i32
      %eq3A_1856 = arith.cmpi eq, %jit3A_1854, %eq3A_1855 : i32
      %jit3A_1857 = arith.constant 1 : i32
      %select_n3A_1858 = arith.select %eq3A_1856, %jit3A_1857, %jit3A_1854 : i32
      %rem3A = vector.broadcast %select_n3A_1858 : i32 to vector<16x1x1xi32>
      %rem3A_1859 = arith.remsi %broadcast_in_dim3A_1853, %rem3A : vector<16x1x1xi32>
      %ne3A = arith.constant 0 : i32
      %ne3A_1860 = vector.broadcast %ne3A : i32 to vector<16x1x1xi32>
      %ne3A_1861 = arith.cmpi ne, %rem3A_1859, %ne3A_1860 : vector<16x1x1xi32>
      %lt3A_1862 = arith.constant 0 : i32
      %lt3A_1863 = vector.broadcast %lt3A_1862 : i32 to vector<16x1x1xi32>
      %lt3A_1864 = arith.cmpi slt, %rem3A_1859, %lt3A_1863 : vector<16x1x1xi32>
      %lt3A_1865 = arith.constant 0 : i32
      %lt3A_1866 = arith.cmpi slt, %select_n3A_1858, %lt3A_1865 : i32
      %ne3A_1867 = vector.broadcast %lt3A_1866 : i1 to vector<16x1x1xi1>
      %ne3A_1868 = vector.broadcast %ne3A_1867 : vector<16x1x1xi1> to vector<16x1x1xi1>
      %ne3A_1869 = arith.xori %lt3A_1864, %ne3A_1868 : vector<16x1x1xi1>
      %and3A = arith.andi %ne3A_1869, %ne3A_1861 : vector<16x1x1xi1>
      %add3A_1870 = vector.broadcast %select_n3A_1858 : i32 to vector<16x1x1xi32>
      %add3A_1871 = arith.addi %rem3A_1859, %add3A_1870 : vector<16x1x1xi32>
      %select_n3A_1872 = arith.select %and3A, %add3A_1871, %rem3A_1859 : vector<16x1x1xi1>, vector<16x1x1xi32>
      %eq3A_1873 = vector.broadcast %broadcast_in_dim3A_1853 : vector<16x1x1xi32> to vector<16x8x256xi32>
      %eq3A_1874 = arith.cmpi eq, %add3A, %eq3A_1873 : vector<16x8x256xi32>
      %jit3A_1875 = arith.constant -1 : i32
      %broadcast_in_dim3A_1876 = vector.broadcast %jit3A_1875 : i32 to vector<16x8x256xi32>
      %select_n3A_1877 = arith.select %eq3A_1874, %scan3A_10#2, %broadcast_in_dim3A_1876 : vector<16x8x256xi1>, vector<16x8x256xi32>
      %reduce_max3A_1878 = arith.constant dense<-2147483648> : vector<16x256xi32>
      %reduce_max3A_1879 = vector.multi_reduction <maxsi>, %select_n3A_1877, %reduce_max3A_1878 [1] : vector<16x8x256xi32> to vector<16x256xi32>
      %broadcast_in_dim3A_1880 = vector.shape_cast %reduce_max3A_1879 : vector<16x256xi32> to vector<16x1x256xi32>
      %reduce_max3A_1881 = arith.constant dense<-2147483648> : vector<16x1xi32>
      %reduce_max3A_1882 = vector.multi_reduction <maxsi>, %broadcast_in_dim3A_1880, %reduce_max3A_1881 [2] : vector<16x1x256xi32> to vector<16x1xi32>
      %broadcast_in_dim3A_1883 = vector.shape_cast %reduce_max3A_1882 : vector<16x1xi32> to vector<16x1x1xi32>
      %eq3A_1884 = vector.broadcast %scan3A_1835 : i32 to vector<16x256xi32>
      %eq3A_1885 = arith.cmpi eq, %iota3A_16, %eq3A_1884 : vector<16x256xi32>
      %squeeze3A_1886 = vector.shape_cast %broadcast_in_dim3A_1845 : vector<16x1x1xf32> to vector<16x1xf32>
      %jit3A_1887 = arith.constant 0.000000e+00 : f32
      %broadcast_in_dim3A_1888 = vector.shape_cast %squeeze3A_1886 : vector<16x1xf32> to vector<16x1xf32>
      %broadcast_in_dim3A_1889 = vector.broadcast %broadcast_in_dim3A_1888 : vector<16x1xf32> to vector<16x256xf32>
      %broadcast_in_dim3A_1890 = vector.broadcast %jit3A_1887 : f32 to vector<16x256xf32>
      %select_n3A_1891 = arith.select %eq3A_1885, %broadcast_in_dim3A_1889, %broadcast_in_dim3A_1890 : vector<16x256xi1>, vector<16x256xf32>
      %add3A_1892 = arith.addf %scan3A_1837, %select_n3A_1891 : vector<16x256xf32>
      %squeeze3A_1893 = vector.shape_cast %select_n3A_1872 : vector<16x1x1xi32> to vector<16x1xi32>
      %jit3A_1894 = arith.constant 0 : i32
      %broadcast_in_dim3A_1895 = vector.shape_cast %squeeze3A_1893 : vector<16x1xi32> to vector<16x1xi32>
      %broadcast_in_dim3A_1896 = vector.broadcast %broadcast_in_dim3A_1895 : vector<16x1xi32> to vector<16x256xi32>
      %broadcast_in_dim3A_1897 = vector.broadcast %jit3A_1894 : i32 to vector<16x256xi32>
      %select_n3A_1898 = arith.select %eq3A_1885, %broadcast_in_dim3A_1896, %broadcast_in_dim3A_1897 : vector<16x256xi1>, vector<16x256xi32>
      %add3A_1899 = arith.addi %scan3A_1838, %select_n3A_1898 : vector<16x256xi32>
      %squeeze3A_1900 = vector.shape_cast %broadcast_in_dim3A_1883 : vector<16x1x1xi32> to vector<16x1xi32>
      %jit3A_1901 = arith.constant 0 : i32
      %broadcast_in_dim3A_1902 = vector.shape_cast %squeeze3A_1900 : vector<16x1xi32> to vector<16x1xi32>
      %broadcast_in_dim3A_1903 = vector.broadcast %broadcast_in_dim3A_1902 : vector<16x1xi32> to vector<16x256xi32>
      %broadcast_in_dim3A_1904 = vector.broadcast %jit3A_1901 : i32 to vector<16x256xi32>
      %select_n3A_1905 = arith.select %eq3A_1885, %broadcast_in_dim3A_1903, %broadcast_in_dim3A_1904 : vector<16x256xi1>, vector<16x256xi32>
      %add3A_1906 = arith.addi %scan3A_1839, %select_n3A_1905 : vector<16x256xi32>
      %eq3A_1907 = vector.broadcast %broadcast_in_dim3A_1853 : vector<16x1x1xi32> to vector<16x8x256xi32>
      %eq3A_1908 = arith.cmpi eq, %add3A, %eq3A_1907 : vector<16x8x256xi32>
      %jit3A_1909 = arith.constant -1.000000e+00 : f32
      %broadcast_in_dim3A_1910 = vector.broadcast %jit3A_1909 : f32 to vector<16x8x256xf32>
      %select_n3A_1911 = arith.select %eq3A_1908, %broadcast_in_dim3A_1910, %scan3A_1836 : vector<16x8x256xi1>, vector<16x8x256xf32>
      scf.yield %select_n3A_1911, %add3A_1892, %add3A_1899, %add3A_1906 : vector<16x8x256xf32>, vector<16x256xf32>, vector<16x256xi32>, vector<16x256xi32>
    }
    %scan3A_26 = arith.constant 256 : i32
    %reduce_max3A = arith.constant dense<0xFF800000> : vector<16x256xf32>
    %reduce_max3A_27 = vector.multi_reduction <maximumf>, %scan3A_10#0, %reduce_max3A [1] : vector<16x80x256xf32> to vector<16x256xf32>
    %broadcast_in_dim3A_28 = vector.shape_cast %reduce_max3A_27 : vector<16x256xf32> to vector<16x1x256xf32>
    %squeeze3A = vector.shape_cast %broadcast_in_dim3A_28 : vector<16x1x256xf32> to vector<16x256xf32>
    %slice3A = vector.extract_strided_slice %scan3A_25#1 {offsets = [0, 255], sizes = [16, 1], strides = [1, 1]} : vector<16x256xf32> to vector<16x1xf32>
    %ge3A = vector.broadcast %slice3A : vector<16x1xf32> to vector<16x256xf32>
    %ge3A_29 = arith.cmpf oge, %squeeze3A, %ge3A : vector<16x256xf32>
    %reduce_or3A = arith.constant 1.000000e+00 : f32
    %reduce_or3A_30 = arith.constant 0.000000e+00 : f32
    %reduce_or3A_31 = vector.broadcast %reduce_or3A : f32 to vector<16x256xf32>
    %reduce_or3A_32 = vector.broadcast %reduce_or3A_30 : f32 to vector<16x256xf32>
    %reduce_or3A_33 = arith.select %ge3A_29, %reduce_or3A_31, %reduce_or3A_32 : vector<16x256xi1>, vector<16x256xf32>
    %reduce_or3A_34 = vector.shape_cast %reduce_or3A_33 : vector<16x256xf32> to vector<1x16x256xf32>
    %reduce_or3A_35 = arith.constant dense<0xFF800000> : vector<1xf32>
    %reduce_or3A_36 = vector.multi_reduction <maximumf>, %reduce_or3A_34, %reduce_or3A_35 [1, 2] : vector<1x16x256xf32> to vector<1xf32>
    %reduce_or3A_37 = vector.shape_cast %reduce_or3A_36 : vector<1xf32> to vector<1x1x1xf32>
    %reduce_or3A_38 = vector.extract %reduce_or3A_37[0, 0, 0] : f32 from vector<1x1x1xf32>
    %reduce_or3A_39 = arith.constant 0.000000e+00 : f32
    %reduce_or3A_40 = arith.cmpf ogt, %reduce_or3A_38, %reduce_or3A_39 : f32
    %while3A:4 = scf.while (%while3A_1835 = %reduce_or3A_40, %while3A_1836 = %scan3A_25#1, %while3A_1837 = %scan3A_25#2, %while3A_1838 = %scan3A_25#3) : (i1, vector<16x256xf32>, vector<16x256xi32>, vector<16x256xi32>) -> (i1, vector<16x256xf32>, vector<16x256xi32>, vector<16x256xi32>) {
      scf.condition(%while3A_1835) %while3A_1835, %while3A_1836, %while3A_1837, %while3A_1838 : i1, vector<16x256xf32>, vector<16x256xi32>, vector<16x256xi32>
    } do {
    ^bb0(%while3A_1835: i1, %while3A_1836: vector<16x256xf32>, %while3A_1837: vector<16x256xi32>, %while3A_1838: vector<16x256xi32>):
      %iota3A_1839 = tpu.iota {dimensions = array<i32: 1>} : vector<16x80x256xi32>
      %mul3A_1840 = arith.constant 256 : i32
      %mul3A_1841 = vector.broadcast %mul3A_1840 : i32 to vector<16x80x256xi32>
      %mul3A_1842 = arith.muli %iota3A_1839, %mul3A_1841 : vector<16x80x256xi32>
      %iota3A_1843 = tpu.iota {dimensions = array<i32: 2>} : vector<16x80x256xi32>
      %add3A_1844 = arith.addi %mul3A_1842, %iota3A_1843 : vector<16x80x256xi32>
      %iota3A_1845 = tpu.iota {dimensions = array<i32: 1>} : vector<16x256xi32>
      %iota3A_1846 = tpu.iota {dimensions = array<i32: 1>} : vector<16x256xi32>
      %broadcast_in_dim3A_1847 = arith.constant 0.000000e+00 : f32
      %broadcast_in_dim3A_1848 = vector.broadcast %broadcast_in_dim3A_1847 : f32 to vector<16x256xf32>
      %broadcast_in_dim3A_1849 = arith.constant 0 : i32
      %broadcast_in_dim3A_1850 = vector.broadcast %broadcast_in_dim3A_1849 : i32 to vector<16x256xi32>
      %scan3A_1851 = arith.constant 0 : i32
      %scan3A_1852 = arith.constant 256 : i32
      %scan3A_1853 = arith.addi %scan3A_1851, %scan3A_1852 : i32
      %scan3A_1854 = arith.constant 1 : i32
      %scan3A_1855:5 = scf.for %scan3A_1858 = %scan3A_1851 to %scan3A_1853 step %scan3A_1854 iter_args(%scan3A_1859 = %get3A_2, %scan3A_1860 = %broadcast_in_dim3A_1848, %scan3A_1861 = %broadcast_in_dim3A_1850, %scan3A_1862 = %broadcast_in_dim3A_1850, %scan3A_1863 = %broadcast_in_dim3A_1850) -> (vector<16x80x256xf32>, vector<16x256xf32>, vector<16x256xi32>, vector<16x256xi32>, vector<16x256xi32>)  : i32 {
        %reduce_max3A_1864 = arith.constant dense<0xFF800000> : vector<16x256xf32>
        %reduce_max3A_1865 = vector.multi_reduction <maximumf>, %scan3A_1859, %reduce_max3A_1864 [1] : vector<16x80x256xf32> to vector<16x256xf32>
        %broadcast_in_dim3A_1866 = vector.shape_cast %reduce_max3A_1865 : vector<16x256xf32> to vector<16x1x256xf32>
        %reduce_max3A_1867 = arith.constant dense<0xFF800000> : vector<16x1xf32>
        %reduce_max3A_1868 = vector.multi_reduction <maximumf>, %broadcast_in_dim3A_1866, %reduce_max3A_1867 [2] : vector<16x1x256xf32> to vector<16x1xf32>
        %broadcast_in_dim3A_1869 = vector.shape_cast %reduce_max3A_1868 : vector<16x1xf32> to vector<16x1x1xf32>
        %eq3A_1870 = vector.broadcast %broadcast_in_dim3A_1869 : vector<16x1x1xf32> to vector<16x80x256xf32>
        %eq3A_1871 = arith.cmpf oeq, %scan3A_1859, %eq3A_1870 : vector<16x80x256xf32>
        %jit3A = arith.constant 1073741824 : i32
        %broadcast_in_dim3A_1872 = vector.broadcast %jit3A : i32 to vector<16x80x256xi32>
        %select_n3A = arith.select %eq3A_1871, %add3A_1844, %broadcast_in_dim3A_1872 : vector<16x80x256xi1>, vector<16x80x256xi32>
        %reduce_min3A = arith.constant dense<2147483647> : vector<16x256xi32>
        %reduce_min3A_1873 = vector.multi_reduction <minsi>, %select_n3A, %reduce_min3A [1] : vector<16x80x256xi32> to vector<16x256xi32>
        %broadcast_in_dim3A_1874 = vector.shape_cast %reduce_min3A_1873 : vector<16x256xi32> to vector<16x1x256xi32>
        %reduce_min3A_1875 = arith.constant dense<2147483647> : vector<16x1xi32>
        %reduce_min3A_1876 = vector.multi_reduction <minsi>, %broadcast_in_dim3A_1874, %reduce_min3A_1875 [2] : vector<16x1x256xi32> to vector<16x1xi32>
        %broadcast_in_dim3A_1877 = vector.shape_cast %reduce_min3A_1876 : vector<16x1xi32> to vector<16x1x1xi32>
        %jit3A_1878 = arith.constant 256 : i32
        %eq3A_1879 = arith.constant 0 : i32
        %eq3A_1880 = arith.cmpi eq, %jit3A_1878, %eq3A_1879 : i32
        %jit3A_1881 = arith.constant 1 : i32
        %select_n3A_1882 = arith.select %eq3A_1880, %jit3A_1881, %jit3A_1878 : i32
        %rem3A = vector.broadcast %select_n3A_1882 : i32 to vector<16x1x1xi32>
        %rem3A_1883 = arith.remsi %broadcast_in_dim3A_1877, %rem3A : vector<16x1x1xi32>
        %ne3A = arith.constant 0 : i32
        %ne3A_1884 = vector.broadcast %ne3A : i32 to vector<16x1x1xi32>
        %ne3A_1885 = arith.cmpi ne, %rem3A_1883, %ne3A_1884 : vector<16x1x1xi32>
        %lt3A_1886 = arith.constant 0 : i32
        %lt3A_1887 = vector.broadcast %lt3A_1886 : i32 to vector<16x1x1xi32>
        %lt3A_1888 = arith.cmpi slt, %rem3A_1883, %lt3A_1887 : vector<16x1x1xi32>
        %lt3A_1889 = arith.constant 0 : i32
        %lt3A_1890 = arith.cmpi slt, %select_n3A_1882, %lt3A_1889 : i32
        %ne3A_1891 = vector.broadcast %lt3A_1890 : i1 to vector<16x1x1xi1>
        %ne3A_1892 = vector.broadcast %ne3A_1891 : vector<16x1x1xi1> to vector<16x1x1xi1>
        %ne3A_1893 = arith.xori %lt3A_1888, %ne3A_1892 : vector<16x1x1xi1>
        %and3A = arith.andi %ne3A_1893, %ne3A_1885 : vector<16x1x1xi1>
        %add3A_1894 = vector.broadcast %select_n3A_1882 : i32 to vector<16x1x1xi32>
        %add3A_1895 = arith.addi %rem3A_1883, %add3A_1894 : vector<16x1x1xi32>
        %select_n3A_1896 = arith.select %and3A, %add3A_1895, %rem3A_1883 : vector<16x1x1xi1>, vector<16x1x1xi32>
        %jit3A_1897 = arith.constant 256 : i32
        %div3A_1898 = vector.broadcast %jit3A_1897 : i32 to vector<16x1x1xi32>
        %div3A_1899 = arith.divsi %broadcast_in_dim3A_1877, %div3A_1898 : vector<16x1x1xi32>
        %sign3A = arith.constant 0 : i32
        %sign3A_1900 = vector.broadcast %sign3A : i32 to vector<16x1x1xi32>
        %sign3A_1901 = arith.cmpi sgt, %broadcast_in_dim3A_1877, %sign3A_1900 : vector<16x1x1xi32>
        %sign3A_1902 = arith.extui %sign3A_1901 : vector<16x1x1xi1> to vector<16x1x1xi32>
        %sign3A_1903 = arith.constant 0 : i32
        %sign3A_1904 = vector.broadcast %sign3A_1903 : i32 to vector<16x1x1xi32>
        %sign3A_1905 = arith.cmpi slt, %broadcast_in_dim3A_1877, %sign3A_1904 : vector<16x1x1xi32>
        %sign3A_1906 = arith.extui %sign3A_1905 : vector<16x1x1xi1> to vector<16x1x1xi32>
        %sign3A_1907 = arith.subi %sign3A_1902, %sign3A_1906 : vector<16x1x1xi32>
        %sign3A_1908 = arith.constant 0 : i32
        %sign3A_1909 = arith.cmpi sgt, %jit3A_1897, %sign3A_1908 : i32
        %sign3A_1910 = arith.extui %sign3A_1909 : i1 to i32
        %sign3A_1911 = arith.constant 0 : i32
        %sign3A_1912 = arith.cmpi slt, %jit3A_1897, %sign3A_1911 : i32
        %sign3A_1913 = arith.extui %sign3A_1912 : i1 to i32
        %sign3A_1914 = arith.subi %sign3A_1910, %sign3A_1913 : i32
        %ne3A_1915 = vector.broadcast %sign3A_1914 : i32 to vector<16x1x1xi32>
        %ne3A_1916 = arith.cmpi ne, %sign3A_1907, %ne3A_1915 : vector<16x1x1xi32>
        %rem3A_1917 = vector.broadcast %jit3A_1897 : i32 to vector<16x1x1xi32>
        %rem3A_1918 = arith.remsi %broadcast_in_dim3A_1877, %rem3A_1917 : vector<16x1x1xi32>
        %ne3A_1919 = arith.constant 0 : i32
        %ne3A_1920 = vector.broadcast %ne3A_1919 : i32 to vector<16x1x1xi32>
        %ne3A_1921 = arith.cmpi ne, %rem3A_1918, %ne3A_1920 : vector<16x1x1xi32>
        %and3A_1922 = arith.andi %ne3A_1916, %ne3A_1921 : vector<16x1x1xi1>
        %sub3A_1923 = arith.constant 1 : i32
        %sub3A_1924 = vector.broadcast %sub3A_1923 : i32 to vector<16x1x1xi32>
        %sub3A_1925 = arith.subi %div3A_1899, %sub3A_1924 : vector<16x1x1xi32>
        %select_n3A_1926 = arith.select %and3A_1922, %sub3A_1925, %div3A_1899 : vector<16x1x1xi1>, vector<16x1x1xi32>
        %eq3A_1927 = vector.broadcast %scan3A_1858 : i32 to vector<16x256xi32>
        %eq3A_1928 = arith.cmpi eq, %iota3A_1845, %eq3A_1927 : vector<16x256xi32>
        %squeeze3A_1929 = vector.shape_cast %broadcast_in_dim3A_1869 : vector<16x1x1xf32> to vector<16x1xf32>
        %jit3A_1930 = arith.constant 0.000000e+00 : f32
        %broadcast_in_dim3A_1931 = vector.shape_cast %squeeze3A_1929 : vector<16x1xf32> to vector<16x1xf32>
        %broadcast_in_dim3A_1932 = vector.broadcast %broadcast_in_dim3A_1931 : vector<16x1xf32> to vector<16x256xf32>
        %broadcast_in_dim3A_1933 = vector.broadcast %jit3A_1930 : f32 to vector<16x256xf32>
        %select_n3A_1934 = arith.select %eq3A_1928, %broadcast_in_dim3A_1932, %broadcast_in_dim3A_1933 : vector<16x256xi1>, vector<16x256xf32>
        %add3A_1935 = arith.addf %scan3A_1860, %select_n3A_1934 : vector<16x256xf32>
        %squeeze3A_1936 = vector.shape_cast %select_n3A_1896 : vector<16x1x1xi32> to vector<16x1xi32>
        %jit3A_1937 = arith.constant 0 : i32
        %broadcast_in_dim3A_1938 = vector.shape_cast %squeeze3A_1936 : vector<16x1xi32> to vector<16x1xi32>
        %broadcast_in_dim3A_1939 = vector.broadcast %broadcast_in_dim3A_1938 : vector<16x1xi32> to vector<16x256xi32>
        %broadcast_in_dim3A_1940 = vector.broadcast %jit3A_1937 : i32 to vector<16x256xi32>
        %select_n3A_1941 = arith.select %eq3A_1928, %broadcast_in_dim3A_1939, %broadcast_in_dim3A_1940 : vector<16x256xi1>, vector<16x256xi32>
        %add3A_1942 = arith.addi %scan3A_1861, %select_n3A_1941 : vector<16x256xi32>
        %squeeze3A_1943 = vector.shape_cast %select_n3A_1926 : vector<16x1x1xi32> to vector<16x1xi32>
        %jit3A_1944 = arith.constant 0 : i32
        %broadcast_in_dim3A_1945 = vector.shape_cast %squeeze3A_1943 : vector<16x1xi32> to vector<16x1xi32>
        %broadcast_in_dim3A_1946 = vector.broadcast %broadcast_in_dim3A_1945 : vector<16x1xi32> to vector<16x256xi32>
        %broadcast_in_dim3A_1947 = vector.broadcast %jit3A_1944 : i32 to vector<16x256xi32>
        %select_n3A_1948 = arith.select %eq3A_1928, %broadcast_in_dim3A_1946, %broadcast_in_dim3A_1947 : vector<16x256xi1>, vector<16x256xi32>
        %add3A_1949 = arith.addi %scan3A_1862, %select_n3A_1948 : vector<16x256xi32>
        %squeeze3A_1950 = vector.shape_cast %select_n3A_1896 : vector<16x1x1xi32> to vector<16x1xi32>
        %eq3A_1951 = vector.broadcast %squeeze3A_1950 : vector<16x1xi32> to vector<16x256xi32>
        %eq3A_1952 = arith.cmpi eq, %iota3A_1846, %eq3A_1951 : vector<16x256xi32>
        %jit3A_1953 = arith.constant 1 : i32
        %jit3A_1954 = arith.constant 0 : i32
        %broadcast_in_dim3A_1955 = vector.broadcast %jit3A_1953 : i32 to vector<16x256xi32>
        %broadcast_in_dim3A_1956 = vector.broadcast %jit3A_1954 : i32 to vector<16x256xi32>
        %select_n3A_1957 = arith.select %eq3A_1952, %broadcast_in_dim3A_1955, %broadcast_in_dim3A_1956 : vector<16x256xi1>, vector<16x256xi32>
        %add3A_1958 = arith.addi %scan3A_1863, %select_n3A_1957 : vector<16x256xi32>
        %eq3A_1959 = vector.broadcast %broadcast_in_dim3A_1877 : vector<16x1x1xi32> to vector<16x80x256xi32>
        %eq3A_1960 = arith.cmpi eq, %add3A_1844, %eq3A_1959 : vector<16x80x256xi32>
        %jit3A_1961 = arith.constant -1.000000e+00 : f32
        %broadcast_in_dim3A_1962 = vector.broadcast %jit3A_1961 : f32 to vector<16x80x256xf32>
        %select_n3A_1963 = arith.select %eq3A_1960, %broadcast_in_dim3A_1962, %scan3A_1859 : vector<16x80x256xi1>, vector<16x80x256xf32>
        scf.yield %select_n3A_1963, %add3A_1935, %add3A_1942, %add3A_1949, %add3A_1958 : vector<16x80x256xf32>, vector<16x256xf32>, vector<16x256xi32>, vector<16x256xi32>, vector<16x256xi32>
      }
      %scan3A_1856 = arith.constant 256 : i32
      %while3A_1857 = arith.constant false
      scf.yield %while3A_1857, %scan3A_1855#1, %scan3A_1855#2, %scan3A_1855#3 : i1, vector<16x256xf32>, vector<16x256xi32>, vector<16x256xi32>
    }
    %convert_element_type3A = arith.sitofp %while3A#3 : vector<16x256xi32> to vector<16x256xf32>
    %convert_element_type3A_41 = arith.sitofp %while3A#2 : vector<16x256xi32> to vector<16x256xf32>
    %iota3A_42 = tpu.iota {dimensions = array<i32: 0>} : vector<16x16xi32>
    %iota3A_43 = tpu.iota {dimensions = array<i32: 1>} : vector<16x16xi32>
    %eq3A = arith.cmpi eq, %iota3A_42, %iota3A_43 : vector<16x16xi32>
    %convert_element_type3A_44 = arith.extui %eq3A : vector<16x16xi1> to vector<16x16xi32>
    %convert_element_type3A_45 = arith.sitofp %convert_element_type3A_44 : vector<16x16xi32> to vector<16x16xf32>
    %dot_general3A = arith.constant dense<0.000000e+00> : vector<256x16xf32>
    %dot_general3A_46 = tpu.matmul %convert_element_type3A_41, %convert_element_type3A_45, %dot_general3A {dimension_numbers = #tpu.dot_dimension_numbers<[0], [0], [1], [1], [0, 1, 1, 1], [], []>, transpose_lhs_hint = false} : vector<16x256xf32>, vector<16x16xf32>, vector<256x16xf32> -> vector<256x16xf32>
    %iota3A_47 = tpu.iota {dimensions = array<i32: 0>} : vector<16x16xi32>
    %iota3A_48 = tpu.iota {dimensions = array<i32: 1>} : vector<16x16xi32>
    %eq3A_49 = arith.cmpi eq, %iota3A_47, %iota3A_48 : vector<16x16xi32>
    %convert_element_type3A_50 = arith.extui %eq3A_49 : vector<16x16xi1> to vector<16x16xi32>
    %convert_element_type3A_51 = arith.sitofp %convert_element_type3A_50 : vector<16x16xi32> to vector<16x16xf32>
    %dot_general3A_52 = arith.constant dense<0.000000e+00> : vector<256x16xf32>
    %dot_general3A_53 = tpu.matmul %convert_element_type3A, %convert_element_type3A_51, %dot_general3A_52 {dimension_numbers = #tpu.dot_dimension_numbers<[0], [0], [1], [1], [0, 1, 1, 1], [], []>, transpose_lhs_hint = false} : vector<16x256xf32>, vector<16x16xf32>, vector<256x16xf32> -> vector<256x16xf32>
    %iota3A_54 = tpu.iota {dimensions = array<i32: 0>} : vector<16x16xi32>
    %iota3A_55 = tpu.iota {dimensions = array<i32: 1>} : vector<16x16xi32>
    %eq3A_56 = arith.cmpi eq, %iota3A_54, %iota3A_55 : vector<16x16xi32>
    %convert_element_type3A_57 = arith.extui %eq3A_56 : vector<16x16xi1> to vector<16x16xi32>
    %convert_element_type3A_58 = arith.sitofp %convert_element_type3A_57 : vector<16x16xi32> to vector<16x16xf32>
    %dot_general3A_59 = arith.constant dense<0.000000e+00> : vector<256x16xf32>
    %dot_general3A_60 = tpu.matmul %while3A#1, %convert_element_type3A_58, %dot_general3A_59 {dimension_numbers = #tpu.dot_dimension_numbers<[0], [0], [1], [1], [0, 1, 1, 1], [], []>, transpose_lhs_hint = false} : vector<16x256xf32>, vector<16x16xf32>, vector<256x16xf32> -> vector<256x16xf32>
    %iota3A_61 = tpu.iota {dimensions = array<i32: 0>} : vector<256x256xi32>
    %iota3A_62 = tpu.iota {dimensions = array<i32: 1>} : vector<256x256xi32>
    %convert_element_type3A_63 = arith.sitofp %iota3A_62 : vector<256x256xi32> to vector<256x256xf32>
    %lt3A = arith.cmpi slt, %iota3A_61, %iota3A_62 : vector<256x256xi32>
    %convert_element_type3A_64 = arith.extui %lt3A : vector<256x256xi1> to vector<256x256xi32>
    %convert_element_type3A_65 = arith.sitofp %convert_element_type3A_64 : vector<256x256xi32> to vector<256x256xf32>
    %get3A_66 = arith.constant 0 : index
    %get3A_67 = arith.constant 0 : index
    %get3A_68 = arith.constant 0 : index
    %get3A_69 = vector.load %arg1[%get3A_66, %get3A_67, %get3A_68] : memref<16x256x4xf32, #tpu.memory_space<vmem>>, vector<1x256x4xf32>
    %get3A_70 = vector.shape_cast %get3A_69 : vector<1x256x4xf32> to vector<256x4xf32>
    %slice3A_71 = vector.extract_strided_slice %dot_general3A_46 {offsets = [0, 0], sizes = [256, 1], strides = [1, 1]} : vector<256x16xf32> to vector<256x1xf32>
    %eq3A_72 = vector.broadcast %slice3A_71 : vector<256x1xf32> to vector<256x256xf32>
    %eq3A_73 = arith.cmpf oeq, %eq3A_72, %convert_element_type3A_63 : vector<256x256xf32>
    %convert_element_type3A_74 = arith.extui %eq3A_73 : vector<256x256xi1> to vector<256x256xi32>
    %convert_element_type3A_75 = arith.sitofp %convert_element_type3A_74 : vector<256x256xi32> to vector<256x256xf32>
    %dot_general3A_76 = arith.constant dense<0.000000e+00> : vector<256x4xf32>
    %dot_general3A_77 = tpu.matmul %convert_element_type3A_75, %get3A_70, %dot_general3A_76 {dimension_numbers = #tpu.dot_dimension_numbers<[1], [0], [0], [1], [0, 0, 1, 1], [], []>, transpose_lhs_hint = false} : vector<256x256xf32>, vector<256x4xf32>, vector<256x4xf32> -> vector<256x4xf32>
    %iota3A_78 = tpu.iota {dimensions = array<i32: 0>} : vector<256x256xi32>
    %iota3A_79 = tpu.iota {dimensions = array<i32: 1>} : vector<256x256xi32>
    %eq3A_80 = arith.cmpi eq, %iota3A_78, %iota3A_79 : vector<256x256xi32>
    %convert_element_type3A_81 = arith.extui %eq3A_80 : vector<256x256xi1> to vector<256x256xi32>
    %convert_element_type3A_82 = arith.sitofp %convert_element_type3A_81 : vector<256x256xi32> to vector<256x256xf32>
    %dot_general3A_83 = arith.constant dense<0.000000e+00> : vector<4x256xf32>
    %dot_general3A_84 = tpu.matmul %dot_general3A_77, %convert_element_type3A_82, %dot_general3A_83 {dimension_numbers = #tpu.dot_dimension_numbers<[0], [0], [1], [1], [0, 1, 1, 1], [], []>, transpose_lhs_hint = false} : vector<256x4xf32>, vector<256x256xf32>, vector<4x256xf32> -> vector<4x256xf32>
    %slice3A_85 = vector.extract_strided_slice %dot_general3A_77 {offsets = [0, 0], sizes = [256, 1], strides = [1, 1]} : vector<256x4xf32> to vector<256x1xf32>
    %slice3A_86 = vector.extract_strided_slice %dot_general3A_77 {offsets = [0, 1], sizes = [256, 1], strides = [1, 1]} : vector<256x4xf32> to vector<256x1xf32>
    %slice3A_87 = vector.extract_strided_slice %dot_general3A_77 {offsets = [0, 2], sizes = [256, 1], strides = [1, 1]} : vector<256x4xf32> to vector<256x1xf32>
    %slice3A_88 = vector.extract_strided_slice %dot_general3A_77 {offsets = [0, 3], sizes = [256, 1], strides = [1, 1]} : vector<256x4xf32> to vector<256x1xf32>
    %slice3A_89 = vector.extract_strided_slice %dot_general3A_84 {offsets = [0, 0], sizes = [1, 256], strides = [1, 1]} : vector<4x256xf32> to vector<1x256xf32>
    %slice3A_90 = vector.extract_strided_slice %dot_general3A_84 {offsets = [1, 0], sizes = [1, 256], strides = [1, 1]} : vector<4x256xf32> to vector<1x256xf32>
    %slice3A_91 = vector.extract_strided_slice %dot_general3A_84 {offsets = [2, 0], sizes = [1, 256], strides = [1, 1]} : vector<4x256xf32> to vector<1x256xf32>
    %slice3A_92 = vector.extract_strided_slice %dot_general3A_84 {offsets = [3, 0], sizes = [1, 256], strides = [1, 1]} : vector<4x256xf32> to vector<1x256xf32>
    %sub3A = arith.subf %slice3A_87, %slice3A_85 : vector<256x1xf32>
    %max3A = arith.constant 0.000000e+00 : f32
    %max3A_93 = vector.broadcast %max3A : f32 to vector<256x1xf32>
    %max3A_94 = arith.maximumf %sub3A, %max3A_93 : vector<256x1xf32>
    %sub3A_95 = arith.subf %slice3A_88, %slice3A_86 : vector<256x1xf32>
    %max3A_96 = arith.constant 0.000000e+00 : f32
    %max3A_97 = vector.broadcast %max3A_96 : f32 to vector<256x1xf32>
    %max3A_98 = arith.maximumf %sub3A_95, %max3A_97 : vector<256x1xf32>
    %mul3A_99 = arith.mulf %max3A_94, %max3A_98 : vector<256x1xf32>
    %sub3A_100 = arith.subf %slice3A_91, %slice3A_89 : vector<1x256xf32>
    %max3A_101 = arith.constant 0.000000e+00 : f32
    %max3A_102 = vector.broadcast %max3A_101 : f32 to vector<1x256xf32>
    %max3A_103 = arith.maximumf %sub3A_100, %max3A_102 : vector<1x256xf32>
    %sub3A_104 = arith.subf %slice3A_92, %slice3A_90 : vector<1x256xf32>
    %max3A_105 = arith.constant 0.000000e+00 : f32
    %max3A_106 = vector.broadcast %max3A_105 : f32 to vector<1x256xf32>
    %max3A_107 = arith.maximumf %sub3A_104, %max3A_106 : vector<1x256xf32>
    %mul3A_108 = arith.mulf %max3A_103, %max3A_107 : vector<1x256xf32>
    %min3A = vector.broadcast %slice3A_87 : vector<256x1xf32> to vector<256x256xf32>
    %min3A_109 = vector.broadcast %slice3A_91 : vector<1x256xf32> to vector<256x256xf32>
    %min3A_110 = arith.minimumf %min3A, %min3A_109 : vector<256x256xf32>
    %max3A_111 = vector.broadcast %slice3A_85 : vector<256x1xf32> to vector<256x256xf32>
    %max3A_112 = vector.broadcast %slice3A_89 : vector<1x256xf32> to vector<256x256xf32>
    %max3A_113 = arith.maximumf %max3A_111, %max3A_112 : vector<256x256xf32>
    %sub3A_114 = arith.subf %min3A_110, %max3A_113 : vector<256x256xf32>
    %max3A_115 = arith.constant 0.000000e+00 : f32
    %max3A_116 = vector.broadcast %max3A_115 : f32 to vector<256x256xf32>
    %max3A_117 = arith.maximumf %sub3A_114, %max3A_116 : vector<256x256xf32>
    %min3A_118 = vector.broadcast %slice3A_88 : vector<256x1xf32> to vector<256x256xf32>
    %min3A_119 = vector.broadcast %slice3A_92 : vector<1x256xf32> to vector<256x256xf32>
    %min3A_120 = arith.minimumf %min3A_118, %min3A_119 : vector<256x256xf32>
    %max3A_121 = vector.broadcast %slice3A_86 : vector<256x1xf32> to vector<256x256xf32>
    %max3A_122 = vector.broadcast %slice3A_90 : vector<1x256xf32> to vector<256x256xf32>
    %max3A_123 = arith.maximumf %max3A_121, %max3A_122 : vector<256x256xf32>
    %sub3A_124 = arith.subf %min3A_120, %max3A_123 : vector<256x256xf32>
    %max3A_125 = arith.constant 0.000000e+00 : f32
    %max3A_126 = vector.broadcast %max3A_125 : f32 to vector<256x256xf32>
    %max3A_127 = arith.maximumf %sub3A_124, %max3A_126 : vector<256x256xf32>
    %mul3A_128 = arith.mulf %max3A_117, %max3A_127 : vector<256x256xf32>
    %add3A_129 = vector.broadcast %mul3A_99 : vector<256x1xf32> to vector<256x256xf32>
    %add3A_130 = vector.broadcast %mul3A_108 : vector<1x256xf32> to vector<256x256xf32>
    %add3A_131 = arith.addf %add3A_129, %add3A_130 : vector<256x256xf32>
    %sub3A_132 = arith.subf %add3A_131, %mul3A_128 : vector<256x256xf32>
    %max3A_133 = arith.constant 9.99999993E-9 : f32
    %max3A_134 = vector.broadcast %max3A_133 : f32 to vector<256x256xf32>
    %max3A_135 = arith.maximumf %sub3A_132, %max3A_134 : vector<256x256xf32>
    %div3A = arith.divf %mul3A_128, %max3A_135 : vector<256x256xf32>
    %slice3A_136 = vector.extract_strided_slice %dot_general3A_53 {offsets = [0, 0], sizes = [256, 1], strides = [1, 1]} : vector<256x16xf32> to vector<256x1xf32>
    %slice3A_137 = vector.extract_strided_slice %convert_element_type3A {offsets = [0, 0], sizes = [1, 256], strides = [1, 1]} : vector<16x256xf32> to vector<1x256xf32>
    %eq3A_138 = vector.broadcast %slice3A_136 : vector<256x1xf32> to vector<256x256xf32>
    %eq3A_139 = vector.broadcast %slice3A_137 : vector<1x256xf32> to vector<256x256xf32>
    %eq3A_140 = arith.cmpf oeq, %eq3A_138, %eq3A_139 : vector<256x256xf32>
    %convert_element_type3A_141 = arith.extui %eq3A_140 : vector<256x256xi1> to vector<256x256xi32>
    %convert_element_type3A_142 = arith.sitofp %convert_element_type3A_141 : vector<256x256xi32> to vector<256x256xf32>
    %gt3A = arith.constant 5.000000e-01 : f32
    %gt3A_143 = vector.broadcast %gt3A : f32 to vector<256x256xf32>
    %gt3A_144 = arith.cmpf ogt, %div3A, %gt3A_143 : vector<256x256xf32>
    %convert_element_type3A_145 = arith.extui %gt3A_144 : vector<256x256xi1> to vector<256x256xi32>
    %convert_element_type3A_146 = arith.sitofp %convert_element_type3A_145 : vector<256x256xi32> to vector<256x256xf32>
    %mul3A_147 = arith.mulf %convert_element_type3A_146, %convert_element_type3A_142 : vector<256x256xf32>
    %mul3A_148 = arith.mulf %mul3A_147, %convert_element_type3A_65 : vector<256x256xf32>
    %slice3A_149 = vector.extract_strided_slice %dot_general3A_53 {offsets = [0, 0], sizes = [256, 1], strides = [1, 1]} : vector<256x16xf32> to vector<256x1xf32>
    %slice3A_150 = vector.extract_strided_slice %dot_general3A_60 {offsets = [0, 0], sizes = [256, 1], strides = [1, 1]} : vector<256x16xf32> to vector<256x1xf32>
    %broadcast_in_dim3A_151 = arith.constant 0.000000e+00 : f32
    %broadcast_in_dim3A_152 = vector.broadcast %broadcast_in_dim3A_151 : f32 to vector<256x2xf32>
    %concatenate3A = tpu.concatenate %dot_general3A_77, %slice3A_149, %slice3A_150, %broadcast_in_dim3A_152 in 1 : vector<256x4xf32>, vector<256x1xf32>, vector<256x1xf32>, vector<256x2xf32> -> vector<256x8xf32>
    %get3A_153 = arith.constant 1 : index
    %get3A_154 = arith.constant 0 : index
    %get3A_155 = arith.constant 0 : index
    %get3A_156 = vector.load %arg1[%get3A_153, %get3A_154, %get3A_155] : memref<16x256x4xf32, #tpu.memory_space<vmem>>, vector<1x256x4xf32>
    %get3A_157 = vector.shape_cast %get3A_156 : vector<1x256x4xf32> to vector<256x4xf32>
    %slice3A_158 = vector.extract_strided_slice %dot_general3A_46 {offsets = [0, 1], sizes = [256, 1], strides = [1, 1]} : vector<256x16xf32> to vector<256x1xf32>
    %eq3A_159 = vector.broadcast %slice3A_158 : vector<256x1xf32> to vector<256x256xf32>
    %eq3A_160 = arith.cmpf oeq, %eq3A_159, %convert_element_type3A_63 : vector<256x256xf32>
    %convert_element_type3A_161 = arith.extui %eq3A_160 : vector<256x256xi1> to vector<256x256xi32>
    %convert_element_type3A_162 = arith.sitofp %convert_element_type3A_161 : vector<256x256xi32> to vector<256x256xf32>
    %dot_general3A_163 = arith.constant dense<0.000000e+00> : vector<256x4xf32>
    %dot_general3A_164 = tpu.matmul %convert_element_type3A_162, %get3A_157, %dot_general3A_163 {dimension_numbers = #tpu.dot_dimension_numbers<[1], [0], [0], [1], [0, 0, 1, 1], [], []>, transpose_lhs_hint = false} : vector<256x256xf32>, vector<256x4xf32>, vector<256x4xf32> -> vector<256x4xf32>
    %iota3A_165 = tpu.iota {dimensions = array<i32: 0>} : vector<256x256xi32>
    %iota3A_166 = tpu.iota {dimensions = array<i32: 1>} : vector<256x256xi32>
    %eq3A_167 = arith.cmpi eq, %iota3A_165, %iota3A_166 : vector<256x256xi32>
    %convert_element_type3A_168 = arith.extui %eq3A_167 : vector<256x256xi1> to vector<256x256xi32>
    %convert_element_type3A_169 = arith.sitofp %convert_element_type3A_168 : vector<256x256xi32> to vector<256x256xf32>
    %dot_general3A_170 = arith.constant dense<0.000000e+00> : vector<4x256xf32>
    %dot_general3A_171 = tpu.matmul %dot_general3A_164, %convert_element_type3A_169, %dot_general3A_170 {dimension_numbers = #tpu.dot_dimension_numbers<[0], [0], [1], [1], [0, 1, 1, 1], [], []>, transpose_lhs_hint = false} : vector<256x4xf32>, vector<256x256xf32>, vector<4x256xf32> -> vector<4x256xf32>
    %slice3A_172 = vector.extract_strided_slice %dot_general3A_164 {offsets = [0, 0], sizes = [256, 1], strides = [1, 1]} : vector<256x4xf32> to vector<256x1xf32>
    %slice3A_173 = vector.extract_strided_slice %dot_general3A_164 {offsets = [0, 1], sizes = [256, 1], strides = [1, 1]} : vector<256x4xf32> to vector<256x1xf32>
    %slice3A_174 = vector.extract_strided_slice %dot_general3A_164 {offsets = [0, 2], sizes = [256, 1], strides = [1, 1]} : vector<256x4xf32> to vector<256x1xf32>
    %slice3A_175 = vector.extract_strided_slice %dot_general3A_164 {offsets = [0, 3], sizes = [256, 1], strides = [1, 1]} : vector<256x4xf32> to vector<256x1xf32>
    %slice3A_176 = vector.extract_strided_slice %dot_general3A_171 {offsets = [0, 0], sizes = [1, 256], strides = [1, 1]} : vector<4x256xf32> to vector<1x256xf32>
    %slice3A_177 = vector.extract_strided_slice %dot_general3A_171 {offsets = [1, 0], sizes = [1, 256], strides = [1, 1]} : vector<4x256xf32> to vector<1x256xf32>
    %slice3A_178 = vector.extract_strided_slice %dot_general3A_171 {offsets = [2, 0], sizes = [1, 256], strides = [1, 1]} : vector<4x256xf32> to vector<1x256xf32>
    %slice3A_179 = vector.extract_strided_slice %dot_general3A_171 {offsets = [3, 0], sizes = [1, 256], strides = [1, 1]} : vector<4x256xf32> to vector<1x256xf32>
    %sub3A_180 = arith.subf %slice3A_174, %slice3A_172 : vector<256x1xf32>
    %max3A_181 = arith.constant 0.000000e+00 : f32
    %max3A_182 = vector.broadcast %max3A_181 : f32 to vector<256x1xf32>
    %max3A_183 = arith.maximumf %sub3A_180, %max3A_182 : vector<256x1xf32>
    %sub3A_184 = arith.subf %slice3A_175, %slice3A_173 : vector<256x1xf32>
    %max3A_185 = arith.constant 0.000000e+00 : f32
    %max3A_186 = vector.broadcast %max3A_185 : f32 to vector<256x1xf32>
    %max3A_187 = arith.maximumf %sub3A_184, %max3A_186 : vector<256x1xf32>
    %mul3A_188 = arith.mulf %max3A_183, %max3A_187 : vector<256x1xf32>
    %sub3A_189 = arith.subf %slice3A_178, %slice3A_176 : vector<1x256xf32>
    %max3A_190 = arith.constant 0.000000e+00 : f32
    %max3A_191 = vector.broadcast %max3A_190 : f32 to vector<1x256xf32>
    %max3A_192 = arith.maximumf %sub3A_189, %max3A_191 : vector<1x256xf32>
    %sub3A_193 = arith.subf %slice3A_179, %slice3A_177 : vector<1x256xf32>
    %max3A_194 = arith.constant 0.000000e+00 : f32
    %max3A_195 = vector.broadcast %max3A_194 : f32 to vector<1x256xf32>
    %max3A_196 = arith.maximumf %sub3A_193, %max3A_195 : vector<1x256xf32>
    %mul3A_197 = arith.mulf %max3A_192, %max3A_196 : vector<1x256xf32>
    %min3A_198 = vector.broadcast %slice3A_174 : vector<256x1xf32> to vector<256x256xf32>
    %min3A_199 = vector.broadcast %slice3A_178 : vector<1x256xf32> to vector<256x256xf32>
    %min3A_200 = arith.minimumf %min3A_198, %min3A_199 : vector<256x256xf32>
    %max3A_201 = vector.broadcast %slice3A_172 : vector<256x1xf32> to vector<256x256xf32>
    %max3A_202 = vector.broadcast %slice3A_176 : vector<1x256xf32> to vector<256x256xf32>
    %max3A_203 = arith.maximumf %max3A_201, %max3A_202 : vector<256x256xf32>
    %sub3A_204 = arith.subf %min3A_200, %max3A_203 : vector<256x256xf32>
    %max3A_205 = arith.constant 0.000000e+00 : f32
    %max3A_206 = vector.broadcast %max3A_205 : f32 to vector<256x256xf32>
    %max3A_207 = arith.maximumf %sub3A_204, %max3A_206 : vector<256x256xf32>
    %min3A_208 = vector.broadcast %slice3A_175 : vector<256x1xf32> to vector<256x256xf32>
    %min3A_209 = vector.broadcast %slice3A_179 : vector<1x256xf32> to vector<256x256xf32>
    %min3A_210 = arith.minimumf %min3A_208, %min3A_209 : vector<256x256xf32>
    %max3A_211 = vector.broadcast %slice3A_173 : vector<256x1xf32> to vector<256x256xf32>
    %max3A_212 = vector.broadcast %slice3A_177 : vector<1x256xf32> to vector<256x256xf32>
    %max3A_213 = arith.maximumf %max3A_211, %max3A_212 : vector<256x256xf32>
    %sub3A_214 = arith.subf %min3A_210, %max3A_213 : vector<256x256xf32>
    %max3A_215 = arith.constant 0.000000e+00 : f32
    %max3A_216 = vector.broadcast %max3A_215 : f32 to vector<256x256xf32>
    %max3A_217 = arith.maximumf %sub3A_214, %max3A_216 : vector<256x256xf32>
    %mul3A_218 = arith.mulf %max3A_207, %max3A_217 : vector<256x256xf32>
    %add3A_219 = vector.broadcast %mul3A_188 : vector<256x1xf32> to vector<256x256xf32>
    %add3A_220 = vector.broadcast %mul3A_197 : vector<1x256xf32> to vector<256x256xf32>
    %add3A_221 = arith.addf %add3A_219, %add3A_220 : vector<256x256xf32>
    %sub3A_222 = arith.subf %add3A_221, %mul3A_218 : vector<256x256xf32>
    %max3A_223 = arith.constant 9.99999993E-9 : f32
    %max3A_224 = vector.broadcast %max3A_223 : f32 to vector<256x256xf32>
    %max3A_225 = arith.maximumf %sub3A_222, %max3A_224 : vector<256x256xf32>
    %div3A_226 = arith.divf %mul3A_218, %max3A_225 : vector<256x256xf32>
    %slice3A_227 = vector.extract_strided_slice %dot_general3A_53 {offsets = [0, 1], sizes = [256, 1], strides = [1, 1]} : vector<256x16xf32> to vector<256x1xf32>
    %slice3A_228 = vector.extract_strided_slice %convert_element_type3A {offsets = [1, 0], sizes = [1, 256], strides = [1, 1]} : vector<16x256xf32> to vector<1x256xf32>
    %eq3A_229 = vector.broadcast %slice3A_227 : vector<256x1xf32> to vector<256x256xf32>
    %eq3A_230 = vector.broadcast %slice3A_228 : vector<1x256xf32> to vector<256x256xf32>
    %eq3A_231 = arith.cmpf oeq, %eq3A_229, %eq3A_230 : vector<256x256xf32>
    %convert_element_type3A_232 = arith.extui %eq3A_231 : vector<256x256xi1> to vector<256x256xi32>
    %convert_element_type3A_233 = arith.sitofp %convert_element_type3A_232 : vector<256x256xi32> to vector<256x256xf32>
    %gt3A_234 = arith.constant 5.000000e-01 : f32
    %gt3A_235 = vector.broadcast %gt3A_234 : f32 to vector<256x256xf32>
    %gt3A_236 = arith.cmpf ogt, %div3A_226, %gt3A_235 : vector<256x256xf32>
    %convert_element_type3A_237 = arith.extui %gt3A_236 : vector<256x256xi1> to vector<256x256xi32>
    %convert_element_type3A_238 = arith.sitofp %convert_element_type3A_237 : vector<256x256xi32> to vector<256x256xf32>
    %mul3A_239 = arith.mulf %convert_element_type3A_238, %convert_element_type3A_233 : vector<256x256xf32>
    %mul3A_240 = arith.mulf %mul3A_239, %convert_element_type3A_65 : vector<256x256xf32>
    %slice3A_241 = vector.extract_strided_slice %dot_general3A_53 {offsets = [0, 1], sizes = [256, 1], strides = [1, 1]} : vector<256x16xf32> to vector<256x1xf32>
    %slice3A_242 = vector.extract_strided_slice %dot_general3A_60 {offsets = [0, 1], sizes = [256, 1], strides = [1, 1]} : vector<256x16xf32> to vector<256x1xf32>
    %broadcast_in_dim3A_243 = arith.constant 0.000000e+00 : f32
    %broadcast_in_dim3A_244 = vector.broadcast %broadcast_in_dim3A_243 : f32 to vector<256x2xf32>
    %concatenate3A_245 = tpu.concatenate %dot_general3A_164, %slice3A_241, %slice3A_242, %broadcast_in_dim3A_244 in 1 : vector<256x4xf32>, vector<256x1xf32>, vector<256x1xf32>, vector<256x2xf32> -> vector<256x8xf32>
    %get3A_246 = arith.constant 2 : index
    %get3A_247 = arith.constant 0 : index
    %get3A_248 = arith.constant 0 : index
    %get3A_249 = vector.load %arg1[%get3A_246, %get3A_247, %get3A_248] : memref<16x256x4xf32, #tpu.memory_space<vmem>>, vector<1x256x4xf32>
    %get3A_250 = vector.shape_cast %get3A_249 : vector<1x256x4xf32> to vector<256x4xf32>
    %slice3A_251 = vector.extract_strided_slice %dot_general3A_46 {offsets = [0, 2], sizes = [256, 1], strides = [1, 1]} : vector<256x16xf32> to vector<256x1xf32>
    %eq3A_252 = vector.broadcast %slice3A_251 : vector<256x1xf32> to vector<256x256xf32>
    %eq3A_253 = arith.cmpf oeq, %eq3A_252, %convert_element_type3A_63 : vector<256x256xf32>
    %convert_element_type3A_254 = arith.extui %eq3A_253 : vector<256x256xi1> to vector<256x256xi32>
    %convert_element_type3A_255 = arith.sitofp %convert_element_type3A_254 : vector<256x256xi32> to vector<256x256xf32>
    %dot_general3A_256 = arith.constant dense<0.000000e+00> : vector<256x4xf32>
    %dot_general3A_257 = tpu.matmul %convert_element_type3A_255, %get3A_250, %dot_general3A_256 {dimension_numbers = #tpu.dot_dimension_numbers<[1], [0], [0], [1], [0, 0, 1, 1], [], []>, transpose_lhs_hint = false} : vector<256x256xf32>, vector<256x4xf32>, vector<256x4xf32> -> vector<256x4xf32>
    %iota3A_258 = tpu.iota {dimensions = array<i32: 0>} : vector<256x256xi32>
    %iota3A_259 = tpu.iota {dimensions = array<i32: 1>} : vector<256x256xi32>
    %eq3A_260 = arith.cmpi eq, %iota3A_258, %iota3A_259 : vector<256x256xi32>
    %convert_element_type3A_261 = arith.extui %eq3A_260 : vector<256x256xi1> to vector<256x256xi32>
    %convert_element_type3A_262 = arith.sitofp %convert_element_type3A_261 : vector<256x256xi32> to vector<256x256xf32>
    %dot_general3A_263 = arith.constant dense<0.000000e+00> : vector<4x256xf32>
    %dot_general3A_264 = tpu.matmul %dot_general3A_257, %convert_element_type3A_262, %dot_general3A_263 {dimension_numbers = #tpu.dot_dimension_numbers<[0], [0], [1], [1], [0, 1, 1, 1], [], []>, transpose_lhs_hint = false} : vector<256x4xf32>, vector<256x256xf32>, vector<4x256xf32> -> vector<4x256xf32>
    %slice3A_265 = vector.extract_strided_slice %dot_general3A_257 {offsets = [0, 0], sizes = [256, 1], strides = [1, 1]} : vector<256x4xf32> to vector<256x1xf32>
    %slice3A_266 = vector.extract_strided_slice %dot_general3A_257 {offsets = [0, 1], sizes = [256, 1], strides = [1, 1]} : vector<256x4xf32> to vector<256x1xf32>
    %slice3A_267 = vector.extract_strided_slice %dot_general3A_257 {offsets = [0, 2], sizes = [256, 1], strides = [1, 1]} : vector<256x4xf32> to vector<256x1xf32>
    %slice3A_268 = vector.extract_strided_slice %dot_general3A_257 {offsets = [0, 3], sizes = [256, 1], strides = [1, 1]} : vector<256x4xf32> to vector<256x1xf32>
    %slice3A_269 = vector.extract_strided_slice %dot_general3A_264 {offsets = [0, 0], sizes = [1, 256], strides = [1, 1]} : vector<4x256xf32> to vector<1x256xf32>
    %slice3A_270 = vector.extract_strided_slice %dot_general3A_264 {offsets = [1, 0], sizes = [1, 256], strides = [1, 1]} : vector<4x256xf32> to vector<1x256xf32>
    %slice3A_271 = vector.extract_strided_slice %dot_general3A_264 {offsets = [2, 0], sizes = [1, 256], strides = [1, 1]} : vector<4x256xf32> to vector<1x256xf32>
    %slice3A_272 = vector.extract_strided_slice %dot_general3A_264 {offsets = [3, 0], sizes = [1, 256], strides = [1, 1]} : vector<4x256xf32> to vector<1x256xf32>
    %sub3A_273 = arith.subf %slice3A_267, %slice3A_265 : vector<256x1xf32>
    %max3A_274 = arith.constant 0.000000e+00 : f32
    %max3A_275 = vector.broadcast %max3A_274 : f32 to vector<256x1xf32>
    %max3A_276 = arith.maximumf %sub3A_273, %max3A_275 : vector<256x1xf32>
    %sub3A_277 = arith.subf %slice3A_268, %slice3A_266 : vector<256x1xf32>
    %max3A_278 = arith.constant 0.000000e+00 : f32
    %max3A_279 = vector.broadcast %max3A_278 : f32 to vector<256x1xf32>
    %max3A_280 = arith.maximumf %sub3A_277, %max3A_279 : vector<256x1xf32>
    %mul3A_281 = arith.mulf %max3A_276, %max3A_280 : vector<256x1xf32>
    %sub3A_282 = arith.subf %slice3A_271, %slice3A_269 : vector<1x256xf32>
    %max3A_283 = arith.constant 0.000000e+00 : f32
    %max3A_284 = vector.broadcast %max3A_283 : f32 to vector<1x256xf32>
    %max3A_285 = arith.maximumf %sub3A_282, %max3A_284 : vector<1x256xf32>
    %sub3A_286 = arith.subf %slice3A_272, %slice3A_270 : vector<1x256xf32>
    %max3A_287 = arith.constant 0.000000e+00 : f32
    %max3A_288 = vector.broadcast %max3A_287 : f32 to vector<1x256xf32>
    %max3A_289 = arith.maximumf %sub3A_286, %max3A_288 : vector<1x256xf32>
    %mul3A_290 = arith.mulf %max3A_285, %max3A_289 : vector<1x256xf32>
    %min3A_291 = vector.broadcast %slice3A_267 : vector<256x1xf32> to vector<256x256xf32>
    %min3A_292 = vector.broadcast %slice3A_271 : vector<1x256xf32> to vector<256x256xf32>
    %min3A_293 = arith.minimumf %min3A_291, %min3A_292 : vector<256x256xf32>
    %max3A_294 = vector.broadcast %slice3A_265 : vector<256x1xf32> to vector<256x256xf32>
    %max3A_295 = vector.broadcast %slice3A_269 : vector<1x256xf32> to vector<256x256xf32>
    %max3A_296 = arith.maximumf %max3A_294, %max3A_295 : vector<256x256xf32>
    %sub3A_297 = arith.subf %min3A_293, %max3A_296 : vector<256x256xf32>
    %max3A_298 = arith.constant 0.000000e+00 : f32
    %max3A_299 = vector.broadcast %max3A_298 : f32 to vector<256x256xf32>
    %max3A_300 = arith.maximumf %sub3A_297, %max3A_299 : vector<256x256xf32>
    %min3A_301 = vector.broadcast %slice3A_268 : vector<256x1xf32> to vector<256x256xf32>
    %min3A_302 = vector.broadcast %slice3A_272 : vector<1x256xf32> to vector<256x256xf32>
    %min3A_303 = arith.minimumf %min3A_301, %min3A_302 : vector<256x256xf32>
    %max3A_304 = vector.broadcast %slice3A_266 : vector<256x1xf32> to vector<256x256xf32>
    %max3A_305 = vector.broadcast %slice3A_270 : vector<1x256xf32> to vector<256x256xf32>
    %max3A_306 = arith.maximumf %max3A_304, %max3A_305 : vector<256x256xf32>
    %sub3A_307 = arith.subf %min3A_303, %max3A_306 : vector<256x256xf32>
    %max3A_308 = arith.constant 0.000000e+00 : f32
    %max3A_309 = vector.broadcast %max3A_308 : f32 to vector<256x256xf32>
    %max3A_310 = arith.maximumf %sub3A_307, %max3A_309 : vector<256x256xf32>
    %mul3A_311 = arith.mulf %max3A_300, %max3A_310 : vector<256x256xf32>
    %add3A_312 = vector.broadcast %mul3A_281 : vector<256x1xf32> to vector<256x256xf32>
    %add3A_313 = vector.broadcast %mul3A_290 : vector<1x256xf32> to vector<256x256xf32>
    %add3A_314 = arith.addf %add3A_312, %add3A_313 : vector<256x256xf32>
    %sub3A_315 = arith.subf %add3A_314, %mul3A_311 : vector<256x256xf32>
    %max3A_316 = arith.constant 9.99999993E-9 : f32
    %max3A_317 = vector.broadcast %max3A_316 : f32 to vector<256x256xf32>
    %max3A_318 = arith.maximumf %sub3A_315, %max3A_317 : vector<256x256xf32>
    %div3A_319 = arith.divf %mul3A_311, %max3A_318 : vector<256x256xf32>
    %slice3A_320 = vector.extract_strided_slice %dot_general3A_53 {offsets = [0, 2], sizes = [256, 1], strides = [1, 1]} : vector<256x16xf32> to vector<256x1xf32>
    %slice3A_321 = vector.extract_strided_slice %convert_element_type3A {offsets = [2, 0], sizes = [1, 256], strides = [1, 1]} : vector<16x256xf32> to vector<1x256xf32>
    %eq3A_322 = vector.broadcast %slice3A_320 : vector<256x1xf32> to vector<256x256xf32>
    %eq3A_323 = vector.broadcast %slice3A_321 : vector<1x256xf32> to vector<256x256xf32>
    %eq3A_324 = arith.cmpf oeq, %eq3A_322, %eq3A_323 : vector<256x256xf32>
    %convert_element_type3A_325 = arith.extui %eq3A_324 : vector<256x256xi1> to vector<256x256xi32>
    %convert_element_type3A_326 = arith.sitofp %convert_element_type3A_325 : vector<256x256xi32> to vector<256x256xf32>
    %gt3A_327 = arith.constant 5.000000e-01 : f32
    %gt3A_328 = vector.broadcast %gt3A_327 : f32 to vector<256x256xf32>
    %gt3A_329 = arith.cmpf ogt, %div3A_319, %gt3A_328 : vector<256x256xf32>
    %convert_element_type3A_330 = arith.extui %gt3A_329 : vector<256x256xi1> to vector<256x256xi32>
    %convert_element_type3A_331 = arith.sitofp %convert_element_type3A_330 : vector<256x256xi32> to vector<256x256xf32>
    %mul3A_332 = arith.mulf %convert_element_type3A_331, %convert_element_type3A_326 : vector<256x256xf32>
    %mul3A_333 = arith.mulf %mul3A_332, %convert_element_type3A_65 : vector<256x256xf32>
    %slice3A_334 = vector.extract_strided_slice %dot_general3A_53 {offsets = [0, 2], sizes = [256, 1], strides = [1, 1]} : vector<256x16xf32> to vector<256x1xf32>
    %slice3A_335 = vector.extract_strided_slice %dot_general3A_60 {offsets = [0, 2], sizes = [256, 1], strides = [1, 1]} : vector<256x16xf32> to vector<256x1xf32>
    %broadcast_in_dim3A_336 = arith.constant 0.000000e+00 : f32
    %broadcast_in_dim3A_337 = vector.broadcast %broadcast_in_dim3A_336 : f32 to vector<256x2xf32>
    %concatenate3A_338 = tpu.concatenate %dot_general3A_257, %slice3A_334, %slice3A_335, %broadcast_in_dim3A_337 in 1 : vector<256x4xf32>, vector<256x1xf32>, vector<256x1xf32>, vector<256x2xf32> -> vector<256x8xf32>
    %get3A_339 = arith.constant 3 : index
    %get3A_340 = arith.constant 0 : index
    %get3A_341 = arith.constant 0 : index
    %get3A_342 = vector.load %arg1[%get3A_339, %get3A_340, %get3A_341] : memref<16x256x4xf32, #tpu.memory_space<vmem>>, vector<1x256x4xf32>
    %get3A_343 = vector.shape_cast %get3A_342 : vector<1x256x4xf32> to vector<256x4xf32>
    %slice3A_344 = vector.extract_strided_slice %dot_general3A_46 {offsets = [0, 3], sizes = [256, 1], strides = [1, 1]} : vector<256x16xf32> to vector<256x1xf32>
    %eq3A_345 = vector.broadcast %slice3A_344 : vector<256x1xf32> to vector<256x256xf32>
    %eq3A_346 = arith.cmpf oeq, %eq3A_345, %convert_element_type3A_63 : vector<256x256xf32>
    %convert_element_type3A_347 = arith.extui %eq3A_346 : vector<256x256xi1> to vector<256x256xi32>
    %convert_element_type3A_348 = arith.sitofp %convert_element_type3A_347 : vector<256x256xi32> to vector<256x256xf32>
    %dot_general3A_349 = arith.constant dense<0.000000e+00> : vector<256x4xf32>
    %dot_general3A_350 = tpu.matmul %convert_element_type3A_348, %get3A_343, %dot_general3A_349 {dimension_numbers = #tpu.dot_dimension_numbers<[1], [0], [0], [1], [0, 0, 1, 1], [], []>, transpose_lhs_hint = false} : vector<256x256xf32>, vector<256x4xf32>, vector<256x4xf32> -> vector<256x4xf32>
    %iota3A_351 = tpu.iota {dimensions = array<i32: 0>} : vector<256x256xi32>
    %iota3A_352 = tpu.iota {dimensions = array<i32: 1>} : vector<256x256xi32>
    %eq3A_353 = arith.cmpi eq, %iota3A_351, %iota3A_352 : vector<256x256xi32>
    %convert_element_type3A_354 = arith.extui %eq3A_353 : vector<256x256xi1> to vector<256x256xi32>
    %convert_element_type3A_355 = arith.sitofp %convert_element_type3A_354 : vector<256x256xi32> to vector<256x256xf32>
    %dot_general3A_356 = arith.constant dense<0.000000e+00> : vector<4x256xf32>
    %dot_general3A_357 = tpu.matmul %dot_general3A_350, %convert_element_type3A_355, %dot_general3A_356 {dimension_numbers = #tpu.dot_dimension_numbers<[0], [0], [1], [1], [0, 1, 1, 1], [], []>, transpose_lhs_hint = false} : vector<256x4xf32>, vector<256x256xf32>, vector<4x256xf32> -> vector<4x256xf32>
    %slice3A_358 = vector.extract_strided_slice %dot_general3A_350 {offsets = [0, 0], sizes = [256, 1], strides = [1, 1]} : vector<256x4xf32> to vector<256x1xf32>
    %slice3A_359 = vector.extract_strided_slice %dot_general3A_350 {offsets = [0, 1], sizes = [256, 1], strides = [1, 1]} : vector<256x4xf32> to vector<256x1xf32>
    %slice3A_360 = vector.extract_strided_slice %dot_general3A_350 {offsets = [0, 2], sizes = [256, 1], strides = [1, 1]} : vector<256x4xf32> to vector<256x1xf32>
    %slice3A_361 = vector.extract_strided_slice %dot_general3A_350 {offsets = [0, 3], sizes = [256, 1], strides = [1, 1]} : vector<256x4xf32> to vector<256x1xf32>
    %slice3A_362 = vector.extract_strided_slice %dot_general3A_357 {offsets = [0, 0], sizes = [1, 256], strides = [1, 1]} : vector<4x256xf32> to vector<1x256xf32>
    %slice3A_363 = vector.extract_strided_slice %dot_general3A_357 {offsets = [1, 0], sizes = [1, 256], strides = [1, 1]} : vector<4x256xf32> to vector<1x256xf32>
    %slice3A_364 = vector.extract_strided_slice %dot_general3A_357 {offsets = [2, 0], sizes = [1, 256], strides = [1, 1]} : vector<4x256xf32> to vector<1x256xf32>
    %slice3A_365 = vector.extract_strided_slice %dot_general3A_357 {offsets = [3, 0], sizes = [1, 256], strides = [1, 1]} : vector<4x256xf32> to vector<1x256xf32>
    %sub3A_366 = arith.subf %slice3A_360, %slice3A_358 : vector<256x1xf32>
    %max3A_367 = arith.constant 0.000000e+00 : f32
    %max3A_368 = vector.broadcast %max3A_367 : f32 to vector<256x1xf32>
    %max3A_369 = arith.maximumf %sub3A_366, %max3A_368 : vector<256x1xf32>
    %sub3A_370 = arith.subf %slice3A_361, %slice3A_359 : vector<256x1xf32>
    %max3A_371 = arith.constant 0.000000e+00 : f32
    %max3A_372 = vector.broadcast %max3A_371 : f32 to vector<256x1xf32>
    %max3A_373 = arith.maximumf %sub3A_370, %max3A_372 : vector<256x1xf32>
    %mul3A_374 = arith.mulf %max3A_369, %max3A_373 : vector<256x1xf32>
    %sub3A_375 = arith.subf %slice3A_364, %slice3A_362 : vector<1x256xf32>
    %max3A_376 = arith.constant 0.000000e+00 : f32
    %max3A_377 = vector.broadcast %max3A_376 : f32 to vector<1x256xf32>
    %max3A_378 = arith.maximumf %sub3A_375, %max3A_377 : vector<1x256xf32>
    %sub3A_379 = arith.subf %slice3A_365, %slice3A_363 : vector<1x256xf32>
    %max3A_380 = arith.constant 0.000000e+00 : f32
    %max3A_381 = vector.broadcast %max3A_380 : f32 to vector<1x256xf32>
    %max3A_382 = arith.maximumf %sub3A_379, %max3A_381 : vector<1x256xf32>
    %mul3A_383 = arith.mulf %max3A_378, %max3A_382 : vector<1x256xf32>
    %min3A_384 = vector.broadcast %slice3A_360 : vector<256x1xf32> to vector<256x256xf32>
    %min3A_385 = vector.broadcast %slice3A_364 : vector<1x256xf32> to vector<256x256xf32>
    %min3A_386 = arith.minimumf %min3A_384, %min3A_385 : vector<256x256xf32>
    %max3A_387 = vector.broadcast %slice3A_358 : vector<256x1xf32> to vector<256x256xf32>
    %max3A_388 = vector.broadcast %slice3A_362 : vector<1x256xf32> to vector<256x256xf32>
    %max3A_389 = arith.maximumf %max3A_387, %max3A_388 : vector<256x256xf32>
    %sub3A_390 = arith.subf %min3A_386, %max3A_389 : vector<256x256xf32>
    %max3A_391 = arith.constant 0.000000e+00 : f32
    %max3A_392 = vector.broadcast %max3A_391 : f32 to vector<256x256xf32>
    %max3A_393 = arith.maximumf %sub3A_390, %max3A_392 : vector<256x256xf32>
    %min3A_394 = vector.broadcast %slice3A_361 : vector<256x1xf32> to vector<256x256xf32>
    %min3A_395 = vector.broadcast %slice3A_365 : vector<1x256xf32> to vector<256x256xf32>
    %min3A_396 = arith.minimumf %min3A_394, %min3A_395 : vector<256x256xf32>
    %max3A_397 = vector.broadcast %slice3A_359 : vector<256x1xf32> to vector<256x256xf32>
    %max3A_398 = vector.broadcast %slice3A_363 : vector<1x256xf32> to vector<256x256xf32>
    %max3A_399 = arith.maximumf %max3A_397, %max3A_398 : vector<256x256xf32>
    %sub3A_400 = arith.subf %min3A_396, %max3A_399 : vector<256x256xf32>
    %max3A_401 = arith.constant 0.000000e+00 : f32
    %max3A_402 = vector.broadcast %max3A_401 : f32 to vector<256x256xf32>
    %max3A_403 = arith.maximumf %sub3A_400, %max3A_402 : vector<256x256xf32>
    %mul3A_404 = arith.mulf %max3A_393, %max3A_403 : vector<256x256xf32>
    %add3A_405 = vector.broadcast %mul3A_374 : vector<256x1xf32> to vector<256x256xf32>
    %add3A_406 = vector.broadcast %mul3A_383 : vector<1x256xf32> to vector<256x256xf32>
    %add3A_407 = arith.addf %add3A_405, %add3A_406 : vector<256x256xf32>
    %sub3A_408 = arith.subf %add3A_407, %mul3A_404 : vector<256x256xf32>
    %max3A_409 = arith.constant 9.99999993E-9 : f32
    %max3A_410 = vector.broadcast %max3A_409 : f32 to vector<256x256xf32>
    %max3A_411 = arith.maximumf %sub3A_408, %max3A_410 : vector<256x256xf32>
    %div3A_412 = arith.divf %mul3A_404, %max3A_411 : vector<256x256xf32>
    %slice3A_413 = vector.extract_strided_slice %dot_general3A_53 {offsets = [0, 3], sizes = [256, 1], strides = [1, 1]} : vector<256x16xf32> to vector<256x1xf32>
    %slice3A_414 = vector.extract_strided_slice %convert_element_type3A {offsets = [3, 0], sizes = [1, 256], strides = [1, 1]} : vector<16x256xf32> to vector<1x256xf32>
    %eq3A_415 = vector.broadcast %slice3A_413 : vector<256x1xf32> to vector<256x256xf32>
    %eq3A_416 = vector.broadcast %slice3A_414 : vector<1x256xf32> to vector<256x256xf32>
    %eq3A_417 = arith.cmpf oeq, %eq3A_415, %eq3A_416 : vector<256x256xf32>
    %convert_element_type3A_418 = arith.extui %eq3A_417 : vector<256x256xi1> to vector<256x256xi32>
    %convert_element_type3A_419 = arith.sitofp %convert_element_type3A_418 : vector<256x256xi32> to vector<256x256xf32>
    %gt3A_420 = arith.constant 5.000000e-01 : f32
    %gt3A_421 = vector.broadcast %gt3A_420 : f32 to vector<256x256xf32>
    %gt3A_422 = arith.cmpf ogt, %div3A_412, %gt3A_421 : vector<256x256xf32>
    %convert_element_type3A_423 = arith.extui %gt3A_422 : vector<256x256xi1> to vector<256x256xi32>
    %convert_element_type3A_424 = arith.sitofp %convert_element_type3A_423 : vector<256x256xi32> to vector<256x256xf32>
    %mul3A_425 = arith.mulf %convert_element_type3A_424, %convert_element_type3A_419 : vector<256x256xf32>
    %mul3A_426 = arith.mulf %mul3A_425, %convert_element_type3A_65 : vector<256x256xf32>
    %slice3A_427 = vector.extract_strided_slice %dot_general3A_53 {offsets = [0, 3], sizes = [256, 1], strides = [1, 1]} : vector<256x16xf32> to vector<256x1xf32>
    %slice3A_428 = vector.extract_strided_slice %dot_general3A_60 {offsets = [0, 3], sizes = [256, 1], strides = [1, 1]} : vector<256x16xf32> to vector<256x1xf32>
    %broadcast_in_dim3A_429 = arith.constant 0.000000e+00 : f32
    %broadcast_in_dim3A_430 = vector.broadcast %broadcast_in_dim3A_429 : f32 to vector<256x2xf32>
    %concatenate3A_431 = tpu.concatenate %dot_general3A_350, %slice3A_427, %slice3A_428, %broadcast_in_dim3A_430 in 1 : vector<256x4xf32>, vector<256x1xf32>, vector<256x1xf32>, vector<256x2xf32> -> vector<256x8xf32>
    %get3A_432 = arith.constant 4 : index
    %get3A_433 = arith.constant 0 : index
    %get3A_434 = arith.constant 0 : index
    %get3A_435 = vector.load %arg1[%get3A_432, %get3A_433, %get3A_434] : memref<16x256x4xf32, #tpu.memory_space<vmem>>, vector<1x256x4xf32>
    %get3A_436 = vector.shape_cast %get3A_435 : vector<1x256x4xf32> to vector<256x4xf32>
    %slice3A_437 = vector.extract_strided_slice %dot_general3A_46 {offsets = [0, 4], sizes = [256, 1], strides = [1, 1]} : vector<256x16xf32> to vector<256x1xf32>
    %eq3A_438 = vector.broadcast %slice3A_437 : vector<256x1xf32> to vector<256x256xf32>
    %eq3A_439 = arith.cmpf oeq, %eq3A_438, %convert_element_type3A_63 : vector<256x256xf32>
    %convert_element_type3A_440 = arith.extui %eq3A_439 : vector<256x256xi1> to vector<256x256xi32>
    %convert_element_type3A_441 = arith.sitofp %convert_element_type3A_440 : vector<256x256xi32> to vector<256x256xf32>
    %dot_general3A_442 = arith.constant dense<0.000000e+00> : vector<256x4xf32>
    %dot_general3A_443 = tpu.matmul %convert_element_type3A_441, %get3A_436, %dot_general3A_442 {dimension_numbers = #tpu.dot_dimension_numbers<[1], [0], [0], [1], [0, 0, 1, 1], [], []>, transpose_lhs_hint = false} : vector<256x256xf32>, vector<256x4xf32>, vector<256x4xf32> -> vector<256x4xf32>
    %iota3A_444 = tpu.iota {dimensions = array<i32: 0>} : vector<256x256xi32>
    %iota3A_445 = tpu.iota {dimensions = array<i32: 1>} : vector<256x256xi32>
    %eq3A_446 = arith.cmpi eq, %iota3A_444, %iota3A_445 : vector<256x256xi32>
    %convert_element_type3A_447 = arith.extui %eq3A_446 : vector<256x256xi1> to vector<256x256xi32>
    %convert_element_type3A_448 = arith.sitofp %convert_element_type3A_447 : vector<256x256xi32> to vector<256x256xf32>
    %dot_general3A_449 = arith.constant dense<0.000000e+00> : vector<4x256xf32>
    %dot_general3A_450 = tpu.matmul %dot_general3A_443, %convert_element_type3A_448, %dot_general3A_449 {dimension_numbers = #tpu.dot_dimension_numbers<[0], [0], [1], [1], [0, 1, 1, 1], [], []>, transpose_lhs_hint = false} : vector<256x4xf32>, vector<256x256xf32>, vector<4x256xf32> -> vector<4x256xf32>
    %slice3A_451 = vector.extract_strided_slice %dot_general3A_443 {offsets = [0, 0], sizes = [256, 1], strides = [1, 1]} : vector<256x4xf32> to vector<256x1xf32>
    %slice3A_452 = vector.extract_strided_slice %dot_general3A_443 {offsets = [0, 1], sizes = [256, 1], strides = [1, 1]} : vector<256x4xf32> to vector<256x1xf32>
    %slice3A_453 = vector.extract_strided_slice %dot_general3A_443 {offsets = [0, 2], sizes = [256, 1], strides = [1, 1]} : vector<256x4xf32> to vector<256x1xf32>
    %slice3A_454 = vector.extract_strided_slice %dot_general3A_443 {offsets = [0, 3], sizes = [256, 1], strides = [1, 1]} : vector<256x4xf32> to vector<256x1xf32>
    %slice3A_455 = vector.extract_strided_slice %dot_general3A_450 {offsets = [0, 0], sizes = [1, 256], strides = [1, 1]} : vector<4x256xf32> to vector<1x256xf32>
    %slice3A_456 = vector.extract_strided_slice %dot_general3A_450 {offsets = [1, 0], sizes = [1, 256], strides = [1, 1]} : vector<4x256xf32> to vector<1x256xf32>
    %slice3A_457 = vector.extract_strided_slice %dot_general3A_450 {offsets = [2, 0], sizes = [1, 256], strides = [1, 1]} : vector<4x256xf32> to vector<1x256xf32>
    %slice3A_458 = vector.extract_strided_slice %dot_general3A_450 {offsets = [3, 0], sizes = [1, 256], strides = [1, 1]} : vector<4x256xf32> to vector<1x256xf32>
    %sub3A_459 = arith.subf %slice3A_453, %slice3A_451 : vector<256x1xf32>
    %max3A_460 = arith.constant 0.000000e+00 : f32
    %max3A_461 = vector.broadcast %max3A_460 : f32 to vector<256x1xf32>
    %max3A_462 = arith.maximumf %sub3A_459, %max3A_461 : vector<256x1xf32>
    %sub3A_463 = arith.subf %slice3A_454, %slice3A_452 : vector<256x1xf32>
    %max3A_464 = arith.constant 0.000000e+00 : f32
    %max3A_465 = vector.broadcast %max3A_464 : f32 to vector<256x1xf32>
    %max3A_466 = arith.maximumf %sub3A_463, %max3A_465 : vector<256x1xf32>
    %mul3A_467 = arith.mulf %max3A_462, %max3A_466 : vector<256x1xf32>
    %sub3A_468 = arith.subf %slice3A_457, %slice3A_455 : vector<1x256xf32>
    %max3A_469 = arith.constant 0.000000e+00 : f32
    %max3A_470 = vector.broadcast %max3A_469 : f32 to vector<1x256xf32>
    %max3A_471 = arith.maximumf %sub3A_468, %max3A_470 : vector<1x256xf32>
    %sub3A_472 = arith.subf %slice3A_458, %slice3A_456 : vector<1x256xf32>
    %max3A_473 = arith.constant 0.000000e+00 : f32
    %max3A_474 = vector.broadcast %max3A_473 : f32 to vector<1x256xf32>
    %max3A_475 = arith.maximumf %sub3A_472, %max3A_474 : vector<1x256xf32>
    %mul3A_476 = arith.mulf %max3A_471, %max3A_475 : vector<1x256xf32>
    %min3A_477 = vector.broadcast %slice3A_453 : vector<256x1xf32> to vector<256x256xf32>
    %min3A_478 = vector.broadcast %slice3A_457 : vector<1x256xf32> to vector<256x256xf32>
    %min3A_479 = arith.minimumf %min3A_477, %min3A_478 : vector<256x256xf32>
    %max3A_480 = vector.broadcast %slice3A_451 : vector<256x1xf32> to vector<256x256xf32>
    %max3A_481 = vector.broadcast %slice3A_455 : vector<1x256xf32> to vector<256x256xf32>
    %max3A_482 = arith.maximumf %max3A_480, %max3A_481 : vector<256x256xf32>
    %sub3A_483 = arith.subf %min3A_479, %max3A_482 : vector<256x256xf32>
    %max3A_484 = arith.constant 0.000000e+00 : f32
    %max3A_485 = vector.broadcast %max3A_484 : f32 to vector<256x256xf32>
    %max3A_486 = arith.maximumf %sub3A_483, %max3A_485 : vector<256x256xf32>
    %min3A_487 = vector.broadcast %slice3A_454 : vector<256x1xf32> to vector<256x256xf32>
    %min3A_488 = vector.broadcast %slice3A_458 : vector<1x256xf32> to vector<256x256xf32>
    %min3A_489 = arith.minimumf %min3A_487, %min3A_488 : vector<256x256xf32>
    %max3A_490 = vector.broadcast %slice3A_452 : vector<256x1xf32> to vector<256x256xf32>
    %max3A_491 = vector.broadcast %slice3A_456 : vector<1x256xf32> to vector<256x256xf32>
    %max3A_492 = arith.maximumf %max3A_490, %max3A_491 : vector<256x256xf32>
    %sub3A_493 = arith.subf %min3A_489, %max3A_492 : vector<256x256xf32>
    %max3A_494 = arith.constant 0.000000e+00 : f32
    %max3A_495 = vector.broadcast %max3A_494 : f32 to vector<256x256xf32>
    %max3A_496 = arith.maximumf %sub3A_493, %max3A_495 : vector<256x256xf32>
    %mul3A_497 = arith.mulf %max3A_486, %max3A_496 : vector<256x256xf32>
    %add3A_498 = vector.broadcast %mul3A_467 : vector<256x1xf32> to vector<256x256xf32>
    %add3A_499 = vector.broadcast %mul3A_476 : vector<1x256xf32> to vector<256x256xf32>
    %add3A_500 = arith.addf %add3A_498, %add3A_499 : vector<256x256xf32>
    %sub3A_501 = arith.subf %add3A_500, %mul3A_497 : vector<256x256xf32>
    %max3A_502 = arith.constant 9.99999993E-9 : f32
    %max3A_503 = vector.broadcast %max3A_502 : f32 to vector<256x256xf32>
    %max3A_504 = arith.maximumf %sub3A_501, %max3A_503 : vector<256x256xf32>
    %div3A_505 = arith.divf %mul3A_497, %max3A_504 : vector<256x256xf32>
    %slice3A_506 = vector.extract_strided_slice %dot_general3A_53 {offsets = [0, 4], sizes = [256, 1], strides = [1, 1]} : vector<256x16xf32> to vector<256x1xf32>
    %slice3A_507 = vector.extract_strided_slice %convert_element_type3A {offsets = [4, 0], sizes = [1, 256], strides = [1, 1]} : vector<16x256xf32> to vector<1x256xf32>
    %eq3A_508 = vector.broadcast %slice3A_506 : vector<256x1xf32> to vector<256x256xf32>
    %eq3A_509 = vector.broadcast %slice3A_507 : vector<1x256xf32> to vector<256x256xf32>
    %eq3A_510 = arith.cmpf oeq, %eq3A_508, %eq3A_509 : vector<256x256xf32>
    %convert_element_type3A_511 = arith.extui %eq3A_510 : vector<256x256xi1> to vector<256x256xi32>
    %convert_element_type3A_512 = arith.sitofp %convert_element_type3A_511 : vector<256x256xi32> to vector<256x256xf32>
    %gt3A_513 = arith.constant 5.000000e-01 : f32
    %gt3A_514 = vector.broadcast %gt3A_513 : f32 to vector<256x256xf32>
    %gt3A_515 = arith.cmpf ogt, %div3A_505, %gt3A_514 : vector<256x256xf32>
    %convert_element_type3A_516 = arith.extui %gt3A_515 : vector<256x256xi1> to vector<256x256xi32>
    %convert_element_type3A_517 = arith.sitofp %convert_element_type3A_516 : vector<256x256xi32> to vector<256x256xf32>
    %mul3A_518 = arith.mulf %convert_element_type3A_517, %convert_element_type3A_512 : vector<256x256xf32>
    %mul3A_519 = arith.mulf %mul3A_518, %convert_element_type3A_65 : vector<256x256xf32>
    %slice3A_520 = vector.extract_strided_slice %dot_general3A_53 {offsets = [0, 4], sizes = [256, 1], strides = [1, 1]} : vector<256x16xf32> to vector<256x1xf32>
    %slice3A_521 = vector.extract_strided_slice %dot_general3A_60 {offsets = [0, 4], sizes = [256, 1], strides = [1, 1]} : vector<256x16xf32> to vector<256x1xf32>
    %broadcast_in_dim3A_522 = arith.constant 0.000000e+00 : f32
    %broadcast_in_dim3A_523 = vector.broadcast %broadcast_in_dim3A_522 : f32 to vector<256x2xf32>
    %concatenate3A_524 = tpu.concatenate %dot_general3A_443, %slice3A_520, %slice3A_521, %broadcast_in_dim3A_523 in 1 : vector<256x4xf32>, vector<256x1xf32>, vector<256x1xf32>, vector<256x2xf32> -> vector<256x8xf32>
    %get3A_525 = arith.constant 5 : index
    %get3A_526 = arith.constant 0 : index
    %get3A_527 = arith.constant 0 : index
    %get3A_528 = vector.load %arg1[%get3A_525, %get3A_526, %get3A_527] : memref<16x256x4xf32, #tpu.memory_space<vmem>>, vector<1x256x4xf32>
    %get3A_529 = vector.shape_cast %get3A_528 : vector<1x256x4xf32> to vector<256x4xf32>
    %slice3A_530 = vector.extract_strided_slice %dot_general3A_46 {offsets = [0, 5], sizes = [256, 1], strides = [1, 1]} : vector<256x16xf32> to vector<256x1xf32>
    %eq3A_531 = vector.broadcast %slice3A_530 : vector<256x1xf32> to vector<256x256xf32>
    %eq3A_532 = arith.cmpf oeq, %eq3A_531, %convert_element_type3A_63 : vector<256x256xf32>
    %convert_element_type3A_533 = arith.extui %eq3A_532 : vector<256x256xi1> to vector<256x256xi32>
    %convert_element_type3A_534 = arith.sitofp %convert_element_type3A_533 : vector<256x256xi32> to vector<256x256xf32>
    %dot_general3A_535 = arith.constant dense<0.000000e+00> : vector<256x4xf32>
    %dot_general3A_536 = tpu.matmul %convert_element_type3A_534, %get3A_529, %dot_general3A_535 {dimension_numbers = #tpu.dot_dimension_numbers<[1], [0], [0], [1], [0, 0, 1, 1], [], []>, transpose_lhs_hint = false} : vector<256x256xf32>, vector<256x4xf32>, vector<256x4xf32> -> vector<256x4xf32>
    %iota3A_537 = tpu.iota {dimensions = array<i32: 0>} : vector<256x256xi32>
    %iota3A_538 = tpu.iota {dimensions = array<i32: 1>} : vector<256x256xi32>
    %eq3A_539 = arith.cmpi eq, %iota3A_537, %iota3A_538 : vector<256x256xi32>
    %convert_element_type3A_540 = arith.extui %eq3A_539 : vector<256x256xi1> to vector<256x256xi32>
    %convert_element_type3A_541 = arith.sitofp %convert_element_type3A_540 : vector<256x256xi32> to vector<256x256xf32>
    %dot_general3A_542 = arith.constant dense<0.000000e+00> : vector<4x256xf32>
    %dot_general3A_543 = tpu.matmul %dot_general3A_536, %convert_element_type3A_541, %dot_general3A_542 {dimension_numbers = #tpu.dot_dimension_numbers<[0], [0], [1], [1], [0, 1, 1, 1], [], []>, transpose_lhs_hint = false} : vector<256x4xf32>, vector<256x256xf32>, vector<4x256xf32> -> vector<4x256xf32>
    %slice3A_544 = vector.extract_strided_slice %dot_general3A_536 {offsets = [0, 0], sizes = [256, 1], strides = [1, 1]} : vector<256x4xf32> to vector<256x1xf32>
    %slice3A_545 = vector.extract_strided_slice %dot_general3A_536 {offsets = [0, 1], sizes = [256, 1], strides = [1, 1]} : vector<256x4xf32> to vector<256x1xf32>
    %slice3A_546 = vector.extract_strided_slice %dot_general3A_536 {offsets = [0, 2], sizes = [256, 1], strides = [1, 1]} : vector<256x4xf32> to vector<256x1xf32>
    %slice3A_547 = vector.extract_strided_slice %dot_general3A_536 {offsets = [0, 3], sizes = [256, 1], strides = [1, 1]} : vector<256x4xf32> to vector<256x1xf32>
    %slice3A_548 = vector.extract_strided_slice %dot_general3A_543 {offsets = [0, 0], sizes = [1, 256], strides = [1, 1]} : vector<4x256xf32> to vector<1x256xf32>
    %slice3A_549 = vector.extract_strided_slice %dot_general3A_543 {offsets = [1, 0], sizes = [1, 256], strides = [1, 1]} : vector<4x256xf32> to vector<1x256xf32>
    %slice3A_550 = vector.extract_strided_slice %dot_general3A_543 {offsets = [2, 0], sizes = [1, 256], strides = [1, 1]} : vector<4x256xf32> to vector<1x256xf32>
    %slice3A_551 = vector.extract_strided_slice %dot_general3A_543 {offsets = [3, 0], sizes = [1, 256], strides = [1, 1]} : vector<4x256xf32> to vector<1x256xf32>
    %sub3A_552 = arith.subf %slice3A_546, %slice3A_544 : vector<256x1xf32>
    %max3A_553 = arith.constant 0.000000e+00 : f32
    %max3A_554 = vector.broadcast %max3A_553 : f32 to vector<256x1xf32>
    %max3A_555 = arith.maximumf %sub3A_552, %max3A_554 : vector<256x1xf32>
    %sub3A_556 = arith.subf %slice3A_547, %slice3A_545 : vector<256x1xf32>
    %max3A_557 = arith.constant 0.000000e+00 : f32
    %max3A_558 = vector.broadcast %max3A_557 : f32 to vector<256x1xf32>
    %max3A_559 = arith.maximumf %sub3A_556, %max3A_558 : vector<256x1xf32>
    %mul3A_560 = arith.mulf %max3A_555, %max3A_559 : vector<256x1xf32>
    %sub3A_561 = arith.subf %slice3A_550, %slice3A_548 : vector<1x256xf32>
    %max3A_562 = arith.constant 0.000000e+00 : f32
    %max3A_563 = vector.broadcast %max3A_562 : f32 to vector<1x256xf32>
    %max3A_564 = arith.maximumf %sub3A_561, %max3A_563 : vector<1x256xf32>
    %sub3A_565 = arith.subf %slice3A_551, %slice3A_549 : vector<1x256xf32>
    %max3A_566 = arith.constant 0.000000e+00 : f32
    %max3A_567 = vector.broadcast %max3A_566 : f32 to vector<1x256xf32>
    %max3A_568 = arith.maximumf %sub3A_565, %max3A_567 : vector<1x256xf32>
    %mul3A_569 = arith.mulf %max3A_564, %max3A_568 : vector<1x256xf32>
    %min3A_570 = vector.broadcast %slice3A_546 : vector<256x1xf32> to vector<256x256xf32>
    %min3A_571 = vector.broadcast %slice3A_550 : vector<1x256xf32> to vector<256x256xf32>
    %min3A_572 = arith.minimumf %min3A_570, %min3A_571 : vector<256x256xf32>
    %max3A_573 = vector.broadcast %slice3A_544 : vector<256x1xf32> to vector<256x256xf32>
    %max3A_574 = vector.broadcast %slice3A_548 : vector<1x256xf32> to vector<256x256xf32>
    %max3A_575 = arith.maximumf %max3A_573, %max3A_574 : vector<256x256xf32>
    %sub3A_576 = arith.subf %min3A_572, %max3A_575 : vector<256x256xf32>
    %max3A_577 = arith.constant 0.000000e+00 : f32
    %max3A_578 = vector.broadcast %max3A_577 : f32 to vector<256x256xf32>
    %max3A_579 = arith.maximumf %sub3A_576, %max3A_578 : vector<256x256xf32>
    %min3A_580 = vector.broadcast %slice3A_547 : vector<256x1xf32> to vector<256x256xf32>
    %min3A_581 = vector.broadcast %slice3A_551 : vector<1x256xf32> to vector<256x256xf32>
    %min3A_582 = arith.minimumf %min3A_580, %min3A_581 : vector<256x256xf32>
    %max3A_583 = vector.broadcast %slice3A_545 : vector<256x1xf32> to vector<256x256xf32>
    %max3A_584 = vector.broadcast %slice3A_549 : vector<1x256xf32> to vector<256x256xf32>
    %max3A_585 = arith.maximumf %max3A_583, %max3A_584 : vector<256x256xf32>
    %sub3A_586 = arith.subf %min3A_582, %max3A_585 : vector<256x256xf32>
    %max3A_587 = arith.constant 0.000000e+00 : f32
    %max3A_588 = vector.broadcast %max3A_587 : f32 to vector<256x256xf32>
    %max3A_589 = arith.maximumf %sub3A_586, %max3A_588 : vector<256x256xf32>
    %mul3A_590 = arith.mulf %max3A_579, %max3A_589 : vector<256x256xf32>
    %add3A_591 = vector.broadcast %mul3A_560 : vector<256x1xf32> to vector<256x256xf32>
    %add3A_592 = vector.broadcast %mul3A_569 : vector<1x256xf32> to vector<256x256xf32>
    %add3A_593 = arith.addf %add3A_591, %add3A_592 : vector<256x256xf32>
    %sub3A_594 = arith.subf %add3A_593, %mul3A_590 : vector<256x256xf32>
    %max3A_595 = arith.constant 9.99999993E-9 : f32
    %max3A_596 = vector.broadcast %max3A_595 : f32 to vector<256x256xf32>
    %max3A_597 = arith.maximumf %sub3A_594, %max3A_596 : vector<256x256xf32>
    %div3A_598 = arith.divf %mul3A_590, %max3A_597 : vector<256x256xf32>
    %slice3A_599 = vector.extract_strided_slice %dot_general3A_53 {offsets = [0, 5], sizes = [256, 1], strides = [1, 1]} : vector<256x16xf32> to vector<256x1xf32>
    %slice3A_600 = vector.extract_strided_slice %convert_element_type3A {offsets = [5, 0], sizes = [1, 256], strides = [1, 1]} : vector<16x256xf32> to vector<1x256xf32>
    %eq3A_601 = vector.broadcast %slice3A_599 : vector<256x1xf32> to vector<256x256xf32>
    %eq3A_602 = vector.broadcast %slice3A_600 : vector<1x256xf32> to vector<256x256xf32>
    %eq3A_603 = arith.cmpf oeq, %eq3A_601, %eq3A_602 : vector<256x256xf32>
    %convert_element_type3A_604 = arith.extui %eq3A_603 : vector<256x256xi1> to vector<256x256xi32>
    %convert_element_type3A_605 = arith.sitofp %convert_element_type3A_604 : vector<256x256xi32> to vector<256x256xf32>
    %gt3A_606 = arith.constant 5.000000e-01 : f32
    %gt3A_607 = vector.broadcast %gt3A_606 : f32 to vector<256x256xf32>
    %gt3A_608 = arith.cmpf ogt, %div3A_598, %gt3A_607 : vector<256x256xf32>
    %convert_element_type3A_609 = arith.extui %gt3A_608 : vector<256x256xi1> to vector<256x256xi32>
    %convert_element_type3A_610 = arith.sitofp %convert_element_type3A_609 : vector<256x256xi32> to vector<256x256xf32>
    %mul3A_611 = arith.mulf %convert_element_type3A_610, %convert_element_type3A_605 : vector<256x256xf32>
    %mul3A_612 = arith.mulf %mul3A_611, %convert_element_type3A_65 : vector<256x256xf32>
    %slice3A_613 = vector.extract_strided_slice %dot_general3A_53 {offsets = [0, 5], sizes = [256, 1], strides = [1, 1]} : vector<256x16xf32> to vector<256x1xf32>
    %slice3A_614 = vector.extract_strided_slice %dot_general3A_60 {offsets = [0, 5], sizes = [256, 1], strides = [1, 1]} : vector<256x16xf32> to vector<256x1xf32>
    %broadcast_in_dim3A_615 = arith.constant 0.000000e+00 : f32
    %broadcast_in_dim3A_616 = vector.broadcast %broadcast_in_dim3A_615 : f32 to vector<256x2xf32>
    %concatenate3A_617 = tpu.concatenate %dot_general3A_536, %slice3A_613, %slice3A_614, %broadcast_in_dim3A_616 in 1 : vector<256x4xf32>, vector<256x1xf32>, vector<256x1xf32>, vector<256x2xf32> -> vector<256x8xf32>
    %get3A_618 = arith.constant 6 : index
    %get3A_619 = arith.constant 0 : index
    %get3A_620 = arith.constant 0 : index
    %get3A_621 = vector.load %arg1[%get3A_618, %get3A_619, %get3A_620] : memref<16x256x4xf32, #tpu.memory_space<vmem>>, vector<1x256x4xf32>
    %get3A_622 = vector.shape_cast %get3A_621 : vector<1x256x4xf32> to vector<256x4xf32>
    %slice3A_623 = vector.extract_strided_slice %dot_general3A_46 {offsets = [0, 6], sizes = [256, 1], strides = [1, 1]} : vector<256x16xf32> to vector<256x1xf32>
    %eq3A_624 = vector.broadcast %slice3A_623 : vector<256x1xf32> to vector<256x256xf32>
    %eq3A_625 = arith.cmpf oeq, %eq3A_624, %convert_element_type3A_63 : vector<256x256xf32>
    %convert_element_type3A_626 = arith.extui %eq3A_625 : vector<256x256xi1> to vector<256x256xi32>
    %convert_element_type3A_627 = arith.sitofp %convert_element_type3A_626 : vector<256x256xi32> to vector<256x256xf32>
    %dot_general3A_628 = arith.constant dense<0.000000e+00> : vector<256x4xf32>
    %dot_general3A_629 = tpu.matmul %convert_element_type3A_627, %get3A_622, %dot_general3A_628 {dimension_numbers = #tpu.dot_dimension_numbers<[1], [0], [0], [1], [0, 0, 1, 1], [], []>, transpose_lhs_hint = false} : vector<256x256xf32>, vector<256x4xf32>, vector<256x4xf32> -> vector<256x4xf32>
    %iota3A_630 = tpu.iota {dimensions = array<i32: 0>} : vector<256x256xi32>
    %iota3A_631 = tpu.iota {dimensions = array<i32: 1>} : vector<256x256xi32>
    %eq3A_632 = arith.cmpi eq, %iota3A_630, %iota3A_631 : vector<256x256xi32>
    %convert_element_type3A_633 = arith.extui %eq3A_632 : vector<256x256xi1> to vector<256x256xi32>
    %convert_element_type3A_634 = arith.sitofp %convert_element_type3A_633 : vector<256x256xi32> to vector<256x256xf32>
    %dot_general3A_635 = arith.constant dense<0.000000e+00> : vector<4x256xf32>
    %dot_general3A_636 = tpu.matmul %dot_general3A_629, %convert_element_type3A_634, %dot_general3A_635 {dimension_numbers = #tpu.dot_dimension_numbers<[0], [0], [1], [1], [0, 1, 1, 1], [], []>, transpose_lhs_hint = false} : vector<256x4xf32>, vector<256x256xf32>, vector<4x256xf32> -> vector<4x256xf32>
    %slice3A_637 = vector.extract_strided_slice %dot_general3A_629 {offsets = [0, 0], sizes = [256, 1], strides = [1, 1]} : vector<256x4xf32> to vector<256x1xf32>
    %slice3A_638 = vector.extract_strided_slice %dot_general3A_629 {offsets = [0, 1], sizes = [256, 1], strides = [1, 1]} : vector<256x4xf32> to vector<256x1xf32>
    %slice3A_639 = vector.extract_strided_slice %dot_general3A_629 {offsets = [0, 2], sizes = [256, 1], strides = [1, 1]} : vector<256x4xf32> to vector<256x1xf32>
    %slice3A_640 = vector.extract_strided_slice %dot_general3A_629 {offsets = [0, 3], sizes = [256, 1], strides = [1, 1]} : vector<256x4xf32> to vector<256x1xf32>
    %slice3A_641 = vector.extract_strided_slice %dot_general3A_636 {offsets = [0, 0], sizes = [1, 256], strides = [1, 1]} : vector<4x256xf32> to vector<1x256xf32>
    %slice3A_642 = vector.extract_strided_slice %dot_general3A_636 {offsets = [1, 0], sizes = [1, 256], strides = [1, 1]} : vector<4x256xf32> to vector<1x256xf32>
    %slice3A_643 = vector.extract_strided_slice %dot_general3A_636 {offsets = [2, 0], sizes = [1, 256], strides = [1, 1]} : vector<4x256xf32> to vector<1x256xf32>
    %slice3A_644 = vector.extract_strided_slice %dot_general3A_636 {offsets = [3, 0], sizes = [1, 256], strides = [1, 1]} : vector<4x256xf32> to vector<1x256xf32>
    %sub3A_645 = arith.subf %slice3A_639, %slice3A_637 : vector<256x1xf32>
    %max3A_646 = arith.constant 0.000000e+00 : f32
    %max3A_647 = vector.broadcast %max3A_646 : f32 to vector<256x1xf32>
    %max3A_648 = arith.maximumf %sub3A_645, %max3A_647 : vector<256x1xf32>
    %sub3A_649 = arith.subf %slice3A_640, %slice3A_638 : vector<256x1xf32>
    %max3A_650 = arith.constant 0.000000e+00 : f32
    %max3A_651 = vector.broadcast %max3A_650 : f32 to vector<256x1xf32>
    %max3A_652 = arith.maximumf %sub3A_649, %max3A_651 : vector<256x1xf32>
    %mul3A_653 = arith.mulf %max3A_648, %max3A_652 : vector<256x1xf32>
    %sub3A_654 = arith.subf %slice3A_643, %slice3A_641 : vector<1x256xf32>
    %max3A_655 = arith.constant 0.000000e+00 : f32
    %max3A_656 = vector.broadcast %max3A_655 : f32 to vector<1x256xf32>
    %max3A_657 = arith.maximumf %sub3A_654, %max3A_656 : vector<1x256xf32>
    %sub3A_658 = arith.subf %slice3A_644, %slice3A_642 : vector<1x256xf32>
    %max3A_659 = arith.constant 0.000000e+00 : f32
    %max3A_660 = vector.broadcast %max3A_659 : f32 to vector<1x256xf32>
    %max3A_661 = arith.maximumf %sub3A_658, %max3A_660 : vector<1x256xf32>
    %mul3A_662 = arith.mulf %max3A_657, %max3A_661 : vector<1x256xf32>
    %min3A_663 = vector.broadcast %slice3A_639 : vector<256x1xf32> to vector<256x256xf32>
    %min3A_664 = vector.broadcast %slice3A_643 : vector<1x256xf32> to vector<256x256xf32>
    %min3A_665 = arith.minimumf %min3A_663, %min3A_664 : vector<256x256xf32>
    %max3A_666 = vector.broadcast %slice3A_637 : vector<256x1xf32> to vector<256x256xf32>
    %max3A_667 = vector.broadcast %slice3A_641 : vector<1x256xf32> to vector<256x256xf32>
    %max3A_668 = arith.maximumf %max3A_666, %max3A_667 : vector<256x256xf32>
    %sub3A_669 = arith.subf %min3A_665, %max3A_668 : vector<256x256xf32>
    %max3A_670 = arith.constant 0.000000e+00 : f32
    %max3A_671 = vector.broadcast %max3A_670 : f32 to vector<256x256xf32>
    %max3A_672 = arith.maximumf %sub3A_669, %max3A_671 : vector<256x256xf32>
    %min3A_673 = vector.broadcast %slice3A_640 : vector<256x1xf32> to vector<256x256xf32>
    %min3A_674 = vector.broadcast %slice3A_644 : vector<1x256xf32> to vector<256x256xf32>
    %min3A_675 = arith.minimumf %min3A_673, %min3A_674 : vector<256x256xf32>
    %max3A_676 = vector.broadcast %slice3A_638 : vector<256x1xf32> to vector<256x256xf32>
    %max3A_677 = vector.broadcast %slice3A_642 : vector<1x256xf32> to vector<256x256xf32>
    %max3A_678 = arith.maximumf %max3A_676, %max3A_677 : vector<256x256xf32>
    %sub3A_679 = arith.subf %min3A_675, %max3A_678 : vector<256x256xf32>
    %max3A_680 = arith.constant 0.000000e+00 : f32
    %max3A_681 = vector.broadcast %max3A_680 : f32 to vector<256x256xf32>
    %max3A_682 = arith.maximumf %sub3A_679, %max3A_681 : vector<256x256xf32>
    %mul3A_683 = arith.mulf %max3A_672, %max3A_682 : vector<256x256xf32>
    %add3A_684 = vector.broadcast %mul3A_653 : vector<256x1xf32> to vector<256x256xf32>
    %add3A_685 = vector.broadcast %mul3A_662 : vector<1x256xf32> to vector<256x256xf32>
    %add3A_686 = arith.addf %add3A_684, %add3A_685 : vector<256x256xf32>
    %sub3A_687 = arith.subf %add3A_686, %mul3A_683 : vector<256x256xf32>
    %max3A_688 = arith.constant 9.99999993E-9 : f32
    %max3A_689 = vector.broadcast %max3A_688 : f32 to vector<256x256xf32>
    %max3A_690 = arith.maximumf %sub3A_687, %max3A_689 : vector<256x256xf32>
    %div3A_691 = arith.divf %mul3A_683, %max3A_690 : vector<256x256xf32>
    %slice3A_692 = vector.extract_strided_slice %dot_general3A_53 {offsets = [0, 6], sizes = [256, 1], strides = [1, 1]} : vector<256x16xf32> to vector<256x1xf32>
    %slice3A_693 = vector.extract_strided_slice %convert_element_type3A {offsets = [6, 0], sizes = [1, 256], strides = [1, 1]} : vector<16x256xf32> to vector<1x256xf32>
    %eq3A_694 = vector.broadcast %slice3A_692 : vector<256x1xf32> to vector<256x256xf32>
    %eq3A_695 = vector.broadcast %slice3A_693 : vector<1x256xf32> to vector<256x256xf32>
    %eq3A_696 = arith.cmpf oeq, %eq3A_694, %eq3A_695 : vector<256x256xf32>
    %convert_element_type3A_697 = arith.extui %eq3A_696 : vector<256x256xi1> to vector<256x256xi32>
    %convert_element_type3A_698 = arith.sitofp %convert_element_type3A_697 : vector<256x256xi32> to vector<256x256xf32>
    %gt3A_699 = arith.constant 5.000000e-01 : f32
    %gt3A_700 = vector.broadcast %gt3A_699 : f32 to vector<256x256xf32>
    %gt3A_701 = arith.cmpf ogt, %div3A_691, %gt3A_700 : vector<256x256xf32>
    %convert_element_type3A_702 = arith.extui %gt3A_701 : vector<256x256xi1> to vector<256x256xi32>
    %convert_element_type3A_703 = arith.sitofp %convert_element_type3A_702 : vector<256x256xi32> to vector<256x256xf32>
    %mul3A_704 = arith.mulf %convert_element_type3A_703, %convert_element_type3A_698 : vector<256x256xf32>
    %mul3A_705 = arith.mulf %mul3A_704, %convert_element_type3A_65 : vector<256x256xf32>
    %slice3A_706 = vector.extract_strided_slice %dot_general3A_53 {offsets = [0, 6], sizes = [256, 1], strides = [1, 1]} : vector<256x16xf32> to vector<256x1xf32>
    %slice3A_707 = vector.extract_strided_slice %dot_general3A_60 {offsets = [0, 6], sizes = [256, 1], strides = [1, 1]} : vector<256x16xf32> to vector<256x1xf32>
    %broadcast_in_dim3A_708 = arith.constant 0.000000e+00 : f32
    %broadcast_in_dim3A_709 = vector.broadcast %broadcast_in_dim3A_708 : f32 to vector<256x2xf32>
    %concatenate3A_710 = tpu.concatenate %dot_general3A_629, %slice3A_706, %slice3A_707, %broadcast_in_dim3A_709 in 1 : vector<256x4xf32>, vector<256x1xf32>, vector<256x1xf32>, vector<256x2xf32> -> vector<256x8xf32>
    %get3A_711 = arith.constant 7 : index
    %get3A_712 = arith.constant 0 : index
    %get3A_713 = arith.constant 0 : index
    %get3A_714 = vector.load %arg1[%get3A_711, %get3A_712, %get3A_713] : memref<16x256x4xf32, #tpu.memory_space<vmem>>, vector<1x256x4xf32>
    %get3A_715 = vector.shape_cast %get3A_714 : vector<1x256x4xf32> to vector<256x4xf32>
    %slice3A_716 = vector.extract_strided_slice %dot_general3A_46 {offsets = [0, 7], sizes = [256, 1], strides = [1, 1]} : vector<256x16xf32> to vector<256x1xf32>
    %eq3A_717 = vector.broadcast %slice3A_716 : vector<256x1xf32> to vector<256x256xf32>
    %eq3A_718 = arith.cmpf oeq, %eq3A_717, %convert_element_type3A_63 : vector<256x256xf32>
    %convert_element_type3A_719 = arith.extui %eq3A_718 : vector<256x256xi1> to vector<256x256xi32>
    %convert_element_type3A_720 = arith.sitofp %convert_element_type3A_719 : vector<256x256xi32> to vector<256x256xf32>
    %dot_general3A_721 = arith.constant dense<0.000000e+00> : vector<256x4xf32>
    %dot_general3A_722 = tpu.matmul %convert_element_type3A_720, %get3A_715, %dot_general3A_721 {dimension_numbers = #tpu.dot_dimension_numbers<[1], [0], [0], [1], [0, 0, 1, 1], [], []>, transpose_lhs_hint = false} : vector<256x256xf32>, vector<256x4xf32>, vector<256x4xf32> -> vector<256x4xf32>
    %iota3A_723 = tpu.iota {dimensions = array<i32: 0>} : vector<256x256xi32>
    %iota3A_724 = tpu.iota {dimensions = array<i32: 1>} : vector<256x256xi32>
    %eq3A_725 = arith.cmpi eq, %iota3A_723, %iota3A_724 : vector<256x256xi32>
    %convert_element_type3A_726 = arith.extui %eq3A_725 : vector<256x256xi1> to vector<256x256xi32>
    %convert_element_type3A_727 = arith.sitofp %convert_element_type3A_726 : vector<256x256xi32> to vector<256x256xf32>
    %dot_general3A_728 = arith.constant dense<0.000000e+00> : vector<4x256xf32>
    %dot_general3A_729 = tpu.matmul %dot_general3A_722, %convert_element_type3A_727, %dot_general3A_728 {dimension_numbers = #tpu.dot_dimension_numbers<[0], [0], [1], [1], [0, 1, 1, 1], [], []>, transpose_lhs_hint = false} : vector<256x4xf32>, vector<256x256xf32>, vector<4x256xf32> -> vector<4x256xf32>
    %slice3A_730 = vector.extract_strided_slice %dot_general3A_722 {offsets = [0, 0], sizes = [256, 1], strides = [1, 1]} : vector<256x4xf32> to vector<256x1xf32>
    %slice3A_731 = vector.extract_strided_slice %dot_general3A_722 {offsets = [0, 1], sizes = [256, 1], strides = [1, 1]} : vector<256x4xf32> to vector<256x1xf32>
    %slice3A_732 = vector.extract_strided_slice %dot_general3A_722 {offsets = [0, 2], sizes = [256, 1], strides = [1, 1]} : vector<256x4xf32> to vector<256x1xf32>
    %slice3A_733 = vector.extract_strided_slice %dot_general3A_722 {offsets = [0, 3], sizes = [256, 1], strides = [1, 1]} : vector<256x4xf32> to vector<256x1xf32>
    %slice3A_734 = vector.extract_strided_slice %dot_general3A_729 {offsets = [0, 0], sizes = [1, 256], strides = [1, 1]} : vector<4x256xf32> to vector<1x256xf32>
    %slice3A_735 = vector.extract_strided_slice %dot_general3A_729 {offsets = [1, 0], sizes = [1, 256], strides = [1, 1]} : vector<4x256xf32> to vector<1x256xf32>
    %slice3A_736 = vector.extract_strided_slice %dot_general3A_729 {offsets = [2, 0], sizes = [1, 256], strides = [1, 1]} : vector<4x256xf32> to vector<1x256xf32>
    %slice3A_737 = vector.extract_strided_slice %dot_general3A_729 {offsets = [3, 0], sizes = [1, 256], strides = [1, 1]} : vector<4x256xf32> to vector<1x256xf32>
    %sub3A_738 = arith.subf %slice3A_732, %slice3A_730 : vector<256x1xf32>
    %max3A_739 = arith.constant 0.000000e+00 : f32
    %max3A_740 = vector.broadcast %max3A_739 : f32 to vector<256x1xf32>
    %max3A_741 = arith.maximumf %sub3A_738, %max3A_740 : vector<256x1xf32>
    %sub3A_742 = arith.subf %slice3A_733, %slice3A_731 : vector<256x1xf32>
    %max3A_743 = arith.constant 0.000000e+00 : f32
    %max3A_744 = vector.broadcast %max3A_743 : f32 to vector<256x1xf32>
    %max3A_745 = arith.maximumf %sub3A_742, %max3A_744 : vector<256x1xf32>
    %mul3A_746 = arith.mulf %max3A_741, %max3A_745 : vector<256x1xf32>
    %sub3A_747 = arith.subf %slice3A_736, %slice3A_734 : vector<1x256xf32>
    %max3A_748 = arith.constant 0.000000e+00 : f32
    %max3A_749 = vector.broadcast %max3A_748 : f32 to vector<1x256xf32>
    %max3A_750 = arith.maximumf %sub3A_747, %max3A_749 : vector<1x256xf32>
    %sub3A_751 = arith.subf %slice3A_737, %slice3A_735 : vector<1x256xf32>
    %max3A_752 = arith.constant 0.000000e+00 : f32
    %max3A_753 = vector.broadcast %max3A_752 : f32 to vector<1x256xf32>
    %max3A_754 = arith.maximumf %sub3A_751, %max3A_753 : vector<1x256xf32>
    %mul3A_755 = arith.mulf %max3A_750, %max3A_754 : vector<1x256xf32>
    %min3A_756 = vector.broadcast %slice3A_732 : vector<256x1xf32> to vector<256x256xf32>
    %min3A_757 = vector.broadcast %slice3A_736 : vector<1x256xf32> to vector<256x256xf32>
    %min3A_758 = arith.minimumf %min3A_756, %min3A_757 : vector<256x256xf32>
    %max3A_759 = vector.broadcast %slice3A_730 : vector<256x1xf32> to vector<256x256xf32>
    %max3A_760 = vector.broadcast %slice3A_734 : vector<1x256xf32> to vector<256x256xf32>
    %max3A_761 = arith.maximumf %max3A_759, %max3A_760 : vector<256x256xf32>
    %sub3A_762 = arith.subf %min3A_758, %max3A_761 : vector<256x256xf32>
    %max3A_763 = arith.constant 0.000000e+00 : f32
    %max3A_764 = vector.broadcast %max3A_763 : f32 to vector<256x256xf32>
    %max3A_765 = arith.maximumf %sub3A_762, %max3A_764 : vector<256x256xf32>
    %min3A_766 = vector.broadcast %slice3A_733 : vector<256x1xf32> to vector<256x256xf32>
    %min3A_767 = vector.broadcast %slice3A_737 : vector<1x256xf32> to vector<256x256xf32>
    %min3A_768 = arith.minimumf %min3A_766, %min3A_767 : vector<256x256xf32>
    %max3A_769 = vector.broadcast %slice3A_731 : vector<256x1xf32> to vector<256x256xf32>
    %max3A_770 = vector.broadcast %slice3A_735 : vector<1x256xf32> to vector<256x256xf32>
    %max3A_771 = arith.maximumf %max3A_769, %max3A_770 : vector<256x256xf32>
    %sub3A_772 = arith.subf %min3A_768, %max3A_771 : vector<256x256xf32>
    %max3A_773 = arith.constant 0.000000e+00 : f32
    %max3A_774 = vector.broadcast %max3A_773 : f32 to vector<256x256xf32>
    %max3A_775 = arith.maximumf %sub3A_772, %max3A_774 : vector<256x256xf32>
    %mul3A_776 = arith.mulf %max3A_765, %max3A_775 : vector<256x256xf32>
    %add3A_777 = vector.broadcast %mul3A_746 : vector<256x1xf32> to vector<256x256xf32>
    %add3A_778 = vector.broadcast %mul3A_755 : vector<1x256xf32> to vector<256x256xf32>
    %add3A_779 = arith.addf %add3A_777, %add3A_778 : vector<256x256xf32>
    %sub3A_780 = arith.subf %add3A_779, %mul3A_776 : vector<256x256xf32>
    %max3A_781 = arith.constant 9.99999993E-9 : f32
    %max3A_782 = vector.broadcast %max3A_781 : f32 to vector<256x256xf32>
    %max3A_783 = arith.maximumf %sub3A_780, %max3A_782 : vector<256x256xf32>
    %div3A_784 = arith.divf %mul3A_776, %max3A_783 : vector<256x256xf32>
    %slice3A_785 = vector.extract_strided_slice %dot_general3A_53 {offsets = [0, 7], sizes = [256, 1], strides = [1, 1]} : vector<256x16xf32> to vector<256x1xf32>
    %slice3A_786 = vector.extract_strided_slice %convert_element_type3A {offsets = [7, 0], sizes = [1, 256], strides = [1, 1]} : vector<16x256xf32> to vector<1x256xf32>
    %eq3A_787 = vector.broadcast %slice3A_785 : vector<256x1xf32> to vector<256x256xf32>
    %eq3A_788 = vector.broadcast %slice3A_786 : vector<1x256xf32> to vector<256x256xf32>
    %eq3A_789 = arith.cmpf oeq, %eq3A_787, %eq3A_788 : vector<256x256xf32>
    %convert_element_type3A_790 = arith.extui %eq3A_789 : vector<256x256xi1> to vector<256x256xi32>
    %convert_element_type3A_791 = arith.sitofp %convert_element_type3A_790 : vector<256x256xi32> to vector<256x256xf32>
    %gt3A_792 = arith.constant 5.000000e-01 : f32
    %gt3A_793 = vector.broadcast %gt3A_792 : f32 to vector<256x256xf32>
    %gt3A_794 = arith.cmpf ogt, %div3A_784, %gt3A_793 : vector<256x256xf32>
    %convert_element_type3A_795 = arith.extui %gt3A_794 : vector<256x256xi1> to vector<256x256xi32>
    %convert_element_type3A_796 = arith.sitofp %convert_element_type3A_795 : vector<256x256xi32> to vector<256x256xf32>
    %mul3A_797 = arith.mulf %convert_element_type3A_796, %convert_element_type3A_791 : vector<256x256xf32>
    %mul3A_798 = arith.mulf %mul3A_797, %convert_element_type3A_65 : vector<256x256xf32>
    %slice3A_799 = vector.extract_strided_slice %dot_general3A_53 {offsets = [0, 7], sizes = [256, 1], strides = [1, 1]} : vector<256x16xf32> to vector<256x1xf32>
    %slice3A_800 = vector.extract_strided_slice %dot_general3A_60 {offsets = [0, 7], sizes = [256, 1], strides = [1, 1]} : vector<256x16xf32> to vector<256x1xf32>
    %broadcast_in_dim3A_801 = arith.constant 0.000000e+00 : f32
    %broadcast_in_dim3A_802 = vector.broadcast %broadcast_in_dim3A_801 : f32 to vector<256x2xf32>
    %concatenate3A_803 = tpu.concatenate %dot_general3A_722, %slice3A_799, %slice3A_800, %broadcast_in_dim3A_802 in 1 : vector<256x4xf32>, vector<256x1xf32>, vector<256x1xf32>, vector<256x2xf32> -> vector<256x8xf32>
    %get3A_804 = arith.constant 8 : index
    %get3A_805 = arith.constant 0 : index
    %get3A_806 = arith.constant 0 : index
    %get3A_807 = vector.load %arg1[%get3A_804, %get3A_805, %get3A_806] : memref<16x256x4xf32, #tpu.memory_space<vmem>>, vector<1x256x4xf32>
    %get3A_808 = vector.shape_cast %get3A_807 : vector<1x256x4xf32> to vector<256x4xf32>
    %slice3A_809 = vector.extract_strided_slice %dot_general3A_46 {offsets = [0, 8], sizes = [256, 1], strides = [1, 1]} : vector<256x16xf32> to vector<256x1xf32>
    %eq3A_810 = vector.broadcast %slice3A_809 : vector<256x1xf32> to vector<256x256xf32>
    %eq3A_811 = arith.cmpf oeq, %eq3A_810, %convert_element_type3A_63 : vector<256x256xf32>
    %convert_element_type3A_812 = arith.extui %eq3A_811 : vector<256x256xi1> to vector<256x256xi32>
    %convert_element_type3A_813 = arith.sitofp %convert_element_type3A_812 : vector<256x256xi32> to vector<256x256xf32>
    %dot_general3A_814 = arith.constant dense<0.000000e+00> : vector<256x4xf32>
    %dot_general3A_815 = tpu.matmul %convert_element_type3A_813, %get3A_808, %dot_general3A_814 {dimension_numbers = #tpu.dot_dimension_numbers<[1], [0], [0], [1], [0, 0, 1, 1], [], []>, transpose_lhs_hint = false} : vector<256x256xf32>, vector<256x4xf32>, vector<256x4xf32> -> vector<256x4xf32>
    %iota3A_816 = tpu.iota {dimensions = array<i32: 0>} : vector<256x256xi32>
    %iota3A_817 = tpu.iota {dimensions = array<i32: 1>} : vector<256x256xi32>
    %eq3A_818 = arith.cmpi eq, %iota3A_816, %iota3A_817 : vector<256x256xi32>
    %convert_element_type3A_819 = arith.extui %eq3A_818 : vector<256x256xi1> to vector<256x256xi32>
    %convert_element_type3A_820 = arith.sitofp %convert_element_type3A_819 : vector<256x256xi32> to vector<256x256xf32>
    %dot_general3A_821 = arith.constant dense<0.000000e+00> : vector<4x256xf32>
    %dot_general3A_822 = tpu.matmul %dot_general3A_815, %convert_element_type3A_820, %dot_general3A_821 {dimension_numbers = #tpu.dot_dimension_numbers<[0], [0], [1], [1], [0, 1, 1, 1], [], []>, transpose_lhs_hint = false} : vector<256x4xf32>, vector<256x256xf32>, vector<4x256xf32> -> vector<4x256xf32>
    %slice3A_823 = vector.extract_strided_slice %dot_general3A_815 {offsets = [0, 0], sizes = [256, 1], strides = [1, 1]} : vector<256x4xf32> to vector<256x1xf32>
    %slice3A_824 = vector.extract_strided_slice %dot_general3A_815 {offsets = [0, 1], sizes = [256, 1], strides = [1, 1]} : vector<256x4xf32> to vector<256x1xf32>
    %slice3A_825 = vector.extract_strided_slice %dot_general3A_815 {offsets = [0, 2], sizes = [256, 1], strides = [1, 1]} : vector<256x4xf32> to vector<256x1xf32>
    %slice3A_826 = vector.extract_strided_slice %dot_general3A_815 {offsets = [0, 3], sizes = [256, 1], strides = [1, 1]} : vector<256x4xf32> to vector<256x1xf32>
    %slice3A_827 = vector.extract_strided_slice %dot_general3A_822 {offsets = [0, 0], sizes = [1, 256], strides = [1, 1]} : vector<4x256xf32> to vector<1x256xf32>
    %slice3A_828 = vector.extract_strided_slice %dot_general3A_822 {offsets = [1, 0], sizes = [1, 256], strides = [1, 1]} : vector<4x256xf32> to vector<1x256xf32>
    %slice3A_829 = vector.extract_strided_slice %dot_general3A_822 {offsets = [2, 0], sizes = [1, 256], strides = [1, 1]} : vector<4x256xf32> to vector<1x256xf32>
    %slice3A_830 = vector.extract_strided_slice %dot_general3A_822 {offsets = [3, 0], sizes = [1, 256], strides = [1, 1]} : vector<4x256xf32> to vector<1x256xf32>
    %sub3A_831 = arith.subf %slice3A_825, %slice3A_823 : vector<256x1xf32>
    %max3A_832 = arith.constant 0.000000e+00 : f32
    %max3A_833 = vector.broadcast %max3A_832 : f32 to vector<256x1xf32>
    %max3A_834 = arith.maximumf %sub3A_831, %max3A_833 : vector<256x1xf32>
    %sub3A_835 = arith.subf %slice3A_826, %slice3A_824 : vector<256x1xf32>
    %max3A_836 = arith.constant 0.000000e+00 : f32
    %max3A_837 = vector.broadcast %max3A_836 : f32 to vector<256x1xf32>
    %max3A_838 = arith.maximumf %sub3A_835, %max3A_837 : vector<256x1xf32>
    %mul3A_839 = arith.mulf %max3A_834, %max3A_838 : vector<256x1xf32>
    %sub3A_840 = arith.subf %slice3A_829, %slice3A_827 : vector<1x256xf32>
    %max3A_841 = arith.constant 0.000000e+00 : f32
    %max3A_842 = vector.broadcast %max3A_841 : f32 to vector<1x256xf32>
    %max3A_843 = arith.maximumf %sub3A_840, %max3A_842 : vector<1x256xf32>
    %sub3A_844 = arith.subf %slice3A_830, %slice3A_828 : vector<1x256xf32>
    %max3A_845 = arith.constant 0.000000e+00 : f32
    %max3A_846 = vector.broadcast %max3A_845 : f32 to vector<1x256xf32>
    %max3A_847 = arith.maximumf %sub3A_844, %max3A_846 : vector<1x256xf32>
    %mul3A_848 = arith.mulf %max3A_843, %max3A_847 : vector<1x256xf32>
    %min3A_849 = vector.broadcast %slice3A_825 : vector<256x1xf32> to vector<256x256xf32>
    %min3A_850 = vector.broadcast %slice3A_829 : vector<1x256xf32> to vector<256x256xf32>
    %min3A_851 = arith.minimumf %min3A_849, %min3A_850 : vector<256x256xf32>
    %max3A_852 = vector.broadcast %slice3A_823 : vector<256x1xf32> to vector<256x256xf32>
    %max3A_853 = vector.broadcast %slice3A_827 : vector<1x256xf32> to vector<256x256xf32>
    %max3A_854 = arith.maximumf %max3A_852, %max3A_853 : vector<256x256xf32>
    %sub3A_855 = arith.subf %min3A_851, %max3A_854 : vector<256x256xf32>
    %max3A_856 = arith.constant 0.000000e+00 : f32
    %max3A_857 = vector.broadcast %max3A_856 : f32 to vector<256x256xf32>
    %max3A_858 = arith.maximumf %sub3A_855, %max3A_857 : vector<256x256xf32>
    %min3A_859 = vector.broadcast %slice3A_826 : vector<256x1xf32> to vector<256x256xf32>
    %min3A_860 = vector.broadcast %slice3A_830 : vector<1x256xf32> to vector<256x256xf32>
    %min3A_861 = arith.minimumf %min3A_859, %min3A_860 : vector<256x256xf32>
    %max3A_862 = vector.broadcast %slice3A_824 : vector<256x1xf32> to vector<256x256xf32>
    %max3A_863 = vector.broadcast %slice3A_828 : vector<1x256xf32> to vector<256x256xf32>
    %max3A_864 = arith.maximumf %max3A_862, %max3A_863 : vector<256x256xf32>
    %sub3A_865 = arith.subf %min3A_861, %max3A_864 : vector<256x256xf32>
    %max3A_866 = arith.constant 0.000000e+00 : f32
    %max3A_867 = vector.broadcast %max3A_866 : f32 to vector<256x256xf32>
    %max3A_868 = arith.maximumf %sub3A_865, %max3A_867 : vector<256x256xf32>
    %mul3A_869 = arith.mulf %max3A_858, %max3A_868 : vector<256x256xf32>
    %add3A_870 = vector.broadcast %mul3A_839 : vector<256x1xf32> to vector<256x256xf32>
    %add3A_871 = vector.broadcast %mul3A_848 : vector<1x256xf32> to vector<256x256xf32>
    %add3A_872 = arith.addf %add3A_870, %add3A_871 : vector<256x256xf32>
    %sub3A_873 = arith.subf %add3A_872, %mul3A_869 : vector<256x256xf32>
    %max3A_874 = arith.constant 9.99999993E-9 : f32
    %max3A_875 = vector.broadcast %max3A_874 : f32 to vector<256x256xf32>
    %max3A_876 = arith.maximumf %sub3A_873, %max3A_875 : vector<256x256xf32>
    %div3A_877 = arith.divf %mul3A_869, %max3A_876 : vector<256x256xf32>
    %slice3A_878 = vector.extract_strided_slice %dot_general3A_53 {offsets = [0, 8], sizes = [256, 1], strides = [1, 1]} : vector<256x16xf32> to vector<256x1xf32>
    %slice3A_879 = vector.extract_strided_slice %convert_element_type3A {offsets = [8, 0], sizes = [1, 256], strides = [1, 1]} : vector<16x256xf32> to vector<1x256xf32>
    %eq3A_880 = vector.broadcast %slice3A_878 : vector<256x1xf32> to vector<256x256xf32>
    %eq3A_881 = vector.broadcast %slice3A_879 : vector<1x256xf32> to vector<256x256xf32>
    %eq3A_882 = arith.cmpf oeq, %eq3A_880, %eq3A_881 : vector<256x256xf32>
    %convert_element_type3A_883 = arith.extui %eq3A_882 : vector<256x256xi1> to vector<256x256xi32>
    %convert_element_type3A_884 = arith.sitofp %convert_element_type3A_883 : vector<256x256xi32> to vector<256x256xf32>
    %gt3A_885 = arith.constant 5.000000e-01 : f32
    %gt3A_886 = vector.broadcast %gt3A_885 : f32 to vector<256x256xf32>
    %gt3A_887 = arith.cmpf ogt, %div3A_877, %gt3A_886 : vector<256x256xf32>
    %convert_element_type3A_888 = arith.extui %gt3A_887 : vector<256x256xi1> to vector<256x256xi32>
    %convert_element_type3A_889 = arith.sitofp %convert_element_type3A_888 : vector<256x256xi32> to vector<256x256xf32>
    %mul3A_890 = arith.mulf %convert_element_type3A_889, %convert_element_type3A_884 : vector<256x256xf32>
    %mul3A_891 = arith.mulf %mul3A_890, %convert_element_type3A_65 : vector<256x256xf32>
    %slice3A_892 = vector.extract_strided_slice %dot_general3A_53 {offsets = [0, 8], sizes = [256, 1], strides = [1, 1]} : vector<256x16xf32> to vector<256x1xf32>
    %slice3A_893 = vector.extract_strided_slice %dot_general3A_60 {offsets = [0, 8], sizes = [256, 1], strides = [1, 1]} : vector<256x16xf32> to vector<256x1xf32>
    %broadcast_in_dim3A_894 = arith.constant 0.000000e+00 : f32
    %broadcast_in_dim3A_895 = vector.broadcast %broadcast_in_dim3A_894 : f32 to vector<256x2xf32>
    %concatenate3A_896 = tpu.concatenate %dot_general3A_815, %slice3A_892, %slice3A_893, %broadcast_in_dim3A_895 in 1 : vector<256x4xf32>, vector<256x1xf32>, vector<256x1xf32>, vector<256x2xf32> -> vector<256x8xf32>
    %get3A_897 = arith.constant 9 : index
    %get3A_898 = arith.constant 0 : index
    %get3A_899 = arith.constant 0 : index
    %get3A_900 = vector.load %arg1[%get3A_897, %get3A_898, %get3A_899] : memref<16x256x4xf32, #tpu.memory_space<vmem>>, vector<1x256x4xf32>
    %get3A_901 = vector.shape_cast %get3A_900 : vector<1x256x4xf32> to vector<256x4xf32>
    %slice3A_902 = vector.extract_strided_slice %dot_general3A_46 {offsets = [0, 9], sizes = [256, 1], strides = [1, 1]} : vector<256x16xf32> to vector<256x1xf32>
    %eq3A_903 = vector.broadcast %slice3A_902 : vector<256x1xf32> to vector<256x256xf32>
    %eq3A_904 = arith.cmpf oeq, %eq3A_903, %convert_element_type3A_63 : vector<256x256xf32>
    %convert_element_type3A_905 = arith.extui %eq3A_904 : vector<256x256xi1> to vector<256x256xi32>
    %convert_element_type3A_906 = arith.sitofp %convert_element_type3A_905 : vector<256x256xi32> to vector<256x256xf32>
    %dot_general3A_907 = arith.constant dense<0.000000e+00> : vector<256x4xf32>
    %dot_general3A_908 = tpu.matmul %convert_element_type3A_906, %get3A_901, %dot_general3A_907 {dimension_numbers = #tpu.dot_dimension_numbers<[1], [0], [0], [1], [0, 0, 1, 1], [], []>, transpose_lhs_hint = false} : vector<256x256xf32>, vector<256x4xf32>, vector<256x4xf32> -> vector<256x4xf32>
    %iota3A_909 = tpu.iota {dimensions = array<i32: 0>} : vector<256x256xi32>
    %iota3A_910 = tpu.iota {dimensions = array<i32: 1>} : vector<256x256xi32>
    %eq3A_911 = arith.cmpi eq, %iota3A_909, %iota3A_910 : vector<256x256xi32>
    %convert_element_type3A_912 = arith.extui %eq3A_911 : vector<256x256xi1> to vector<256x256xi32>
    %convert_element_type3A_913 = arith.sitofp %convert_element_type3A_912 : vector<256x256xi32> to vector<256x256xf32>
    %dot_general3A_914 = arith.constant dense<0.000000e+00> : vector<4x256xf32>
    %dot_general3A_915 = tpu.matmul %dot_general3A_908, %convert_element_type3A_913, %dot_general3A_914 {dimension_numbers = #tpu.dot_dimension_numbers<[0], [0], [1], [1], [0, 1, 1, 1], [], []>, transpose_lhs_hint = false} : vector<256x4xf32>, vector<256x256xf32>, vector<4x256xf32> -> vector<4x256xf32>
    %slice3A_916 = vector.extract_strided_slice %dot_general3A_908 {offsets = [0, 0], sizes = [256, 1], strides = [1, 1]} : vector<256x4xf32> to vector<256x1xf32>
    %slice3A_917 = vector.extract_strided_slice %dot_general3A_908 {offsets = [0, 1], sizes = [256, 1], strides = [1, 1]} : vector<256x4xf32> to vector<256x1xf32>
    %slice3A_918 = vector.extract_strided_slice %dot_general3A_908 {offsets = [0, 2], sizes = [256, 1], strides = [1, 1]} : vector<256x4xf32> to vector<256x1xf32>
    %slice3A_919 = vector.extract_strided_slice %dot_general3A_908 {offsets = [0, 3], sizes = [256, 1], strides = [1, 1]} : vector<256x4xf32> to vector<256x1xf32>
    %slice3A_920 = vector.extract_strided_slice %dot_general3A_915 {offsets = [0, 0], sizes = [1, 256], strides = [1, 1]} : vector<4x256xf32> to vector<1x256xf32>
    %slice3A_921 = vector.extract_strided_slice %dot_general3A_915 {offsets = [1, 0], sizes = [1, 256], strides = [1, 1]} : vector<4x256xf32> to vector<1x256xf32>
    %slice3A_922 = vector.extract_strided_slice %dot_general3A_915 {offsets = [2, 0], sizes = [1, 256], strides = [1, 1]} : vector<4x256xf32> to vector<1x256xf32>
    %slice3A_923 = vector.extract_strided_slice %dot_general3A_915 {offsets = [3, 0], sizes = [1, 256], strides = [1, 1]} : vector<4x256xf32> to vector<1x256xf32>
    %sub3A_924 = arith.subf %slice3A_918, %slice3A_916 : vector<256x1xf32>
    %max3A_925 = arith.constant 0.000000e+00 : f32
    %max3A_926 = vector.broadcast %max3A_925 : f32 to vector<256x1xf32>
    %max3A_927 = arith.maximumf %sub3A_924, %max3A_926 : vector<256x1xf32>
    %sub3A_928 = arith.subf %slice3A_919, %slice3A_917 : vector<256x1xf32>
    %max3A_929 = arith.constant 0.000000e+00 : f32
    %max3A_930 = vector.broadcast %max3A_929 : f32 to vector<256x1xf32>
    %max3A_931 = arith.maximumf %sub3A_928, %max3A_930 : vector<256x1xf32>
    %mul3A_932 = arith.mulf %max3A_927, %max3A_931 : vector<256x1xf32>
    %sub3A_933 = arith.subf %slice3A_922, %slice3A_920 : vector<1x256xf32>
    %max3A_934 = arith.constant 0.000000e+00 : f32
    %max3A_935 = vector.broadcast %max3A_934 : f32 to vector<1x256xf32>
    %max3A_936 = arith.maximumf %sub3A_933, %max3A_935 : vector<1x256xf32>
    %sub3A_937 = arith.subf %slice3A_923, %slice3A_921 : vector<1x256xf32>
    %max3A_938 = arith.constant 0.000000e+00 : f32
    %max3A_939 = vector.broadcast %max3A_938 : f32 to vector<1x256xf32>
    %max3A_940 = arith.maximumf %sub3A_937, %max3A_939 : vector<1x256xf32>
    %mul3A_941 = arith.mulf %max3A_936, %max3A_940 : vector<1x256xf32>
    %min3A_942 = vector.broadcast %slice3A_918 : vector<256x1xf32> to vector<256x256xf32>
    %min3A_943 = vector.broadcast %slice3A_922 : vector<1x256xf32> to vector<256x256xf32>
    %min3A_944 = arith.minimumf %min3A_942, %min3A_943 : vector<256x256xf32>
    %max3A_945 = vector.broadcast %slice3A_916 : vector<256x1xf32> to vector<256x256xf32>
    %max3A_946 = vector.broadcast %slice3A_920 : vector<1x256xf32> to vector<256x256xf32>
    %max3A_947 = arith.maximumf %max3A_945, %max3A_946 : vector<256x256xf32>
    %sub3A_948 = arith.subf %min3A_944, %max3A_947 : vector<256x256xf32>
    %max3A_949 = arith.constant 0.000000e+00 : f32
    %max3A_950 = vector.broadcast %max3A_949 : f32 to vector<256x256xf32>
    %max3A_951 = arith.maximumf %sub3A_948, %max3A_950 : vector<256x256xf32>
    %min3A_952 = vector.broadcast %slice3A_919 : vector<256x1xf32> to vector<256x256xf32>
    %min3A_953 = vector.broadcast %slice3A_923 : vector<1x256xf32> to vector<256x256xf32>
    %min3A_954 = arith.minimumf %min3A_952, %min3A_953 : vector<256x256xf32>
    %max3A_955 = vector.broadcast %slice3A_917 : vector<256x1xf32> to vector<256x256xf32>
    %max3A_956 = vector.broadcast %slice3A_921 : vector<1x256xf32> to vector<256x256xf32>
    %max3A_957 = arith.maximumf %max3A_955, %max3A_956 : vector<256x256xf32>
    %sub3A_958 = arith.subf %min3A_954, %max3A_957 : vector<256x256xf32>
    %max3A_959 = arith.constant 0.000000e+00 : f32
    %max3A_960 = vector.broadcast %max3A_959 : f32 to vector<256x256xf32>
    %max3A_961 = arith.maximumf %sub3A_958, %max3A_960 : vector<256x256xf32>
    %mul3A_962 = arith.mulf %max3A_951, %max3A_961 : vector<256x256xf32>
    %add3A_963 = vector.broadcast %mul3A_932 : vector<256x1xf32> to vector<256x256xf32>
    %add3A_964 = vector.broadcast %mul3A_941 : vector<1x256xf32> to vector<256x256xf32>
    %add3A_965 = arith.addf %add3A_963, %add3A_964 : vector<256x256xf32>
    %sub3A_966 = arith.subf %add3A_965, %mul3A_962 : vector<256x256xf32>
    %max3A_967 = arith.constant 9.99999993E-9 : f32
    %max3A_968 = vector.broadcast %max3A_967 : f32 to vector<256x256xf32>
    %max3A_969 = arith.maximumf %sub3A_966, %max3A_968 : vector<256x256xf32>
    %div3A_970 = arith.divf %mul3A_962, %max3A_969 : vector<256x256xf32>
    %slice3A_971 = vector.extract_strided_slice %dot_general3A_53 {offsets = [0, 9], sizes = [256, 1], strides = [1, 1]} : vector<256x16xf32> to vector<256x1xf32>
    %slice3A_972 = vector.extract_strided_slice %convert_element_type3A {offsets = [9, 0], sizes = [1, 256], strides = [1, 1]} : vector<16x256xf32> to vector<1x256xf32>
    %eq3A_973 = vector.broadcast %slice3A_971 : vector<256x1xf32> to vector<256x256xf32>
    %eq3A_974 = vector.broadcast %slice3A_972 : vector<1x256xf32> to vector<256x256xf32>
    %eq3A_975 = arith.cmpf oeq, %eq3A_973, %eq3A_974 : vector<256x256xf32>
    %convert_element_type3A_976 = arith.extui %eq3A_975 : vector<256x256xi1> to vector<256x256xi32>
    %convert_element_type3A_977 = arith.sitofp %convert_element_type3A_976 : vector<256x256xi32> to vector<256x256xf32>
    %gt3A_978 = arith.constant 5.000000e-01 : f32
    %gt3A_979 = vector.broadcast %gt3A_978 : f32 to vector<256x256xf32>
    %gt3A_980 = arith.cmpf ogt, %div3A_970, %gt3A_979 : vector<256x256xf32>
    %convert_element_type3A_981 = arith.extui %gt3A_980 : vector<256x256xi1> to vector<256x256xi32>
    %convert_element_type3A_982 = arith.sitofp %convert_element_type3A_981 : vector<256x256xi32> to vector<256x256xf32>
    %mul3A_983 = arith.mulf %convert_element_type3A_982, %convert_element_type3A_977 : vector<256x256xf32>
    %mul3A_984 = arith.mulf %mul3A_983, %convert_element_type3A_65 : vector<256x256xf32>
    %slice3A_985 = vector.extract_strided_slice %dot_general3A_53 {offsets = [0, 9], sizes = [256, 1], strides = [1, 1]} : vector<256x16xf32> to vector<256x1xf32>
    %slice3A_986 = vector.extract_strided_slice %dot_general3A_60 {offsets = [0, 9], sizes = [256, 1], strides = [1, 1]} : vector<256x16xf32> to vector<256x1xf32>
    %broadcast_in_dim3A_987 = arith.constant 0.000000e+00 : f32
    %broadcast_in_dim3A_988 = vector.broadcast %broadcast_in_dim3A_987 : f32 to vector<256x2xf32>
    %concatenate3A_989 = tpu.concatenate %dot_general3A_908, %slice3A_985, %slice3A_986, %broadcast_in_dim3A_988 in 1 : vector<256x4xf32>, vector<256x1xf32>, vector<256x1xf32>, vector<256x2xf32> -> vector<256x8xf32>
    %get3A_990 = arith.constant 10 : index
    %get3A_991 = arith.constant 0 : index
    %get3A_992 = arith.constant 0 : index
    %get3A_993 = vector.load %arg1[%get3A_990, %get3A_991, %get3A_992] : memref<16x256x4xf32, #tpu.memory_space<vmem>>, vector<1x256x4xf32>
    %get3A_994 = vector.shape_cast %get3A_993 : vector<1x256x4xf32> to vector<256x4xf32>
    %slice3A_995 = vector.extract_strided_slice %dot_general3A_46 {offsets = [0, 10], sizes = [256, 1], strides = [1, 1]} : vector<256x16xf32> to vector<256x1xf32>
    %eq3A_996 = vector.broadcast %slice3A_995 : vector<256x1xf32> to vector<256x256xf32>
    %eq3A_997 = arith.cmpf oeq, %eq3A_996, %convert_element_type3A_63 : vector<256x256xf32>
    %convert_element_type3A_998 = arith.extui %eq3A_997 : vector<256x256xi1> to vector<256x256xi32>
    %convert_element_type3A_999 = arith.sitofp %convert_element_type3A_998 : vector<256x256xi32> to vector<256x256xf32>
    %dot_general3A_1000 = arith.constant dense<0.000000e+00> : vector<256x4xf32>
    %dot_general3A_1001 = tpu.matmul %convert_element_type3A_999, %get3A_994, %dot_general3A_1000 {dimension_numbers = #tpu.dot_dimension_numbers<[1], [0], [0], [1], [0, 0, 1, 1], [], []>, transpose_lhs_hint = false} : vector<256x256xf32>, vector<256x4xf32>, vector<256x4xf32> -> vector<256x4xf32>
    %iota3A_1002 = tpu.iota {dimensions = array<i32: 0>} : vector<256x256xi32>
    %iota3A_1003 = tpu.iota {dimensions = array<i32: 1>} : vector<256x256xi32>
    %eq3A_1004 = arith.cmpi eq, %iota3A_1002, %iota3A_1003 : vector<256x256xi32>
    %convert_element_type3A_1005 = arith.extui %eq3A_1004 : vector<256x256xi1> to vector<256x256xi32>
    %convert_element_type3A_1006 = arith.sitofp %convert_element_type3A_1005 : vector<256x256xi32> to vector<256x256xf32>
    %dot_general3A_1007 = arith.constant dense<0.000000e+00> : vector<4x256xf32>
    %dot_general3A_1008 = tpu.matmul %dot_general3A_1001, %convert_element_type3A_1006, %dot_general3A_1007 {dimension_numbers = #tpu.dot_dimension_numbers<[0], [0], [1], [1], [0, 1, 1, 1], [], []>, transpose_lhs_hint = false} : vector<256x4xf32>, vector<256x256xf32>, vector<4x256xf32> -> vector<4x256xf32>
    %slice3A_1009 = vector.extract_strided_slice %dot_general3A_1001 {offsets = [0, 0], sizes = [256, 1], strides = [1, 1]} : vector<256x4xf32> to vector<256x1xf32>
    %slice3A_1010 = vector.extract_strided_slice %dot_general3A_1001 {offsets = [0, 1], sizes = [256, 1], strides = [1, 1]} : vector<256x4xf32> to vector<256x1xf32>
    %slice3A_1011 = vector.extract_strided_slice %dot_general3A_1001 {offsets = [0, 2], sizes = [256, 1], strides = [1, 1]} : vector<256x4xf32> to vector<256x1xf32>
    %slice3A_1012 = vector.extract_strided_slice %dot_general3A_1001 {offsets = [0, 3], sizes = [256, 1], strides = [1, 1]} : vector<256x4xf32> to vector<256x1xf32>
    %slice3A_1013 = vector.extract_strided_slice %dot_general3A_1008 {offsets = [0, 0], sizes = [1, 256], strides = [1, 1]} : vector<4x256xf32> to vector<1x256xf32>
    %slice3A_1014 = vector.extract_strided_slice %dot_general3A_1008 {offsets = [1, 0], sizes = [1, 256], strides = [1, 1]} : vector<4x256xf32> to vector<1x256xf32>
    %slice3A_1015 = vector.extract_strided_slice %dot_general3A_1008 {offsets = [2, 0], sizes = [1, 256], strides = [1, 1]} : vector<4x256xf32> to vector<1x256xf32>
    %slice3A_1016 = vector.extract_strided_slice %dot_general3A_1008 {offsets = [3, 0], sizes = [1, 256], strides = [1, 1]} : vector<4x256xf32> to vector<1x256xf32>
    %sub3A_1017 = arith.subf %slice3A_1011, %slice3A_1009 : vector<256x1xf32>
    %max3A_1018 = arith.constant 0.000000e+00 : f32
    %max3A_1019 = vector.broadcast %max3A_1018 : f32 to vector<256x1xf32>
    %max3A_1020 = arith.maximumf %sub3A_1017, %max3A_1019 : vector<256x1xf32>
    %sub3A_1021 = arith.subf %slice3A_1012, %slice3A_1010 : vector<256x1xf32>
    %max3A_1022 = arith.constant 0.000000e+00 : f32
    %max3A_1023 = vector.broadcast %max3A_1022 : f32 to vector<256x1xf32>
    %max3A_1024 = arith.maximumf %sub3A_1021, %max3A_1023 : vector<256x1xf32>
    %mul3A_1025 = arith.mulf %max3A_1020, %max3A_1024 : vector<256x1xf32>
    %sub3A_1026 = arith.subf %slice3A_1015, %slice3A_1013 : vector<1x256xf32>
    %max3A_1027 = arith.constant 0.000000e+00 : f32
    %max3A_1028 = vector.broadcast %max3A_1027 : f32 to vector<1x256xf32>
    %max3A_1029 = arith.maximumf %sub3A_1026, %max3A_1028 : vector<1x256xf32>
    %sub3A_1030 = arith.subf %slice3A_1016, %slice3A_1014 : vector<1x256xf32>
    %max3A_1031 = arith.constant 0.000000e+00 : f32
    %max3A_1032 = vector.broadcast %max3A_1031 : f32 to vector<1x256xf32>
    %max3A_1033 = arith.maximumf %sub3A_1030, %max3A_1032 : vector<1x256xf32>
    %mul3A_1034 = arith.mulf %max3A_1029, %max3A_1033 : vector<1x256xf32>
    %min3A_1035 = vector.broadcast %slice3A_1011 : vector<256x1xf32> to vector<256x256xf32>
    %min3A_1036 = vector.broadcast %slice3A_1015 : vector<1x256xf32> to vector<256x256xf32>
    %min3A_1037 = arith.minimumf %min3A_1035, %min3A_1036 : vector<256x256xf32>
    %max3A_1038 = vector.broadcast %slice3A_1009 : vector<256x1xf32> to vector<256x256xf32>
    %max3A_1039 = vector.broadcast %slice3A_1013 : vector<1x256xf32> to vector<256x256xf32>
    %max3A_1040 = arith.maximumf %max3A_1038, %max3A_1039 : vector<256x256xf32>
    %sub3A_1041 = arith.subf %min3A_1037, %max3A_1040 : vector<256x256xf32>
    %max3A_1042 = arith.constant 0.000000e+00 : f32
    %max3A_1043 = vector.broadcast %max3A_1042 : f32 to vector<256x256xf32>
    %max3A_1044 = arith.maximumf %sub3A_1041, %max3A_1043 : vector<256x256xf32>
    %min3A_1045 = vector.broadcast %slice3A_1012 : vector<256x1xf32> to vector<256x256xf32>
    %min3A_1046 = vector.broadcast %slice3A_1016 : vector<1x256xf32> to vector<256x256xf32>
    %min3A_1047 = arith.minimumf %min3A_1045, %min3A_1046 : vector<256x256xf32>
    %max3A_1048 = vector.broadcast %slice3A_1010 : vector<256x1xf32> to vector<256x256xf32>
    %max3A_1049 = vector.broadcast %slice3A_1014 : vector<1x256xf32> to vector<256x256xf32>
    %max3A_1050 = arith.maximumf %max3A_1048, %max3A_1049 : vector<256x256xf32>
    %sub3A_1051 = arith.subf %min3A_1047, %max3A_1050 : vector<256x256xf32>
    %max3A_1052 = arith.constant 0.000000e+00 : f32
    %max3A_1053 = vector.broadcast %max3A_1052 : f32 to vector<256x256xf32>
    %max3A_1054 = arith.maximumf %sub3A_1051, %max3A_1053 : vector<256x256xf32>
    %mul3A_1055 = arith.mulf %max3A_1044, %max3A_1054 : vector<256x256xf32>
    %add3A_1056 = vector.broadcast %mul3A_1025 : vector<256x1xf32> to vector<256x256xf32>
    %add3A_1057 = vector.broadcast %mul3A_1034 : vector<1x256xf32> to vector<256x256xf32>
    %add3A_1058 = arith.addf %add3A_1056, %add3A_1057 : vector<256x256xf32>
    %sub3A_1059 = arith.subf %add3A_1058, %mul3A_1055 : vector<256x256xf32>
    %max3A_1060 = arith.constant 9.99999993E-9 : f32
    %max3A_1061 = vector.broadcast %max3A_1060 : f32 to vector<256x256xf32>
    %max3A_1062 = arith.maximumf %sub3A_1059, %max3A_1061 : vector<256x256xf32>
    %div3A_1063 = arith.divf %mul3A_1055, %max3A_1062 : vector<256x256xf32>
    %slice3A_1064 = vector.extract_strided_slice %dot_general3A_53 {offsets = [0, 10], sizes = [256, 1], strides = [1, 1]} : vector<256x16xf32> to vector<256x1xf32>
    %slice3A_1065 = vector.extract_strided_slice %convert_element_type3A {offsets = [10, 0], sizes = [1, 256], strides = [1, 1]} : vector<16x256xf32> to vector<1x256xf32>
    %eq3A_1066 = vector.broadcast %slice3A_1064 : vector<256x1xf32> to vector<256x256xf32>
    %eq3A_1067 = vector.broadcast %slice3A_1065 : vector<1x256xf32> to vector<256x256xf32>
    %eq3A_1068 = arith.cmpf oeq, %eq3A_1066, %eq3A_1067 : vector<256x256xf32>
    %convert_element_type3A_1069 = arith.extui %eq3A_1068 : vector<256x256xi1> to vector<256x256xi32>
    %convert_element_type3A_1070 = arith.sitofp %convert_element_type3A_1069 : vector<256x256xi32> to vector<256x256xf32>
    %gt3A_1071 = arith.constant 5.000000e-01 : f32
    %gt3A_1072 = vector.broadcast %gt3A_1071 : f32 to vector<256x256xf32>
    %gt3A_1073 = arith.cmpf ogt, %div3A_1063, %gt3A_1072 : vector<256x256xf32>
    %convert_element_type3A_1074 = arith.extui %gt3A_1073 : vector<256x256xi1> to vector<256x256xi32>
    %convert_element_type3A_1075 = arith.sitofp %convert_element_type3A_1074 : vector<256x256xi32> to vector<256x256xf32>
    %mul3A_1076 = arith.mulf %convert_element_type3A_1075, %convert_element_type3A_1070 : vector<256x256xf32>
    %mul3A_1077 = arith.mulf %mul3A_1076, %convert_element_type3A_65 : vector<256x256xf32>
    %slice3A_1078 = vector.extract_strided_slice %dot_general3A_53 {offsets = [0, 10], sizes = [256, 1], strides = [1, 1]} : vector<256x16xf32> to vector<256x1xf32>
    %slice3A_1079 = vector.extract_strided_slice %dot_general3A_60 {offsets = [0, 10], sizes = [256, 1], strides = [1, 1]} : vector<256x16xf32> to vector<256x1xf32>
    %broadcast_in_dim3A_1080 = arith.constant 0.000000e+00 : f32
    %broadcast_in_dim3A_1081 = vector.broadcast %broadcast_in_dim3A_1080 : f32 to vector<256x2xf32>
    %concatenate3A_1082 = tpu.concatenate %dot_general3A_1001, %slice3A_1078, %slice3A_1079, %broadcast_in_dim3A_1081 in 1 : vector<256x4xf32>, vector<256x1xf32>, vector<256x1xf32>, vector<256x2xf32> -> vector<256x8xf32>
    %get3A_1083 = arith.constant 11 : index
    %get3A_1084 = arith.constant 0 : index
    %get3A_1085 = arith.constant 0 : index
    %get3A_1086 = vector.load %arg1[%get3A_1083, %get3A_1084, %get3A_1085] : memref<16x256x4xf32, #tpu.memory_space<vmem>>, vector<1x256x4xf32>
    %get3A_1087 = vector.shape_cast %get3A_1086 : vector<1x256x4xf32> to vector<256x4xf32>
    %slice3A_1088 = vector.extract_strided_slice %dot_general3A_46 {offsets = [0, 11], sizes = [256, 1], strides = [1, 1]} : vector<256x16xf32> to vector<256x1xf32>
    %eq3A_1089 = vector.broadcast %slice3A_1088 : vector<256x1xf32> to vector<256x256xf32>
    %eq3A_1090 = arith.cmpf oeq, %eq3A_1089, %convert_element_type3A_63 : vector<256x256xf32>
    %convert_element_type3A_1091 = arith.extui %eq3A_1090 : vector<256x256xi1> to vector<256x256xi32>
    %convert_element_type3A_1092 = arith.sitofp %convert_element_type3A_1091 : vector<256x256xi32> to vector<256x256xf32>
    %dot_general3A_1093 = arith.constant dense<0.000000e+00> : vector<256x4xf32>
    %dot_general3A_1094 = tpu.matmul %convert_element_type3A_1092, %get3A_1087, %dot_general3A_1093 {dimension_numbers = #tpu.dot_dimension_numbers<[1], [0], [0], [1], [0, 0, 1, 1], [], []>, transpose_lhs_hint = false} : vector<256x256xf32>, vector<256x4xf32>, vector<256x4xf32> -> vector<256x4xf32>
    %iota3A_1095 = tpu.iota {dimensions = array<i32: 0>} : vector<256x256xi32>
    %iota3A_1096 = tpu.iota {dimensions = array<i32: 1>} : vector<256x256xi32>
    %eq3A_1097 = arith.cmpi eq, %iota3A_1095, %iota3A_1096 : vector<256x256xi32>
    %convert_element_type3A_1098 = arith.extui %eq3A_1097 : vector<256x256xi1> to vector<256x256xi32>
    %convert_element_type3A_1099 = arith.sitofp %convert_element_type3A_1098 : vector<256x256xi32> to vector<256x256xf32>
    %dot_general3A_1100 = arith.constant dense<0.000000e+00> : vector<4x256xf32>
    %dot_general3A_1101 = tpu.matmul %dot_general3A_1094, %convert_element_type3A_1099, %dot_general3A_1100 {dimension_numbers = #tpu.dot_dimension_numbers<[0], [0], [1], [1], [0, 1, 1, 1], [], []>, transpose_lhs_hint = false} : vector<256x4xf32>, vector<256x256xf32>, vector<4x256xf32> -> vector<4x256xf32>
    %slice3A_1102 = vector.extract_strided_slice %dot_general3A_1094 {offsets = [0, 0], sizes = [256, 1], strides = [1, 1]} : vector<256x4xf32> to vector<256x1xf32>
    %slice3A_1103 = vector.extract_strided_slice %dot_general3A_1094 {offsets = [0, 1], sizes = [256, 1], strides = [1, 1]} : vector<256x4xf32> to vector<256x1xf32>
    %slice3A_1104 = vector.extract_strided_slice %dot_general3A_1094 {offsets = [0, 2], sizes = [256, 1], strides = [1, 1]} : vector<256x4xf32> to vector<256x1xf32>
    %slice3A_1105 = vector.extract_strided_slice %dot_general3A_1094 {offsets = [0, 3], sizes = [256, 1], strides = [1, 1]} : vector<256x4xf32> to vector<256x1xf32>
    %slice3A_1106 = vector.extract_strided_slice %dot_general3A_1101 {offsets = [0, 0], sizes = [1, 256], strides = [1, 1]} : vector<4x256xf32> to vector<1x256xf32>
    %slice3A_1107 = vector.extract_strided_slice %dot_general3A_1101 {offsets = [1, 0], sizes = [1, 256], strides = [1, 1]} : vector<4x256xf32> to vector<1x256xf32>
    %slice3A_1108 = vector.extract_strided_slice %dot_general3A_1101 {offsets = [2, 0], sizes = [1, 256], strides = [1, 1]} : vector<4x256xf32> to vector<1x256xf32>
    %slice3A_1109 = vector.extract_strided_slice %dot_general3A_1101 {offsets = [3, 0], sizes = [1, 256], strides = [1, 1]} : vector<4x256xf32> to vector<1x256xf32>
    %sub3A_1110 = arith.subf %slice3A_1104, %slice3A_1102 : vector<256x1xf32>
    %max3A_1111 = arith.constant 0.000000e+00 : f32
    %max3A_1112 = vector.broadcast %max3A_1111 : f32 to vector<256x1xf32>
    %max3A_1113 = arith.maximumf %sub3A_1110, %max3A_1112 : vector<256x1xf32>
    %sub3A_1114 = arith.subf %slice3A_1105, %slice3A_1103 : vector<256x1xf32>
    %max3A_1115 = arith.constant 0.000000e+00 : f32
    %max3A_1116 = vector.broadcast %max3A_1115 : f32 to vector<256x1xf32>
    %max3A_1117 = arith.maximumf %sub3A_1114, %max3A_1116 : vector<256x1xf32>
    %mul3A_1118 = arith.mulf %max3A_1113, %max3A_1117 : vector<256x1xf32>
    %sub3A_1119 = arith.subf %slice3A_1108, %slice3A_1106 : vector<1x256xf32>
    %max3A_1120 = arith.constant 0.000000e+00 : f32
    %max3A_1121 = vector.broadcast %max3A_1120 : f32 to vector<1x256xf32>
    %max3A_1122 = arith.maximumf %sub3A_1119, %max3A_1121 : vector<1x256xf32>
    %sub3A_1123 = arith.subf %slice3A_1109, %slice3A_1107 : vector<1x256xf32>
    %max3A_1124 = arith.constant 0.000000e+00 : f32
    %max3A_1125 = vector.broadcast %max3A_1124 : f32 to vector<1x256xf32>
    %max3A_1126 = arith.maximumf %sub3A_1123, %max3A_1125 : vector<1x256xf32>
    %mul3A_1127 = arith.mulf %max3A_1122, %max3A_1126 : vector<1x256xf32>
    %min3A_1128 = vector.broadcast %slice3A_1104 : vector<256x1xf32> to vector<256x256xf32>
    %min3A_1129 = vector.broadcast %slice3A_1108 : vector<1x256xf32> to vector<256x256xf32>
    %min3A_1130 = arith.minimumf %min3A_1128, %min3A_1129 : vector<256x256xf32>
    %max3A_1131 = vector.broadcast %slice3A_1102 : vector<256x1xf32> to vector<256x256xf32>
    %max3A_1132 = vector.broadcast %slice3A_1106 : vector<1x256xf32> to vector<256x256xf32>
    %max3A_1133 = arith.maximumf %max3A_1131, %max3A_1132 : vector<256x256xf32>
    %sub3A_1134 = arith.subf %min3A_1130, %max3A_1133 : vector<256x256xf32>
    %max3A_1135 = arith.constant 0.000000e+00 : f32
    %max3A_1136 = vector.broadcast %max3A_1135 : f32 to vector<256x256xf32>
    %max3A_1137 = arith.maximumf %sub3A_1134, %max3A_1136 : vector<256x256xf32>
    %min3A_1138 = vector.broadcast %slice3A_1105 : vector<256x1xf32> to vector<256x256xf32>
    %min3A_1139 = vector.broadcast %slice3A_1109 : vector<1x256xf32> to vector<256x256xf32>
    %min3A_1140 = arith.minimumf %min3A_1138, %min3A_1139 : vector<256x256xf32>
    %max3A_1141 = vector.broadcast %slice3A_1103 : vector<256x1xf32> to vector<256x256xf32>
    %max3A_1142 = vector.broadcast %slice3A_1107 : vector<1x256xf32> to vector<256x256xf32>
    %max3A_1143 = arith.maximumf %max3A_1141, %max3A_1142 : vector<256x256xf32>
    %sub3A_1144 = arith.subf %min3A_1140, %max3A_1143 : vector<256x256xf32>
    %max3A_1145 = arith.constant 0.000000e+00 : f32
    %max3A_1146 = vector.broadcast %max3A_1145 : f32 to vector<256x256xf32>
    %max3A_1147 = arith.maximumf %sub3A_1144, %max3A_1146 : vector<256x256xf32>
    %mul3A_1148 = arith.mulf %max3A_1137, %max3A_1147 : vector<256x256xf32>
    %add3A_1149 = vector.broadcast %mul3A_1118 : vector<256x1xf32> to vector<256x256xf32>
    %add3A_1150 = vector.broadcast %mul3A_1127 : vector<1x256xf32> to vector<256x256xf32>
    %add3A_1151 = arith.addf %add3A_1149, %add3A_1150 : vector<256x256xf32>
    %sub3A_1152 = arith.subf %add3A_1151, %mul3A_1148 : vector<256x256xf32>
    %max3A_1153 = arith.constant 9.99999993E-9 : f32
    %max3A_1154 = vector.broadcast %max3A_1153 : f32 to vector<256x256xf32>
    %max3A_1155 = arith.maximumf %sub3A_1152, %max3A_1154 : vector<256x256xf32>
    %div3A_1156 = arith.divf %mul3A_1148, %max3A_1155 : vector<256x256xf32>
    %slice3A_1157 = vector.extract_strided_slice %dot_general3A_53 {offsets = [0, 11], sizes = [256, 1], strides = [1, 1]} : vector<256x16xf32> to vector<256x1xf32>
    %slice3A_1158 = vector.extract_strided_slice %convert_element_type3A {offsets = [11, 0], sizes = [1, 256], strides = [1, 1]} : vector<16x256xf32> to vector<1x256xf32>
    %eq3A_1159 = vector.broadcast %slice3A_1157 : vector<256x1xf32> to vector<256x256xf32>
    %eq3A_1160 = vector.broadcast %slice3A_1158 : vector<1x256xf32> to vector<256x256xf32>
    %eq3A_1161 = arith.cmpf oeq, %eq3A_1159, %eq3A_1160 : vector<256x256xf32>
    %convert_element_type3A_1162 = arith.extui %eq3A_1161 : vector<256x256xi1> to vector<256x256xi32>
    %convert_element_type3A_1163 = arith.sitofp %convert_element_type3A_1162 : vector<256x256xi32> to vector<256x256xf32>
    %gt3A_1164 = arith.constant 5.000000e-01 : f32
    %gt3A_1165 = vector.broadcast %gt3A_1164 : f32 to vector<256x256xf32>
    %gt3A_1166 = arith.cmpf ogt, %div3A_1156, %gt3A_1165 : vector<256x256xf32>
    %convert_element_type3A_1167 = arith.extui %gt3A_1166 : vector<256x256xi1> to vector<256x256xi32>
    %convert_element_type3A_1168 = arith.sitofp %convert_element_type3A_1167 : vector<256x256xi32> to vector<256x256xf32>
    %mul3A_1169 = arith.mulf %convert_element_type3A_1168, %convert_element_type3A_1163 : vector<256x256xf32>
    %mul3A_1170 = arith.mulf %mul3A_1169, %convert_element_type3A_65 : vector<256x256xf32>
    %slice3A_1171 = vector.extract_strided_slice %dot_general3A_53 {offsets = [0, 11], sizes = [256, 1], strides = [1, 1]} : vector<256x16xf32> to vector<256x1xf32>
    %slice3A_1172 = vector.extract_strided_slice %dot_general3A_60 {offsets = [0, 11], sizes = [256, 1], strides = [1, 1]} : vector<256x16xf32> to vector<256x1xf32>
    %broadcast_in_dim3A_1173 = arith.constant 0.000000e+00 : f32
    %broadcast_in_dim3A_1174 = vector.broadcast %broadcast_in_dim3A_1173 : f32 to vector<256x2xf32>
    %concatenate3A_1175 = tpu.concatenate %dot_general3A_1094, %slice3A_1171, %slice3A_1172, %broadcast_in_dim3A_1174 in 1 : vector<256x4xf32>, vector<256x1xf32>, vector<256x1xf32>, vector<256x2xf32> -> vector<256x8xf32>
    %get3A_1176 = arith.constant 12 : index
    %get3A_1177 = arith.constant 0 : index
    %get3A_1178 = arith.constant 0 : index
    %get3A_1179 = vector.load %arg1[%get3A_1176, %get3A_1177, %get3A_1178] : memref<16x256x4xf32, #tpu.memory_space<vmem>>, vector<1x256x4xf32>
    %get3A_1180 = vector.shape_cast %get3A_1179 : vector<1x256x4xf32> to vector<256x4xf32>
    %slice3A_1181 = vector.extract_strided_slice %dot_general3A_46 {offsets = [0, 12], sizes = [256, 1], strides = [1, 1]} : vector<256x16xf32> to vector<256x1xf32>
    %eq3A_1182 = vector.broadcast %slice3A_1181 : vector<256x1xf32> to vector<256x256xf32>
    %eq3A_1183 = arith.cmpf oeq, %eq3A_1182, %convert_element_type3A_63 : vector<256x256xf32>
    %convert_element_type3A_1184 = arith.extui %eq3A_1183 : vector<256x256xi1> to vector<256x256xi32>
    %convert_element_type3A_1185 = arith.sitofp %convert_element_type3A_1184 : vector<256x256xi32> to vector<256x256xf32>
    %dot_general3A_1186 = arith.constant dense<0.000000e+00> : vector<256x4xf32>
    %dot_general3A_1187 = tpu.matmul %convert_element_type3A_1185, %get3A_1180, %dot_general3A_1186 {dimension_numbers = #tpu.dot_dimension_numbers<[1], [0], [0], [1], [0, 0, 1, 1], [], []>, transpose_lhs_hint = false} : vector<256x256xf32>, vector<256x4xf32>, vector<256x4xf32> -> vector<256x4xf32>
    %iota3A_1188 = tpu.iota {dimensions = array<i32: 0>} : vector<256x256xi32>
    %iota3A_1189 = tpu.iota {dimensions = array<i32: 1>} : vector<256x256xi32>
    %eq3A_1190 = arith.cmpi eq, %iota3A_1188, %iota3A_1189 : vector<256x256xi32>
    %convert_element_type3A_1191 = arith.extui %eq3A_1190 : vector<256x256xi1> to vector<256x256xi32>
    %convert_element_type3A_1192 = arith.sitofp %convert_element_type3A_1191 : vector<256x256xi32> to vector<256x256xf32>
    %dot_general3A_1193 = arith.constant dense<0.000000e+00> : vector<4x256xf32>
    %dot_general3A_1194 = tpu.matmul %dot_general3A_1187, %convert_element_type3A_1192, %dot_general3A_1193 {dimension_numbers = #tpu.dot_dimension_numbers<[0], [0], [1], [1], [0, 1, 1, 1], [], []>, transpose_lhs_hint = false} : vector<256x4xf32>, vector<256x256xf32>, vector<4x256xf32> -> vector<4x256xf32>
    %slice3A_1195 = vector.extract_strided_slice %dot_general3A_1187 {offsets = [0, 0], sizes = [256, 1], strides = [1, 1]} : vector<256x4xf32> to vector<256x1xf32>
    %slice3A_1196 = vector.extract_strided_slice %dot_general3A_1187 {offsets = [0, 1], sizes = [256, 1], strides = [1, 1]} : vector<256x4xf32> to vector<256x1xf32>
    %slice3A_1197 = vector.extract_strided_slice %dot_general3A_1187 {offsets = [0, 2], sizes = [256, 1], strides = [1, 1]} : vector<256x4xf32> to vector<256x1xf32>
    %slice3A_1198 = vector.extract_strided_slice %dot_general3A_1187 {offsets = [0, 3], sizes = [256, 1], strides = [1, 1]} : vector<256x4xf32> to vector<256x1xf32>
    %slice3A_1199 = vector.extract_strided_slice %dot_general3A_1194 {offsets = [0, 0], sizes = [1, 256], strides = [1, 1]} : vector<4x256xf32> to vector<1x256xf32>
    %slice3A_1200 = vector.extract_strided_slice %dot_general3A_1194 {offsets = [1, 0], sizes = [1, 256], strides = [1, 1]} : vector<4x256xf32> to vector<1x256xf32>
    %slice3A_1201 = vector.extract_strided_slice %dot_general3A_1194 {offsets = [2, 0], sizes = [1, 256], strides = [1, 1]} : vector<4x256xf32> to vector<1x256xf32>
    %slice3A_1202 = vector.extract_strided_slice %dot_general3A_1194 {offsets = [3, 0], sizes = [1, 256], strides = [1, 1]} : vector<4x256xf32> to vector<1x256xf32>
    %sub3A_1203 = arith.subf %slice3A_1197, %slice3A_1195 : vector<256x1xf32>
    %max3A_1204 = arith.constant 0.000000e+00 : f32
    %max3A_1205 = vector.broadcast %max3A_1204 : f32 to vector<256x1xf32>
    %max3A_1206 = arith.maximumf %sub3A_1203, %max3A_1205 : vector<256x1xf32>
    %sub3A_1207 = arith.subf %slice3A_1198, %slice3A_1196 : vector<256x1xf32>
    %max3A_1208 = arith.constant 0.000000e+00 : f32
    %max3A_1209 = vector.broadcast %max3A_1208 : f32 to vector<256x1xf32>
    %max3A_1210 = arith.maximumf %sub3A_1207, %max3A_1209 : vector<256x1xf32>
    %mul3A_1211 = arith.mulf %max3A_1206, %max3A_1210 : vector<256x1xf32>
    %sub3A_1212 = arith.subf %slice3A_1201, %slice3A_1199 : vector<1x256xf32>
    %max3A_1213 = arith.constant 0.000000e+00 : f32
    %max3A_1214 = vector.broadcast %max3A_1213 : f32 to vector<1x256xf32>
    %max3A_1215 = arith.maximumf %sub3A_1212, %max3A_1214 : vector<1x256xf32>
    %sub3A_1216 = arith.subf %slice3A_1202, %slice3A_1200 : vector<1x256xf32>
    %max3A_1217 = arith.constant 0.000000e+00 : f32
    %max3A_1218 = vector.broadcast %max3A_1217 : f32 to vector<1x256xf32>
    %max3A_1219 = arith.maximumf %sub3A_1216, %max3A_1218 : vector<1x256xf32>
    %mul3A_1220 = arith.mulf %max3A_1215, %max3A_1219 : vector<1x256xf32>
    %min3A_1221 = vector.broadcast %slice3A_1197 : vector<256x1xf32> to vector<256x256xf32>
    %min3A_1222 = vector.broadcast %slice3A_1201 : vector<1x256xf32> to vector<256x256xf32>
    %min3A_1223 = arith.minimumf %min3A_1221, %min3A_1222 : vector<256x256xf32>
    %max3A_1224 = vector.broadcast %slice3A_1195 : vector<256x1xf32> to vector<256x256xf32>
    %max3A_1225 = vector.broadcast %slice3A_1199 : vector<1x256xf32> to vector<256x256xf32>
    %max3A_1226 = arith.maximumf %max3A_1224, %max3A_1225 : vector<256x256xf32>
    %sub3A_1227 = arith.subf %min3A_1223, %max3A_1226 : vector<256x256xf32>
    %max3A_1228 = arith.constant 0.000000e+00 : f32
    %max3A_1229 = vector.broadcast %max3A_1228 : f32 to vector<256x256xf32>
    %max3A_1230 = arith.maximumf %sub3A_1227, %max3A_1229 : vector<256x256xf32>
    %min3A_1231 = vector.broadcast %slice3A_1198 : vector<256x1xf32> to vector<256x256xf32>
    %min3A_1232 = vector.broadcast %slice3A_1202 : vector<1x256xf32> to vector<256x256xf32>
    %min3A_1233 = arith.minimumf %min3A_1231, %min3A_1232 : vector<256x256xf32>
    %max3A_1234 = vector.broadcast %slice3A_1196 : vector<256x1xf32> to vector<256x256xf32>
    %max3A_1235 = vector.broadcast %slice3A_1200 : vector<1x256xf32> to vector<256x256xf32>
    %max3A_1236 = arith.maximumf %max3A_1234, %max3A_1235 : vector<256x256xf32>
    %sub3A_1237 = arith.subf %min3A_1233, %max3A_1236 : vector<256x256xf32>
    %max3A_1238 = arith.constant 0.000000e+00 : f32
    %max3A_1239 = vector.broadcast %max3A_1238 : f32 to vector<256x256xf32>
    %max3A_1240 = arith.maximumf %sub3A_1237, %max3A_1239 : vector<256x256xf32>
    %mul3A_1241 = arith.mulf %max3A_1230, %max3A_1240 : vector<256x256xf32>
    %add3A_1242 = vector.broadcast %mul3A_1211 : vector<256x1xf32> to vector<256x256xf32>
    %add3A_1243 = vector.broadcast %mul3A_1220 : vector<1x256xf32> to vector<256x256xf32>
    %add3A_1244 = arith.addf %add3A_1242, %add3A_1243 : vector<256x256xf32>
    %sub3A_1245 = arith.subf %add3A_1244, %mul3A_1241 : vector<256x256xf32>
    %max3A_1246 = arith.constant 9.99999993E-9 : f32
    %max3A_1247 = vector.broadcast %max3A_1246 : f32 to vector<256x256xf32>
    %max3A_1248 = arith.maximumf %sub3A_1245, %max3A_1247 : vector<256x256xf32>
    %div3A_1249 = arith.divf %mul3A_1241, %max3A_1248 : vector<256x256xf32>
    %slice3A_1250 = vector.extract_strided_slice %dot_general3A_53 {offsets = [0, 12], sizes = [256, 1], strides = [1, 1]} : vector<256x16xf32> to vector<256x1xf32>
    %slice3A_1251 = vector.extract_strided_slice %convert_element_type3A {offsets = [12, 0], sizes = [1, 256], strides = [1, 1]} : vector<16x256xf32> to vector<1x256xf32>
    %eq3A_1252 = vector.broadcast %slice3A_1250 : vector<256x1xf32> to vector<256x256xf32>
    %eq3A_1253 = vector.broadcast %slice3A_1251 : vector<1x256xf32> to vector<256x256xf32>
    %eq3A_1254 = arith.cmpf oeq, %eq3A_1252, %eq3A_1253 : vector<256x256xf32>
    %convert_element_type3A_1255 = arith.extui %eq3A_1254 : vector<256x256xi1> to vector<256x256xi32>
    %convert_element_type3A_1256 = arith.sitofp %convert_element_type3A_1255 : vector<256x256xi32> to vector<256x256xf32>
    %gt3A_1257 = arith.constant 5.000000e-01 : f32
    %gt3A_1258 = vector.broadcast %gt3A_1257 : f32 to vector<256x256xf32>
    %gt3A_1259 = arith.cmpf ogt, %div3A_1249, %gt3A_1258 : vector<256x256xf32>
    %convert_element_type3A_1260 = arith.extui %gt3A_1259 : vector<256x256xi1> to vector<256x256xi32>
    %convert_element_type3A_1261 = arith.sitofp %convert_element_type3A_1260 : vector<256x256xi32> to vector<256x256xf32>
    %mul3A_1262 = arith.mulf %convert_element_type3A_1261, %convert_element_type3A_1256 : vector<256x256xf32>
    %mul3A_1263 = arith.mulf %mul3A_1262, %convert_element_type3A_65 : vector<256x256xf32>
    %slice3A_1264 = vector.extract_strided_slice %dot_general3A_53 {offsets = [0, 12], sizes = [256, 1], strides = [1, 1]} : vector<256x16xf32> to vector<256x1xf32>
    %slice3A_1265 = vector.extract_strided_slice %dot_general3A_60 {offsets = [0, 12], sizes = [256, 1], strides = [1, 1]} : vector<256x16xf32> to vector<256x1xf32>
    %broadcast_in_dim3A_1266 = arith.constant 0.000000e+00 : f32
    %broadcast_in_dim3A_1267 = vector.broadcast %broadcast_in_dim3A_1266 : f32 to vector<256x2xf32>
    %concatenate3A_1268 = tpu.concatenate %dot_general3A_1187, %slice3A_1264, %slice3A_1265, %broadcast_in_dim3A_1267 in 1 : vector<256x4xf32>, vector<256x1xf32>, vector<256x1xf32>, vector<256x2xf32> -> vector<256x8xf32>
    %get3A_1269 = arith.constant 13 : index
    %get3A_1270 = arith.constant 0 : index
    %get3A_1271 = arith.constant 0 : index
    %get3A_1272 = vector.load %arg1[%get3A_1269, %get3A_1270, %get3A_1271] : memref<16x256x4xf32, #tpu.memory_space<vmem>>, vector<1x256x4xf32>
    %get3A_1273 = vector.shape_cast %get3A_1272 : vector<1x256x4xf32> to vector<256x4xf32>
    %slice3A_1274 = vector.extract_strided_slice %dot_general3A_46 {offsets = [0, 13], sizes = [256, 1], strides = [1, 1]} : vector<256x16xf32> to vector<256x1xf32>
    %eq3A_1275 = vector.broadcast %slice3A_1274 : vector<256x1xf32> to vector<256x256xf32>
    %eq3A_1276 = arith.cmpf oeq, %eq3A_1275, %convert_element_type3A_63 : vector<256x256xf32>
    %convert_element_type3A_1277 = arith.extui %eq3A_1276 : vector<256x256xi1> to vector<256x256xi32>
    %convert_element_type3A_1278 = arith.sitofp %convert_element_type3A_1277 : vector<256x256xi32> to vector<256x256xf32>
    %dot_general3A_1279 = arith.constant dense<0.000000e+00> : vector<256x4xf32>
    %dot_general3A_1280 = tpu.matmul %convert_element_type3A_1278, %get3A_1273, %dot_general3A_1279 {dimension_numbers = #tpu.dot_dimension_numbers<[1], [0], [0], [1], [0, 0, 1, 1], [], []>, transpose_lhs_hint = false} : vector<256x256xf32>, vector<256x4xf32>, vector<256x4xf32> -> vector<256x4xf32>
    %iota3A_1281 = tpu.iota {dimensions = array<i32: 0>} : vector<256x256xi32>
    %iota3A_1282 = tpu.iota {dimensions = array<i32: 1>} : vector<256x256xi32>
    %eq3A_1283 = arith.cmpi eq, %iota3A_1281, %iota3A_1282 : vector<256x256xi32>
    %convert_element_type3A_1284 = arith.extui %eq3A_1283 : vector<256x256xi1> to vector<256x256xi32>
    %convert_element_type3A_1285 = arith.sitofp %convert_element_type3A_1284 : vector<256x256xi32> to vector<256x256xf32>
    %dot_general3A_1286 = arith.constant dense<0.000000e+00> : vector<4x256xf32>
    %dot_general3A_1287 = tpu.matmul %dot_general3A_1280, %convert_element_type3A_1285, %dot_general3A_1286 {dimension_numbers = #tpu.dot_dimension_numbers<[0], [0], [1], [1], [0, 1, 1, 1], [], []>, transpose_lhs_hint = false} : vector<256x4xf32>, vector<256x256xf32>, vector<4x256xf32> -> vector<4x256xf32>
    %slice3A_1288 = vector.extract_strided_slice %dot_general3A_1280 {offsets = [0, 0], sizes = [256, 1], strides = [1, 1]} : vector<256x4xf32> to vector<256x1xf32>
    %slice3A_1289 = vector.extract_strided_slice %dot_general3A_1280 {offsets = [0, 1], sizes = [256, 1], strides = [1, 1]} : vector<256x4xf32> to vector<256x1xf32>
    %slice3A_1290 = vector.extract_strided_slice %dot_general3A_1280 {offsets = [0, 2], sizes = [256, 1], strides = [1, 1]} : vector<256x4xf32> to vector<256x1xf32>
    %slice3A_1291 = vector.extract_strided_slice %dot_general3A_1280 {offsets = [0, 3], sizes = [256, 1], strides = [1, 1]} : vector<256x4xf32> to vector<256x1xf32>
    %slice3A_1292 = vector.extract_strided_slice %dot_general3A_1287 {offsets = [0, 0], sizes = [1, 256], strides = [1, 1]} : vector<4x256xf32> to vector<1x256xf32>
    %slice3A_1293 = vector.extract_strided_slice %dot_general3A_1287 {offsets = [1, 0], sizes = [1, 256], strides = [1, 1]} : vector<4x256xf32> to vector<1x256xf32>
    %slice3A_1294 = vector.extract_strided_slice %dot_general3A_1287 {offsets = [2, 0], sizes = [1, 256], strides = [1, 1]} : vector<4x256xf32> to vector<1x256xf32>
    %slice3A_1295 = vector.extract_strided_slice %dot_general3A_1287 {offsets = [3, 0], sizes = [1, 256], strides = [1, 1]} : vector<4x256xf32> to vector<1x256xf32>
    %sub3A_1296 = arith.subf %slice3A_1290, %slice3A_1288 : vector<256x1xf32>
    %max3A_1297 = arith.constant 0.000000e+00 : f32
    %max3A_1298 = vector.broadcast %max3A_1297 : f32 to vector<256x1xf32>
    %max3A_1299 = arith.maximumf %sub3A_1296, %max3A_1298 : vector<256x1xf32>
    %sub3A_1300 = arith.subf %slice3A_1291, %slice3A_1289 : vector<256x1xf32>
    %max3A_1301 = arith.constant 0.000000e+00 : f32
    %max3A_1302 = vector.broadcast %max3A_1301 : f32 to vector<256x1xf32>
    %max3A_1303 = arith.maximumf %sub3A_1300, %max3A_1302 : vector<256x1xf32>
    %mul3A_1304 = arith.mulf %max3A_1299, %max3A_1303 : vector<256x1xf32>
    %sub3A_1305 = arith.subf %slice3A_1294, %slice3A_1292 : vector<1x256xf32>
    %max3A_1306 = arith.constant 0.000000e+00 : f32
    %max3A_1307 = vector.broadcast %max3A_1306 : f32 to vector<1x256xf32>
    %max3A_1308 = arith.maximumf %sub3A_1305, %max3A_1307 : vector<1x256xf32>
    %sub3A_1309 = arith.subf %slice3A_1295, %slice3A_1293 : vector<1x256xf32>
    %max3A_1310 = arith.constant 0.000000e+00 : f32
    %max3A_1311 = vector.broadcast %max3A_1310 : f32 to vector<1x256xf32>
    %max3A_1312 = arith.maximumf %sub3A_1309, %max3A_1311 : vector<1x256xf32>
    %mul3A_1313 = arith.mulf %max3A_1308, %max3A_1312 : vector<1x256xf32>
    %min3A_1314 = vector.broadcast %slice3A_1290 : vector<256x1xf32> to vector<256x256xf32>
    %min3A_1315 = vector.broadcast %slice3A_1294 : vector<1x256xf32> to vector<256x256xf32>
    %min3A_1316 = arith.minimumf %min3A_1314, %min3A_1315 : vector<256x256xf32>
    %max3A_1317 = vector.broadcast %slice3A_1288 : vector<256x1xf32> to vector<256x256xf32>
    %max3A_1318 = vector.broadcast %slice3A_1292 : vector<1x256xf32> to vector<256x256xf32>
    %max3A_1319 = arith.maximumf %max3A_1317, %max3A_1318 : vector<256x256xf32>
    %sub3A_1320 = arith.subf %min3A_1316, %max3A_1319 : vector<256x256xf32>
    %max3A_1321 = arith.constant 0.000000e+00 : f32
    %max3A_1322 = vector.broadcast %max3A_1321 : f32 to vector<256x256xf32>
    %max3A_1323 = arith.maximumf %sub3A_1320, %max3A_1322 : vector<256x256xf32>
    %min3A_1324 = vector.broadcast %slice3A_1291 : vector<256x1xf32> to vector<256x256xf32>
    %min3A_1325 = vector.broadcast %slice3A_1295 : vector<1x256xf32> to vector<256x256xf32>
    %min3A_1326 = arith.minimumf %min3A_1324, %min3A_1325 : vector<256x256xf32>
    %max3A_1327 = vector.broadcast %slice3A_1289 : vector<256x1xf32> to vector<256x256xf32>
    %max3A_1328 = vector.broadcast %slice3A_1293 : vector<1x256xf32> to vector<256x256xf32>
    %max3A_1329 = arith.maximumf %max3A_1327, %max3A_1328 : vector<256x256xf32>
    %sub3A_1330 = arith.subf %min3A_1326, %max3A_1329 : vector<256x256xf32>
    %max3A_1331 = arith.constant 0.000000e+00 : f32
    %max3A_1332 = vector.broadcast %max3A_1331 : f32 to vector<256x256xf32>
    %max3A_1333 = arith.maximumf %sub3A_1330, %max3A_1332 : vector<256x256xf32>
    %mul3A_1334 = arith.mulf %max3A_1323, %max3A_1333 : vector<256x256xf32>
    %add3A_1335 = vector.broadcast %mul3A_1304 : vector<256x1xf32> to vector<256x256xf32>
    %add3A_1336 = vector.broadcast %mul3A_1313 : vector<1x256xf32> to vector<256x256xf32>
    %add3A_1337 = arith.addf %add3A_1335, %add3A_1336 : vector<256x256xf32>
    %sub3A_1338 = arith.subf %add3A_1337, %mul3A_1334 : vector<256x256xf32>
    %max3A_1339 = arith.constant 9.99999993E-9 : f32
    %max3A_1340 = vector.broadcast %max3A_1339 : f32 to vector<256x256xf32>
    %max3A_1341 = arith.maximumf %sub3A_1338, %max3A_1340 : vector<256x256xf32>
    %div3A_1342 = arith.divf %mul3A_1334, %max3A_1341 : vector<256x256xf32>
    %slice3A_1343 = vector.extract_strided_slice %dot_general3A_53 {offsets = [0, 13], sizes = [256, 1], strides = [1, 1]} : vector<256x16xf32> to vector<256x1xf32>
    %slice3A_1344 = vector.extract_strided_slice %convert_element_type3A {offsets = [13, 0], sizes = [1, 256], strides = [1, 1]} : vector<16x256xf32> to vector<1x256xf32>
    %eq3A_1345 = vector.broadcast %slice3A_1343 : vector<256x1xf32> to vector<256x256xf32>
    %eq3A_1346 = vector.broadcast %slice3A_1344 : vector<1x256xf32> to vector<256x256xf32>
    %eq3A_1347 = arith.cmpf oeq, %eq3A_1345, %eq3A_1346 : vector<256x256xf32>
    %convert_element_type3A_1348 = arith.extui %eq3A_1347 : vector<256x256xi1> to vector<256x256xi32>
    %convert_element_type3A_1349 = arith.sitofp %convert_element_type3A_1348 : vector<256x256xi32> to vector<256x256xf32>
    %gt3A_1350 = arith.constant 5.000000e-01 : f32
    %gt3A_1351 = vector.broadcast %gt3A_1350 : f32 to vector<256x256xf32>
    %gt3A_1352 = arith.cmpf ogt, %div3A_1342, %gt3A_1351 : vector<256x256xf32>
    %convert_element_type3A_1353 = arith.extui %gt3A_1352 : vector<256x256xi1> to vector<256x256xi32>
    %convert_element_type3A_1354 = arith.sitofp %convert_element_type3A_1353 : vector<256x256xi32> to vector<256x256xf32>
    %mul3A_1355 = arith.mulf %convert_element_type3A_1354, %convert_element_type3A_1349 : vector<256x256xf32>
    %mul3A_1356 = arith.mulf %mul3A_1355, %convert_element_type3A_65 : vector<256x256xf32>
    %slice3A_1357 = vector.extract_strided_slice %dot_general3A_53 {offsets = [0, 13], sizes = [256, 1], strides = [1, 1]} : vector<256x16xf32> to vector<256x1xf32>
    %slice3A_1358 = vector.extract_strided_slice %dot_general3A_60 {offsets = [0, 13], sizes = [256, 1], strides = [1, 1]} : vector<256x16xf32> to vector<256x1xf32>
    %broadcast_in_dim3A_1359 = arith.constant 0.000000e+00 : f32
    %broadcast_in_dim3A_1360 = vector.broadcast %broadcast_in_dim3A_1359 : f32 to vector<256x2xf32>
    %concatenate3A_1361 = tpu.concatenate %dot_general3A_1280, %slice3A_1357, %slice3A_1358, %broadcast_in_dim3A_1360 in 1 : vector<256x4xf32>, vector<256x1xf32>, vector<256x1xf32>, vector<256x2xf32> -> vector<256x8xf32>
    %get3A_1362 = arith.constant 14 : index
    %get3A_1363 = arith.constant 0 : index
    %get3A_1364 = arith.constant 0 : index
    %get3A_1365 = vector.load %arg1[%get3A_1362, %get3A_1363, %get3A_1364] : memref<16x256x4xf32, #tpu.memory_space<vmem>>, vector<1x256x4xf32>
    %get3A_1366 = vector.shape_cast %get3A_1365 : vector<1x256x4xf32> to vector<256x4xf32>
    %slice3A_1367 = vector.extract_strided_slice %dot_general3A_46 {offsets = [0, 14], sizes = [256, 1], strides = [1, 1]} : vector<256x16xf32> to vector<256x1xf32>
    %eq3A_1368 = vector.broadcast %slice3A_1367 : vector<256x1xf32> to vector<256x256xf32>
    %eq3A_1369 = arith.cmpf oeq, %eq3A_1368, %convert_element_type3A_63 : vector<256x256xf32>
    %convert_element_type3A_1370 = arith.extui %eq3A_1369 : vector<256x256xi1> to vector<256x256xi32>
    %convert_element_type3A_1371 = arith.sitofp %convert_element_type3A_1370 : vector<256x256xi32> to vector<256x256xf32>
    %dot_general3A_1372 = arith.constant dense<0.000000e+00> : vector<256x4xf32>
    %dot_general3A_1373 = tpu.matmul %convert_element_type3A_1371, %get3A_1366, %dot_general3A_1372 {dimension_numbers = #tpu.dot_dimension_numbers<[1], [0], [0], [1], [0, 0, 1, 1], [], []>, transpose_lhs_hint = false} : vector<256x256xf32>, vector<256x4xf32>, vector<256x4xf32> -> vector<256x4xf32>
    %iota3A_1374 = tpu.iota {dimensions = array<i32: 0>} : vector<256x256xi32>
    %iota3A_1375 = tpu.iota {dimensions = array<i32: 1>} : vector<256x256xi32>
    %eq3A_1376 = arith.cmpi eq, %iota3A_1374, %iota3A_1375 : vector<256x256xi32>
    %convert_element_type3A_1377 = arith.extui %eq3A_1376 : vector<256x256xi1> to vector<256x256xi32>
    %convert_element_type3A_1378 = arith.sitofp %convert_element_type3A_1377 : vector<256x256xi32> to vector<256x256xf32>
    %dot_general3A_1379 = arith.constant dense<0.000000e+00> : vector<4x256xf32>
    %dot_general3A_1380 = tpu.matmul %dot_general3A_1373, %convert_element_type3A_1378, %dot_general3A_1379 {dimension_numbers = #tpu.dot_dimension_numbers<[0], [0], [1], [1], [0, 1, 1, 1], [], []>, transpose_lhs_hint = false} : vector<256x4xf32>, vector<256x256xf32>, vector<4x256xf32> -> vector<4x256xf32>
    %slice3A_1381 = vector.extract_strided_slice %dot_general3A_1373 {offsets = [0, 0], sizes = [256, 1], strides = [1, 1]} : vector<256x4xf32> to vector<256x1xf32>
    %slice3A_1382 = vector.extract_strided_slice %dot_general3A_1373 {offsets = [0, 1], sizes = [256, 1], strides = [1, 1]} : vector<256x4xf32> to vector<256x1xf32>
    %slice3A_1383 = vector.extract_strided_slice %dot_general3A_1373 {offsets = [0, 2], sizes = [256, 1], strides = [1, 1]} : vector<256x4xf32> to vector<256x1xf32>
    %slice3A_1384 = vector.extract_strided_slice %dot_general3A_1373 {offsets = [0, 3], sizes = [256, 1], strides = [1, 1]} : vector<256x4xf32> to vector<256x1xf32>
    %slice3A_1385 = vector.extract_strided_slice %dot_general3A_1380 {offsets = [0, 0], sizes = [1, 256], strides = [1, 1]} : vector<4x256xf32> to vector<1x256xf32>
    %slice3A_1386 = vector.extract_strided_slice %dot_general3A_1380 {offsets = [1, 0], sizes = [1, 256], strides = [1, 1]} : vector<4x256xf32> to vector<1x256xf32>
    %slice3A_1387 = vector.extract_strided_slice %dot_general3A_1380 {offsets = [2, 0], sizes = [1, 256], strides = [1, 1]} : vector<4x256xf32> to vector<1x256xf32>
    %slice3A_1388 = vector.extract_strided_slice %dot_general3A_1380 {offsets = [3, 0], sizes = [1, 256], strides = [1, 1]} : vector<4x256xf32> to vector<1x256xf32>
    %sub3A_1389 = arith.subf %slice3A_1383, %slice3A_1381 : vector<256x1xf32>
    %max3A_1390 = arith.constant 0.000000e+00 : f32
    %max3A_1391 = vector.broadcast %max3A_1390 : f32 to vector<256x1xf32>
    %max3A_1392 = arith.maximumf %sub3A_1389, %max3A_1391 : vector<256x1xf32>
    %sub3A_1393 = arith.subf %slice3A_1384, %slice3A_1382 : vector<256x1xf32>
    %max3A_1394 = arith.constant 0.000000e+00 : f32
    %max3A_1395 = vector.broadcast %max3A_1394 : f32 to vector<256x1xf32>
    %max3A_1396 = arith.maximumf %sub3A_1393, %max3A_1395 : vector<256x1xf32>
    %mul3A_1397 = arith.mulf %max3A_1392, %max3A_1396 : vector<256x1xf32>
    %sub3A_1398 = arith.subf %slice3A_1387, %slice3A_1385 : vector<1x256xf32>
    %max3A_1399 = arith.constant 0.000000e+00 : f32
    %max3A_1400 = vector.broadcast %max3A_1399 : f32 to vector<1x256xf32>
    %max3A_1401 = arith.maximumf %sub3A_1398, %max3A_1400 : vector<1x256xf32>
    %sub3A_1402 = arith.subf %slice3A_1388, %slice3A_1386 : vector<1x256xf32>
    %max3A_1403 = arith.constant 0.000000e+00 : f32
    %max3A_1404 = vector.broadcast %max3A_1403 : f32 to vector<1x256xf32>
    %max3A_1405 = arith.maximumf %sub3A_1402, %max3A_1404 : vector<1x256xf32>
    %mul3A_1406 = arith.mulf %max3A_1401, %max3A_1405 : vector<1x256xf32>
    %min3A_1407 = vector.broadcast %slice3A_1383 : vector<256x1xf32> to vector<256x256xf32>
    %min3A_1408 = vector.broadcast %slice3A_1387 : vector<1x256xf32> to vector<256x256xf32>
    %min3A_1409 = arith.minimumf %min3A_1407, %min3A_1408 : vector<256x256xf32>
    %max3A_1410 = vector.broadcast %slice3A_1381 : vector<256x1xf32> to vector<256x256xf32>
    %max3A_1411 = vector.broadcast %slice3A_1385 : vector<1x256xf32> to vector<256x256xf32>
    %max3A_1412 = arith.maximumf %max3A_1410, %max3A_1411 : vector<256x256xf32>
    %sub3A_1413 = arith.subf %min3A_1409, %max3A_1412 : vector<256x256xf32>
    %max3A_1414 = arith.constant 0.000000e+00 : f32
    %max3A_1415 = vector.broadcast %max3A_1414 : f32 to vector<256x256xf32>
    %max3A_1416 = arith.maximumf %sub3A_1413, %max3A_1415 : vector<256x256xf32>
    %min3A_1417 = vector.broadcast %slice3A_1384 : vector<256x1xf32> to vector<256x256xf32>
    %min3A_1418 = vector.broadcast %slice3A_1388 : vector<1x256xf32> to vector<256x256xf32>
    %min3A_1419 = arith.minimumf %min3A_1417, %min3A_1418 : vector<256x256xf32>
    %max3A_1420 = vector.broadcast %slice3A_1382 : vector<256x1xf32> to vector<256x256xf32>
    %max3A_1421 = vector.broadcast %slice3A_1386 : vector<1x256xf32> to vector<256x256xf32>
    %max3A_1422 = arith.maximumf %max3A_1420, %max3A_1421 : vector<256x256xf32>
    %sub3A_1423 = arith.subf %min3A_1419, %max3A_1422 : vector<256x256xf32>
    %max3A_1424 = arith.constant 0.000000e+00 : f32
    %max3A_1425 = vector.broadcast %max3A_1424 : f32 to vector<256x256xf32>
    %max3A_1426 = arith.maximumf %sub3A_1423, %max3A_1425 : vector<256x256xf32>
    %mul3A_1427 = arith.mulf %max3A_1416, %max3A_1426 : vector<256x256xf32>
    %add3A_1428 = vector.broadcast %mul3A_1397 : vector<256x1xf32> to vector<256x256xf32>
    %add3A_1429 = vector.broadcast %mul3A_1406 : vector<1x256xf32> to vector<256x256xf32>
    %add3A_1430 = arith.addf %add3A_1428, %add3A_1429 : vector<256x256xf32>
    %sub3A_1431 = arith.subf %add3A_1430, %mul3A_1427 : vector<256x256xf32>
    %max3A_1432 = arith.constant 9.99999993E-9 : f32
    %max3A_1433 = vector.broadcast %max3A_1432 : f32 to vector<256x256xf32>
    %max3A_1434 = arith.maximumf %sub3A_1431, %max3A_1433 : vector<256x256xf32>
    %div3A_1435 = arith.divf %mul3A_1427, %max3A_1434 : vector<256x256xf32>
    %slice3A_1436 = vector.extract_strided_slice %dot_general3A_53 {offsets = [0, 14], sizes = [256, 1], strides = [1, 1]} : vector<256x16xf32> to vector<256x1xf32>
    %slice3A_1437 = vector.extract_strided_slice %convert_element_type3A {offsets = [14, 0], sizes = [1, 256], strides = [1, 1]} : vector<16x256xf32> to vector<1x256xf32>
    %eq3A_1438 = vector.broadcast %slice3A_1436 : vector<256x1xf32> to vector<256x256xf32>
    %eq3A_1439 = vector.broadcast %slice3A_1437 : vector<1x256xf32> to vector<256x256xf32>
    %eq3A_1440 = arith.cmpf oeq, %eq3A_1438, %eq3A_1439 : vector<256x256xf32>
    %convert_element_type3A_1441 = arith.extui %eq3A_1440 : vector<256x256xi1> to vector<256x256xi32>
    %convert_element_type3A_1442 = arith.sitofp %convert_element_type3A_1441 : vector<256x256xi32> to vector<256x256xf32>
    %gt3A_1443 = arith.constant 5.000000e-01 : f32
    %gt3A_1444 = vector.broadcast %gt3A_1443 : f32 to vector<256x256xf32>
    %gt3A_1445 = arith.cmpf ogt, %div3A_1435, %gt3A_1444 : vector<256x256xf32>
    %convert_element_type3A_1446 = arith.extui %gt3A_1445 : vector<256x256xi1> to vector<256x256xi32>
    %convert_element_type3A_1447 = arith.sitofp %convert_element_type3A_1446 : vector<256x256xi32> to vector<256x256xf32>
    %mul3A_1448 = arith.mulf %convert_element_type3A_1447, %convert_element_type3A_1442 : vector<256x256xf32>
    %mul3A_1449 = arith.mulf %mul3A_1448, %convert_element_type3A_65 : vector<256x256xf32>
    %slice3A_1450 = vector.extract_strided_slice %dot_general3A_53 {offsets = [0, 14], sizes = [256, 1], strides = [1, 1]} : vector<256x16xf32> to vector<256x1xf32>
    %slice3A_1451 = vector.extract_strided_slice %dot_general3A_60 {offsets = [0, 14], sizes = [256, 1], strides = [1, 1]} : vector<256x16xf32> to vector<256x1xf32>
    %broadcast_in_dim3A_1452 = arith.constant 0.000000e+00 : f32
    %broadcast_in_dim3A_1453 = vector.broadcast %broadcast_in_dim3A_1452 : f32 to vector<256x2xf32>
    %concatenate3A_1454 = tpu.concatenate %dot_general3A_1373, %slice3A_1450, %slice3A_1451, %broadcast_in_dim3A_1453 in 1 : vector<256x4xf32>, vector<256x1xf32>, vector<256x1xf32>, vector<256x2xf32> -> vector<256x8xf32>
    %get3A_1455 = arith.constant 15 : index
    %get3A_1456 = arith.constant 0 : index
    %get3A_1457 = arith.constant 0 : index
    %get3A_1458 = vector.load %arg1[%get3A_1455, %get3A_1456, %get3A_1457] : memref<16x256x4xf32, #tpu.memory_space<vmem>>, vector<1x256x4xf32>
    %get3A_1459 = vector.shape_cast %get3A_1458 : vector<1x256x4xf32> to vector<256x4xf32>
    %slice3A_1460 = vector.extract_strided_slice %dot_general3A_46 {offsets = [0, 15], sizes = [256, 1], strides = [1, 1]} : vector<256x16xf32> to vector<256x1xf32>
    %eq3A_1461 = vector.broadcast %slice3A_1460 : vector<256x1xf32> to vector<256x256xf32>
    %eq3A_1462 = arith.cmpf oeq, %eq3A_1461, %convert_element_type3A_63 : vector<256x256xf32>
    %convert_element_type3A_1463 = arith.extui %eq3A_1462 : vector<256x256xi1> to vector<256x256xi32>
    %convert_element_type3A_1464 = arith.sitofp %convert_element_type3A_1463 : vector<256x256xi32> to vector<256x256xf32>
    %dot_general3A_1465 = arith.constant dense<0.000000e+00> : vector<256x4xf32>
    %dot_general3A_1466 = tpu.matmul %convert_element_type3A_1464, %get3A_1459, %dot_general3A_1465 {dimension_numbers = #tpu.dot_dimension_numbers<[1], [0], [0], [1], [0, 0, 1, 1], [], []>, transpose_lhs_hint = false} : vector<256x256xf32>, vector<256x4xf32>, vector<256x4xf32> -> vector<256x4xf32>
    %iota3A_1467 = tpu.iota {dimensions = array<i32: 0>} : vector<256x256xi32>
    %iota3A_1468 = tpu.iota {dimensions = array<i32: 1>} : vector<256x256xi32>
    %eq3A_1469 = arith.cmpi eq, %iota3A_1467, %iota3A_1468 : vector<256x256xi32>
    %convert_element_type3A_1470 = arith.extui %eq3A_1469 : vector<256x256xi1> to vector<256x256xi32>
    %convert_element_type3A_1471 = arith.sitofp %convert_element_type3A_1470 : vector<256x256xi32> to vector<256x256xf32>
    %dot_general3A_1472 = arith.constant dense<0.000000e+00> : vector<4x256xf32>
    %dot_general3A_1473 = tpu.matmul %dot_general3A_1466, %convert_element_type3A_1471, %dot_general3A_1472 {dimension_numbers = #tpu.dot_dimension_numbers<[0], [0], [1], [1], [0, 1, 1, 1], [], []>, transpose_lhs_hint = false} : vector<256x4xf32>, vector<256x256xf32>, vector<4x256xf32> -> vector<4x256xf32>
    %slice3A_1474 = vector.extract_strided_slice %dot_general3A_1466 {offsets = [0, 0], sizes = [256, 1], strides = [1, 1]} : vector<256x4xf32> to vector<256x1xf32>
    %slice3A_1475 = vector.extract_strided_slice %dot_general3A_1466 {offsets = [0, 1], sizes = [256, 1], strides = [1, 1]} : vector<256x4xf32> to vector<256x1xf32>
    %slice3A_1476 = vector.extract_strided_slice %dot_general3A_1466 {offsets = [0, 2], sizes = [256, 1], strides = [1, 1]} : vector<256x4xf32> to vector<256x1xf32>
    %slice3A_1477 = vector.extract_strided_slice %dot_general3A_1466 {offsets = [0, 3], sizes = [256, 1], strides = [1, 1]} : vector<256x4xf32> to vector<256x1xf32>
    %slice3A_1478 = vector.extract_strided_slice %dot_general3A_1473 {offsets = [0, 0], sizes = [1, 256], strides = [1, 1]} : vector<4x256xf32> to vector<1x256xf32>
    %slice3A_1479 = vector.extract_strided_slice %dot_general3A_1473 {offsets = [1, 0], sizes = [1, 256], strides = [1, 1]} : vector<4x256xf32> to vector<1x256xf32>
    %slice3A_1480 = vector.extract_strided_slice %dot_general3A_1473 {offsets = [2, 0], sizes = [1, 256], strides = [1, 1]} : vector<4x256xf32> to vector<1x256xf32>
    %slice3A_1481 = vector.extract_strided_slice %dot_general3A_1473 {offsets = [3, 0], sizes = [1, 256], strides = [1, 1]} : vector<4x256xf32> to vector<1x256xf32>
    %sub3A_1482 = arith.subf %slice3A_1476, %slice3A_1474 : vector<256x1xf32>
    %max3A_1483 = arith.constant 0.000000e+00 : f32
    %max3A_1484 = vector.broadcast %max3A_1483 : f32 to vector<256x1xf32>
    %max3A_1485 = arith.maximumf %sub3A_1482, %max3A_1484 : vector<256x1xf32>
    %sub3A_1486 = arith.subf %slice3A_1477, %slice3A_1475 : vector<256x1xf32>
    %max3A_1487 = arith.constant 0.000000e+00 : f32
    %max3A_1488 = vector.broadcast %max3A_1487 : f32 to vector<256x1xf32>
    %max3A_1489 = arith.maximumf %sub3A_1486, %max3A_1488 : vector<256x1xf32>
    %mul3A_1490 = arith.mulf %max3A_1485, %max3A_1489 : vector<256x1xf32>
    %sub3A_1491 = arith.subf %slice3A_1480, %slice3A_1478 : vector<1x256xf32>
    %max3A_1492 = arith.constant 0.000000e+00 : f32
    %max3A_1493 = vector.broadcast %max3A_1492 : f32 to vector<1x256xf32>
    %max3A_1494 = arith.maximumf %sub3A_1491, %max3A_1493 : vector<1x256xf32>
    %sub3A_1495 = arith.subf %slice3A_1481, %slice3A_1479 : vector<1x256xf32>
    %max3A_1496 = arith.constant 0.000000e+00 : f32
    %max3A_1497 = vector.broadcast %max3A_1496 : f32 to vector<1x256xf32>
    %max3A_1498 = arith.maximumf %sub3A_1495, %max3A_1497 : vector<1x256xf32>
    %mul3A_1499 = arith.mulf %max3A_1494, %max3A_1498 : vector<1x256xf32>
    %min3A_1500 = vector.broadcast %slice3A_1476 : vector<256x1xf32> to vector<256x256xf32>
    %min3A_1501 = vector.broadcast %slice3A_1480 : vector<1x256xf32> to vector<256x256xf32>
    %min3A_1502 = arith.minimumf %min3A_1500, %min3A_1501 : vector<256x256xf32>
    %max3A_1503 = vector.broadcast %slice3A_1474 : vector<256x1xf32> to vector<256x256xf32>
    %max3A_1504 = vector.broadcast %slice3A_1478 : vector<1x256xf32> to vector<256x256xf32>
    %max3A_1505 = arith.maximumf %max3A_1503, %max3A_1504 : vector<256x256xf32>
    %sub3A_1506 = arith.subf %min3A_1502, %max3A_1505 : vector<256x256xf32>
    %max3A_1507 = arith.constant 0.000000e+00 : f32
    %max3A_1508 = vector.broadcast %max3A_1507 : f32 to vector<256x256xf32>
    %max3A_1509 = arith.maximumf %sub3A_1506, %max3A_1508 : vector<256x256xf32>
    %min3A_1510 = vector.broadcast %slice3A_1477 : vector<256x1xf32> to vector<256x256xf32>
    %min3A_1511 = vector.broadcast %slice3A_1481 : vector<1x256xf32> to vector<256x256xf32>
    %min3A_1512 = arith.minimumf %min3A_1510, %min3A_1511 : vector<256x256xf32>
    %max3A_1513 = vector.broadcast %slice3A_1475 : vector<256x1xf32> to vector<256x256xf32>
    %max3A_1514 = vector.broadcast %slice3A_1479 : vector<1x256xf32> to vector<256x256xf32>
    %max3A_1515 = arith.maximumf %max3A_1513, %max3A_1514 : vector<256x256xf32>
    %sub3A_1516 = arith.subf %min3A_1512, %max3A_1515 : vector<256x256xf32>
    %max3A_1517 = arith.constant 0.000000e+00 : f32
    %max3A_1518 = vector.broadcast %max3A_1517 : f32 to vector<256x256xf32>
    %max3A_1519 = arith.maximumf %sub3A_1516, %max3A_1518 : vector<256x256xf32>
    %mul3A_1520 = arith.mulf %max3A_1509, %max3A_1519 : vector<256x256xf32>
    %add3A_1521 = vector.broadcast %mul3A_1490 : vector<256x1xf32> to vector<256x256xf32>
    %add3A_1522 = vector.broadcast %mul3A_1499 : vector<1x256xf32> to vector<256x256xf32>
    %add3A_1523 = arith.addf %add3A_1521, %add3A_1522 : vector<256x256xf32>
    %sub3A_1524 = arith.subf %add3A_1523, %mul3A_1520 : vector<256x256xf32>
    %max3A_1525 = arith.constant 9.99999993E-9 : f32
    %max3A_1526 = vector.broadcast %max3A_1525 : f32 to vector<256x256xf32>
    %max3A_1527 = arith.maximumf %sub3A_1524, %max3A_1526 : vector<256x256xf32>
    %div3A_1528 = arith.divf %mul3A_1520, %max3A_1527 : vector<256x256xf32>
    %slice3A_1529 = vector.extract_strided_slice %dot_general3A_53 {offsets = [0, 15], sizes = [256, 1], strides = [1, 1]} : vector<256x16xf32> to vector<256x1xf32>
    %slice3A_1530 = vector.extract_strided_slice %convert_element_type3A {offsets = [15, 0], sizes = [1, 256], strides = [1, 1]} : vector<16x256xf32> to vector<1x256xf32>
    %eq3A_1531 = vector.broadcast %slice3A_1529 : vector<256x1xf32> to vector<256x256xf32>
    %eq3A_1532 = vector.broadcast %slice3A_1530 : vector<1x256xf32> to vector<256x256xf32>
    %eq3A_1533 = arith.cmpf oeq, %eq3A_1531, %eq3A_1532 : vector<256x256xf32>
    %convert_element_type3A_1534 = arith.extui %eq3A_1533 : vector<256x256xi1> to vector<256x256xi32>
    %convert_element_type3A_1535 = arith.sitofp %convert_element_type3A_1534 : vector<256x256xi32> to vector<256x256xf32>
    %gt3A_1536 = arith.constant 5.000000e-01 : f32
    %gt3A_1537 = vector.broadcast %gt3A_1536 : f32 to vector<256x256xf32>
    %gt3A_1538 = arith.cmpf ogt, %div3A_1528, %gt3A_1537 : vector<256x256xf32>
    %convert_element_type3A_1539 = arith.extui %gt3A_1538 : vector<256x256xi1> to vector<256x256xi32>
    %convert_element_type3A_1540 = arith.sitofp %convert_element_type3A_1539 : vector<256x256xi32> to vector<256x256xf32>
    %mul3A_1541 = arith.mulf %convert_element_type3A_1540, %convert_element_type3A_1535 : vector<256x256xf32>
    %mul3A_1542 = arith.mulf %mul3A_1541, %convert_element_type3A_65 : vector<256x256xf32>
    %slice3A_1543 = vector.extract_strided_slice %dot_general3A_53 {offsets = [0, 15], sizes = [256, 1], strides = [1, 1]} : vector<256x16xf32> to vector<256x1xf32>
    %slice3A_1544 = vector.extract_strided_slice %dot_general3A_60 {offsets = [0, 15], sizes = [256, 1], strides = [1, 1]} : vector<256x16xf32> to vector<256x1xf32>
    %broadcast_in_dim3A_1545 = arith.constant 0.000000e+00 : f32
    %broadcast_in_dim3A_1546 = vector.broadcast %broadcast_in_dim3A_1545 : f32 to vector<256x2xf32>
    %concatenate3A_1547 = tpu.concatenate %dot_general3A_1466, %slice3A_1543, %slice3A_1544, %broadcast_in_dim3A_1546 in 1 : vector<256x4xf32>, vector<256x1xf32>, vector<256x1xf32>, vector<256x2xf32> -> vector<256x8xf32>
    %broadcast_in_dim3A_1548 = arith.constant 1.000000e+00 : f32
    %broadcast_in_dim3A_1549 = vector.broadcast %broadcast_in_dim3A_1548 : f32 to vector<16x256xf32>
    %while3A_1550 = arith.constant true
    %while3A_1551 = arith.constant 0 : i32
    %while3A_1552:3 = scf.while (%while3A_1835 = %broadcast_in_dim3A_1549, %while3A_1836 = %while3A_1550, %while3A_1837 = %while3A_1551) : (vector<16x256xf32>, i1, i32) -> (vector<16x256xf32>, i1, i32) {
      %lt3A_1838 = arith.constant 260 : i32
      %lt3A_1839 = arith.cmpi slt, %while3A_1837, %lt3A_1838 : i32
      %and3A = arith.andi %while3A_1836, %lt3A_1839 : i1
      scf.condition(%and3A) %while3A_1835, %while3A_1836, %while3A_1837 : vector<16x256xf32>, i1, i32
    } do {
    ^bb0(%while3A_1835: vector<16x256xf32>, %while3A_1836: i1, %while3A_1837: i32):
      %slice3A_1838 = vector.extract_strided_slice %while3A_1835 {offsets = [0, 0], sizes = [1, 256], strides = [1, 1]} : vector<16x256xf32> to vector<1x256xf32>
      %dot_general3A_1839 = arith.constant dense<0.000000e+00> : vector<1x256xf32>
      %dot_general3A_1840 = tpu.matmul %slice3A_1838, %mul3A_148, %dot_general3A_1839 {dimension_numbers = #tpu.dot_dimension_numbers<[1], [0], [0], [1], [0, 0, 1, 1], [], []>, transpose_lhs_hint = false} : vector<1x256xf32>, vector<256x256xf32>, vector<1x256xf32> -> vector<1x256xf32>
      %eq3A_1841 = arith.constant 0.000000e+00 : f32
      %eq3A_1842 = vector.broadcast %eq3A_1841 : f32 to vector<1x256xf32>
      %eq3A_1843 = arith.cmpf oeq, %dot_general3A_1840, %eq3A_1842 : vector<1x256xf32>
      %jit3A = arith.constant 1.000000e+00 : f32
      %jit3A_1844 = arith.constant 0.000000e+00 : f32
      %broadcast_in_dim3A_1845 = vector.broadcast %jit3A : f32 to vector<1x256xf32>
      %broadcast_in_dim3A_1846 = vector.broadcast %jit3A_1844 : f32 to vector<1x256xf32>
      %select_n3A = arith.select %eq3A_1843, %broadcast_in_dim3A_1845, %broadcast_in_dim3A_1846 : vector<1x256xi1>, vector<1x256xf32>
      %slice3A_1847 = vector.extract_strided_slice %while3A_1835 {offsets = [1, 0], sizes = [1, 256], strides = [1, 1]} : vector<16x256xf32> to vector<1x256xf32>
      %dot_general3A_1848 = arith.constant dense<0.000000e+00> : vector<1x256xf32>
      %dot_general3A_1849 = tpu.matmul %slice3A_1847, %mul3A_240, %dot_general3A_1848 {dimension_numbers = #tpu.dot_dimension_numbers<[1], [0], [0], [1], [0, 0, 1, 1], [], []>, transpose_lhs_hint = false} : vector<1x256xf32>, vector<256x256xf32>, vector<1x256xf32> -> vector<1x256xf32>
      %eq3A_1850 = arith.constant 0.000000e+00 : f32
      %eq3A_1851 = vector.broadcast %eq3A_1850 : f32 to vector<1x256xf32>
      %eq3A_1852 = arith.cmpf oeq, %dot_general3A_1849, %eq3A_1851 : vector<1x256xf32>
      %jit3A_1853 = arith.constant 1.000000e+00 : f32
      %jit3A_1854 = arith.constant 0.000000e+00 : f32
      %broadcast_in_dim3A_1855 = vector.broadcast %jit3A_1853 : f32 to vector<1x256xf32>
      %broadcast_in_dim3A_1856 = vector.broadcast %jit3A_1854 : f32 to vector<1x256xf32>
      %select_n3A_1857 = arith.select %eq3A_1852, %broadcast_in_dim3A_1855, %broadcast_in_dim3A_1856 : vector<1x256xi1>, vector<1x256xf32>
      %slice3A_1858 = vector.extract_strided_slice %while3A_1835 {offsets = [2, 0], sizes = [1, 256], strides = [1, 1]} : vector<16x256xf32> to vector<1x256xf32>
      %dot_general3A_1859 = arith.constant dense<0.000000e+00> : vector<1x256xf32>
      %dot_general3A_1860 = tpu.matmul %slice3A_1858, %mul3A_333, %dot_general3A_1859 {dimension_numbers = #tpu.dot_dimension_numbers<[1], [0], [0], [1], [0, 0, 1, 1], [], []>, transpose_lhs_hint = false} : vector<1x256xf32>, vector<256x256xf32>, vector<1x256xf32> -> vector<1x256xf32>
      %eq3A_1861 = arith.constant 0.000000e+00 : f32
      %eq3A_1862 = vector.broadcast %eq3A_1861 : f32 to vector<1x256xf32>
      %eq3A_1863 = arith.cmpf oeq, %dot_general3A_1860, %eq3A_1862 : vector<1x256xf32>
      %jit3A_1864 = arith.constant 1.000000e+00 : f32
      %jit3A_1865 = arith.constant 0.000000e+00 : f32
      %broadcast_in_dim3A_1866 = vector.broadcast %jit3A_1864 : f32 to vector<1x256xf32>
      %broadcast_in_dim3A_1867 = vector.broadcast %jit3A_1865 : f32 to vector<1x256xf32>
      %select_n3A_1868 = arith.select %eq3A_1863, %broadcast_in_dim3A_1866, %broadcast_in_dim3A_1867 : vector<1x256xi1>, vector<1x256xf32>
      %slice3A_1869 = vector.extract_strided_slice %while3A_1835 {offsets = [3, 0], sizes = [1, 256], strides = [1, 1]} : vector<16x256xf32> to vector<1x256xf32>
      %dot_general3A_1870 = arith.constant dense<0.000000e+00> : vector<1x256xf32>
      %dot_general3A_1871 = tpu.matmul %slice3A_1869, %mul3A_426, %dot_general3A_1870 {dimension_numbers = #tpu.dot_dimension_numbers<[1], [0], [0], [1], [0, 0, 1, 1], [], []>, transpose_lhs_hint = false} : vector<1x256xf32>, vector<256x256xf32>, vector<1x256xf32> -> vector<1x256xf32>
      %eq3A_1872 = arith.constant 0.000000e+00 : f32
      %eq3A_1873 = vector.broadcast %eq3A_1872 : f32 to vector<1x256xf32>
      %eq3A_1874 = arith.cmpf oeq, %dot_general3A_1871, %eq3A_1873 : vector<1x256xf32>
      %jit3A_1875 = arith.constant 1.000000e+00 : f32
      %jit3A_1876 = arith.constant 0.000000e+00 : f32
      %broadcast_in_dim3A_1877 = vector.broadcast %jit3A_1875 : f32 to vector<1x256xf32>
      %broadcast_in_dim3A_1878 = vector.broadcast %jit3A_1876 : f32 to vector<1x256xf32>
      %select_n3A_1879 = arith.select %eq3A_1874, %broadcast_in_dim3A_1877, %broadcast_in_dim3A_1878 : vector<1x256xi1>, vector<1x256xf32>
      %slice3A_1880 = vector.extract_strided_slice %while3A_1835 {offsets = [4, 0], sizes = [1, 256], strides = [1, 1]} : vector<16x256xf32> to vector<1x256xf32>
      %dot_general3A_1881 = arith.constant dense<0.000000e+00> : vector<1x256xf32>
      %dot_general3A_1882 = tpu.matmul %slice3A_1880, %mul3A_519, %dot_general3A_1881 {dimension_numbers = #tpu.dot_dimension_numbers<[1], [0], [0], [1], [0, 0, 1, 1], [], []>, transpose_lhs_hint = false} : vector<1x256xf32>, vector<256x256xf32>, vector<1x256xf32> -> vector<1x256xf32>
      %eq3A_1883 = arith.constant 0.000000e+00 : f32
      %eq3A_1884 = vector.broadcast %eq3A_1883 : f32 to vector<1x256xf32>
      %eq3A_1885 = arith.cmpf oeq, %dot_general3A_1882, %eq3A_1884 : vector<1x256xf32>
      %jit3A_1886 = arith.constant 1.000000e+00 : f32
      %jit3A_1887 = arith.constant 0.000000e+00 : f32
      %broadcast_in_dim3A_1888 = vector.broadcast %jit3A_1886 : f32 to vector<1x256xf32>
      %broadcast_in_dim3A_1889 = vector.broadcast %jit3A_1887 : f32 to vector<1x256xf32>
      %select_n3A_1890 = arith.select %eq3A_1885, %broadcast_in_dim3A_1888, %broadcast_in_dim3A_1889 : vector<1x256xi1>, vector<1x256xf32>
      %slice3A_1891 = vector.extract_strided_slice %while3A_1835 {offsets = [5, 0], sizes = [1, 256], strides = [1, 1]} : vector<16x256xf32> to vector<1x256xf32>
      %dot_general3A_1892 = arith.constant dense<0.000000e+00> : vector<1x256xf32>
      %dot_general3A_1893 = tpu.matmul %slice3A_1891, %mul3A_612, %dot_general3A_1892 {dimension_numbers = #tpu.dot_dimension_numbers<[1], [0], [0], [1], [0, 0, 1, 1], [], []>, transpose_lhs_hint = false} : vector<1x256xf32>, vector<256x256xf32>, vector<1x256xf32> -> vector<1x256xf32>
      %eq3A_1894 = arith.constant 0.000000e+00 : f32
      %eq3A_1895 = vector.broadcast %eq3A_1894 : f32 to vector<1x256xf32>
      %eq3A_1896 = arith.cmpf oeq, %dot_general3A_1893, %eq3A_1895 : vector<1x256xf32>
      %jit3A_1897 = arith.constant 1.000000e+00 : f32
      %jit3A_1898 = arith.constant 0.000000e+00 : f32
      %broadcast_in_dim3A_1899 = vector.broadcast %jit3A_1897 : f32 to vector<1x256xf32>
      %broadcast_in_dim3A_1900 = vector.broadcast %jit3A_1898 : f32 to vector<1x256xf32>
      %select_n3A_1901 = arith.select %eq3A_1896, %broadcast_in_dim3A_1899, %broadcast_in_dim3A_1900 : vector<1x256xi1>, vector<1x256xf32>
      %slice3A_1902 = vector.extract_strided_slice %while3A_1835 {offsets = [6, 0], sizes = [1, 256], strides = [1, 1]} : vector<16x256xf32> to vector<1x256xf32>
      %dot_general3A_1903 = arith.constant dense<0.000000e+00> : vector<1x256xf32>
      %dot_general3A_1904 = tpu.matmul %slice3A_1902, %mul3A_705, %dot_general3A_1903 {dimension_numbers = #tpu.dot_dimension_numbers<[1], [0], [0], [1], [0, 0, 1, 1], [], []>, transpose_lhs_hint = false} : vector<1x256xf32>, vector<256x256xf32>, vector<1x256xf32> -> vector<1x256xf32>
      %eq3A_1905 = arith.constant 0.000000e+00 : f32
      %eq3A_1906 = vector.broadcast %eq3A_1905 : f32 to vector<1x256xf32>
      %eq3A_1907 = arith.cmpf oeq, %dot_general3A_1904, %eq3A_1906 : vector<1x256xf32>
      %jit3A_1908 = arith.constant 1.000000e+00 : f32
      %jit3A_1909 = arith.constant 0.000000e+00 : f32
      %broadcast_in_dim3A_1910 = vector.broadcast %jit3A_1908 : f32 to vector<1x256xf32>
      %broadcast_in_dim3A_1911 = vector.broadcast %jit3A_1909 : f32 to vector<1x256xf32>
      %select_n3A_1912 = arith.select %eq3A_1907, %broadcast_in_dim3A_1910, %broadcast_in_dim3A_1911 : vector<1x256xi1>, vector<1x256xf32>
      %slice3A_1913 = vector.extract_strided_slice %while3A_1835 {offsets = [7, 0], sizes = [1, 256], strides = [1, 1]} : vector<16x256xf32> to vector<1x256xf32>
      %dot_general3A_1914 = arith.constant dense<0.000000e+00> : vector<1x256xf32>
      %dot_general3A_1915 = tpu.matmul %slice3A_1913, %mul3A_798, %dot_general3A_1914 {dimension_numbers = #tpu.dot_dimension_numbers<[1], [0], [0], [1], [0, 0, 1, 1], [], []>, transpose_lhs_hint = false} : vector<1x256xf32>, vector<256x256xf32>, vector<1x256xf32> -> vector<1x256xf32>
      %eq3A_1916 = arith.constant 0.000000e+00 : f32
      %eq3A_1917 = vector.broadcast %eq3A_1916 : f32 to vector<1x256xf32>
      %eq3A_1918 = arith.cmpf oeq, %dot_general3A_1915, %eq3A_1917 : vector<1x256xf32>
      %jit3A_1919 = arith.constant 1.000000e+00 : f32
      %jit3A_1920 = arith.constant 0.000000e+00 : f32
      %broadcast_in_dim3A_1921 = vector.broadcast %jit3A_1919 : f32 to vector<1x256xf32>
      %broadcast_in_dim3A_1922 = vector.broadcast %jit3A_1920 : f32 to vector<1x256xf32>
      %select_n3A_1923 = arith.select %eq3A_1918, %broadcast_in_dim3A_1921, %broadcast_in_dim3A_1922 : vector<1x256xi1>, vector<1x256xf32>
      %slice3A_1924 = vector.extract_strided_slice %while3A_1835 {offsets = [8, 0], sizes = [1, 256], strides = [1, 1]} : vector<16x256xf32> to vector<1x256xf32>
      %dot_general3A_1925 = arith.constant dense<0.000000e+00> : vector<1x256xf32>
      %dot_general3A_1926 = tpu.matmul %slice3A_1924, %mul3A_891, %dot_general3A_1925 {dimension_numbers = #tpu.dot_dimension_numbers<[1], [0], [0], [1], [0, 0, 1, 1], [], []>, transpose_lhs_hint = false} : vector<1x256xf32>, vector<256x256xf32>, vector<1x256xf32> -> vector<1x256xf32>
      %eq3A_1927 = arith.constant 0.000000e+00 : f32
      %eq3A_1928 = vector.broadcast %eq3A_1927 : f32 to vector<1x256xf32>
      %eq3A_1929 = arith.cmpf oeq, %dot_general3A_1926, %eq3A_1928 : vector<1x256xf32>
      %jit3A_1930 = arith.constant 1.000000e+00 : f32
      %jit3A_1931 = arith.constant 0.000000e+00 : f32
      %broadcast_in_dim3A_1932 = vector.broadcast %jit3A_1930 : f32 to vector<1x256xf32>
      %broadcast_in_dim3A_1933 = vector.broadcast %jit3A_1931 : f32 to vector<1x256xf32>
      %select_n3A_1934 = arith.select %eq3A_1929, %broadcast_in_dim3A_1932, %broadcast_in_dim3A_1933 : vector<1x256xi1>, vector<1x256xf32>
      %slice3A_1935 = vector.extract_strided_slice %while3A_1835 {offsets = [9, 0], sizes = [1, 256], strides = [1, 1]} : vector<16x256xf32> to vector<1x256xf32>
      %dot_general3A_1936 = arith.constant dense<0.000000e+00> : vector<1x256xf32>
      %dot_general3A_1937 = tpu.matmul %slice3A_1935, %mul3A_984, %dot_general3A_1936 {dimension_numbers = #tpu.dot_dimension_numbers<[1], [0], [0], [1], [0, 0, 1, 1], [], []>, transpose_lhs_hint = false} : vector<1x256xf32>, vector<256x256xf32>, vector<1x256xf32> -> vector<1x256xf32>
      %eq3A_1938 = arith.constant 0.000000e+00 : f32
      %eq3A_1939 = vector.broadcast %eq3A_1938 : f32 to vector<1x256xf32>
      %eq3A_1940 = arith.cmpf oeq, %dot_general3A_1937, %eq3A_1939 : vector<1x256xf32>
      %jit3A_1941 = arith.constant 1.000000e+00 : f32
      %jit3A_1942 = arith.constant 0.000000e+00 : f32
      %broadcast_in_dim3A_1943 = vector.broadcast %jit3A_1941 : f32 to vector<1x256xf32>
      %broadcast_in_dim3A_1944 = vector.broadcast %jit3A_1942 : f32 to vector<1x256xf32>
      %select_n3A_1945 = arith.select %eq3A_1940, %broadcast_in_dim3A_1943, %broadcast_in_dim3A_1944 : vector<1x256xi1>, vector<1x256xf32>
      %slice3A_1946 = vector.extract_strided_slice %while3A_1835 {offsets = [10, 0], sizes = [1, 256], strides = [1, 1]} : vector<16x256xf32> to vector<1x256xf32>
      %dot_general3A_1947 = arith.constant dense<0.000000e+00> : vector<1x256xf32>
      %dot_general3A_1948 = tpu.matmul %slice3A_1946, %mul3A_1077, %dot_general3A_1947 {dimension_numbers = #tpu.dot_dimension_numbers<[1], [0], [0], [1], [0, 0, 1, 1], [], []>, transpose_lhs_hint = false} : vector<1x256xf32>, vector<256x256xf32>, vector<1x256xf32> -> vector<1x256xf32>
      %eq3A_1949 = arith.constant 0.000000e+00 : f32
      %eq3A_1950 = vector.broadcast %eq3A_1949 : f32 to vector<1x256xf32>
      %eq3A_1951 = arith.cmpf oeq, %dot_general3A_1948, %eq3A_1950 : vector<1x256xf32>
      %jit3A_1952 = arith.constant 1.000000e+00 : f32
      %jit3A_1953 = arith.constant 0.000000e+00 : f32
      %broadcast_in_dim3A_1954 = vector.broadcast %jit3A_1952 : f32 to vector<1x256xf32>
      %broadcast_in_dim3A_1955 = vector.broadcast %jit3A_1953 : f32 to vector<1x256xf32>
      %select_n3A_1956 = arith.select %eq3A_1951, %broadcast_in_dim3A_1954, %broadcast_in_dim3A_1955 : vector<1x256xi1>, vector<1x256xf32>
      %slice3A_1957 = vector.extract_strided_slice %while3A_1835 {offsets = [11, 0], sizes = [1, 256], strides = [1, 1]} : vector<16x256xf32> to vector<1x256xf32>
      %dot_general3A_1958 = arith.constant dense<0.000000e+00> : vector<1x256xf32>
      %dot_general3A_1959 = tpu.matmul %slice3A_1957, %mul3A_1170, %dot_general3A_1958 {dimension_numbers = #tpu.dot_dimension_numbers<[1], [0], [0], [1], [0, 0, 1, 1], [], []>, transpose_lhs_hint = false} : vector<1x256xf32>, vector<256x256xf32>, vector<1x256xf32> -> vector<1x256xf32>
      %eq3A_1960 = arith.constant 0.000000e+00 : f32
      %eq3A_1961 = vector.broadcast %eq3A_1960 : f32 to vector<1x256xf32>
      %eq3A_1962 = arith.cmpf oeq, %dot_general3A_1959, %eq3A_1961 : vector<1x256xf32>
      %jit3A_1963 = arith.constant 1.000000e+00 : f32
      %jit3A_1964 = arith.constant 0.000000e+00 : f32
      %broadcast_in_dim3A_1965 = vector.broadcast %jit3A_1963 : f32 to vector<1x256xf32>
      %broadcast_in_dim3A_1966 = vector.broadcast %jit3A_1964 : f32 to vector<1x256xf32>
      %select_n3A_1967 = arith.select %eq3A_1962, %broadcast_in_dim3A_1965, %broadcast_in_dim3A_1966 : vector<1x256xi1>, vector<1x256xf32>
      %slice3A_1968 = vector.extract_strided_slice %while3A_1835 {offsets = [12, 0], sizes = [1, 256], strides = [1, 1]} : vector<16x256xf32> to vector<1x256xf32>
      %dot_general3A_1969 = arith.constant dense<0.000000e+00> : vector<1x256xf32>
      %dot_general3A_1970 = tpu.matmul %slice3A_1968, %mul3A_1263, %dot_general3A_1969 {dimension_numbers = #tpu.dot_dimension_numbers<[1], [0], [0], [1], [0, 0, 1, 1], [], []>, transpose_lhs_hint = false} : vector<1x256xf32>, vector<256x256xf32>, vector<1x256xf32> -> vector<1x256xf32>
      %eq3A_1971 = arith.constant 0.000000e+00 : f32
      %eq3A_1972 = vector.broadcast %eq3A_1971 : f32 to vector<1x256xf32>
      %eq3A_1973 = arith.cmpf oeq, %dot_general3A_1970, %eq3A_1972 : vector<1x256xf32>
      %jit3A_1974 = arith.constant 1.000000e+00 : f32
      %jit3A_1975 = arith.constant 0.000000e+00 : f32
      %broadcast_in_dim3A_1976 = vector.broadcast %jit3A_1974 : f32 to vector<1x256xf32>
      %broadcast_in_dim3A_1977 = vector.broadcast %jit3A_1975 : f32 to vector<1x256xf32>
      %select_n3A_1978 = arith.select %eq3A_1973, %broadcast_in_dim3A_1976, %broadcast_in_dim3A_1977 : vector<1x256xi1>, vector<1x256xf32>
      %slice3A_1979 = vector.extract_strided_slice %while3A_1835 {offsets = [13, 0], sizes = [1, 256], strides = [1, 1]} : vector<16x256xf32> to vector<1x256xf32>
      %dot_general3A_1980 = arith.constant dense<0.000000e+00> : vector<1x256xf32>
      %dot_general3A_1981 = tpu.matmul %slice3A_1979, %mul3A_1356, %dot_general3A_1980 {dimension_numbers = #tpu.dot_dimension_numbers<[1], [0], [0], [1], [0, 0, 1, 1], [], []>, transpose_lhs_hint = false} : vector<1x256xf32>, vector<256x256xf32>, vector<1x256xf32> -> vector<1x256xf32>
      %eq3A_1982 = arith.constant 0.000000e+00 : f32
      %eq3A_1983 = vector.broadcast %eq3A_1982 : f32 to vector<1x256xf32>
      %eq3A_1984 = arith.cmpf oeq, %dot_general3A_1981, %eq3A_1983 : vector<1x256xf32>
      %jit3A_1985 = arith.constant 1.000000e+00 : f32
      %jit3A_1986 = arith.constant 0.000000e+00 : f32
      %broadcast_in_dim3A_1987 = vector.broadcast %jit3A_1985 : f32 to vector<1x256xf32>
      %broadcast_in_dim3A_1988 = vector.broadcast %jit3A_1986 : f32 to vector<1x256xf32>
      %select_n3A_1989 = arith.select %eq3A_1984, %broadcast_in_dim3A_1987, %broadcast_in_dim3A_1988 : vector<1x256xi1>, vector<1x256xf32>
      %slice3A_1990 = vector.extract_strided_slice %while3A_1835 {offsets = [14, 0], sizes = [1, 256], strides = [1, 1]} : vector<16x256xf32> to vector<1x256xf32>
      %dot_general3A_1991 = arith.constant dense<0.000000e+00> : vector<1x256xf32>
      %dot_general3A_1992 = tpu.matmul %slice3A_1990, %mul3A_1449, %dot_general3A_1991 {dimension_numbers = #tpu.dot_dimension_numbers<[1], [0], [0], [1], [0, 0, 1, 1], [], []>, transpose_lhs_hint = false} : vector<1x256xf32>, vector<256x256xf32>, vector<1x256xf32> -> vector<1x256xf32>
      %eq3A_1993 = arith.constant 0.000000e+00 : f32
      %eq3A_1994 = vector.broadcast %eq3A_1993 : f32 to vector<1x256xf32>
      %eq3A_1995 = arith.cmpf oeq, %dot_general3A_1992, %eq3A_1994 : vector<1x256xf32>
      %jit3A_1996 = arith.constant 1.000000e+00 : f32
      %jit3A_1997 = arith.constant 0.000000e+00 : f32
      %broadcast_in_dim3A_1998 = vector.broadcast %jit3A_1996 : f32 to vector<1x256xf32>
      %broadcast_in_dim3A_1999 = vector.broadcast %jit3A_1997 : f32 to vector<1x256xf32>
      %select_n3A_2000 = arith.select %eq3A_1995, %broadcast_in_dim3A_1998, %broadcast_in_dim3A_1999 : vector<1x256xi1>, vector<1x256xf32>
      %slice3A_2001 = vector.extract_strided_slice %while3A_1835 {offsets = [15, 0], sizes = [1, 256], strides = [1, 1]} : vector<16x256xf32> to vector<1x256xf32>
      %dot_general3A_2002 = arith.constant dense<0.000000e+00> : vector<1x256xf32>
      %dot_general3A_2003 = tpu.matmul %slice3A_2001, %mul3A_1542, %dot_general3A_2002 {dimension_numbers = #tpu.dot_dimension_numbers<[1], [0], [0], [1], [0, 0, 1, 1], [], []>, transpose_lhs_hint = false} : vector<1x256xf32>, vector<256x256xf32>, vector<1x256xf32> -> vector<1x256xf32>
      %eq3A_2004 = arith.constant 0.000000e+00 : f32
      %eq3A_2005 = vector.broadcast %eq3A_2004 : f32 to vector<1x256xf32>
      %eq3A_2006 = arith.cmpf oeq, %dot_general3A_2003, %eq3A_2005 : vector<1x256xf32>
      %jit3A_2007 = arith.constant 1.000000e+00 : f32
      %jit3A_2008 = arith.constant 0.000000e+00 : f32
      %broadcast_in_dim3A_2009 = vector.broadcast %jit3A_2007 : f32 to vector<1x256xf32>
      %broadcast_in_dim3A_2010 = vector.broadcast %jit3A_2008 : f32 to vector<1x256xf32>
      %select_n3A_2011 = arith.select %eq3A_2006, %broadcast_in_dim3A_2009, %broadcast_in_dim3A_2010 : vector<1x256xi1>, vector<1x256xf32>
      %concatenate3A_2012 = tpu.concatenate %select_n3A, %select_n3A_1857, %select_n3A_1868, %select_n3A_1879, %select_n3A_1890, %select_n3A_1901, %select_n3A_1912, %select_n3A_1923, %select_n3A_1934, %select_n3A_1945, %select_n3A_1956, %select_n3A_1967, %select_n3A_1978, %select_n3A_1989, %select_n3A_2000, %select_n3A_2011 in 0 : vector<1x256xf32>, vector<1x256xf32>, vector<1x256xf32>, vector<1x256xf32>, vector<1x256xf32>, vector<1x256xf32>, vector<1x256xf32>, vector<1x256xf32>, vector<1x256xf32>, vector<1x256xf32>, vector<1x256xf32>, vector<1x256xf32>, vector<1x256xf32>, vector<1x256xf32>, vector<1x256xf32>, vector<1x256xf32> -> vector<16x256xf32>
      %ne3A = arith.cmpf one, %concatenate3A_2012, %while3A_1835 : vector<16x256xf32>
      %reduce_or3A_2013 = arith.constant 1.000000e+00 : f32
      %reduce_or3A_2014 = arith.constant 0.000000e+00 : f32
      %reduce_or3A_2015 = vector.broadcast %reduce_or3A_2013 : f32 to vector<16x256xf32>
      %reduce_or3A_2016 = vector.broadcast %reduce_or3A_2014 : f32 to vector<16x256xf32>
      %reduce_or3A_2017 = arith.select %ne3A, %reduce_or3A_2015, %reduce_or3A_2016 : vector<16x256xi1>, vector<16x256xf32>
      %reduce_or3A_2018 = vector.shape_cast %reduce_or3A_2017 : vector<16x256xf32> to vector<1x16x256xf32>
      %reduce_or3A_2019 = arith.constant dense<0xFF800000> : vector<1xf32>
      %reduce_or3A_2020 = vector.multi_reduction <maximumf>, %reduce_or3A_2018, %reduce_or3A_2019 [1, 2] : vector<1x16x256xf32> to vector<1xf32>
      %reduce_or3A_2021 = vector.shape_cast %reduce_or3A_2020 : vector<1xf32> to vector<1x1x1xf32>
      %reduce_or3A_2022 = vector.extract %reduce_or3A_2021[0, 0, 0] : f32 from vector<1x1x1xf32>
      %reduce_or3A_2023 = arith.constant 0.000000e+00 : f32
      %reduce_or3A_2024 = arith.cmpf ogt, %reduce_or3A_2022, %reduce_or3A_2023 : f32
      %add3A_2025 = arith.constant 1 : i32
      %add3A_2026 = arith.addi %while3A_1837, %add3A_2025 : i32
      scf.yield %concatenate3A_2012, %reduce_or3A_2024, %add3A_2026 : vector<16x256xf32>, i1, i32
    }
    %mul3A_1553 = arith.mulf %while3A#1, %while3A_1552#0 : vector<16x256xf32>
    %iota3A_1554 = tpu.iota {dimensions = array<i32: 1>} : vector<16x100xi32>
    %iota3A_1555 = tpu.iota {dimensions = array<i32: 1>} : vector<16x256xi32>
    %broadcast_in_dim3A_1556 = arith.constant 0.000000e+00 : f32
    %broadcast_in_dim3A_1557 = vector.broadcast %broadcast_in_dim3A_1556 : f32 to vector<16x100xf32>
    %scan3A_1558 = arith.constant 0 : i32
    %scan3A_1559 = arith.constant 100 : i32
    %scan3A_1560 = arith.addi %scan3A_1558, %scan3A_1559 : i32
    %scan3A_1561 = arith.constant 1 : i32
    %scan3A_1562:2 = scf.for %scan3A_1835 = %scan3A_1558 to %scan3A_1560 step %scan3A_1561 iter_args(%scan3A_1836 = %mul3A_1553, %scan3A_1837 = %broadcast_in_dim3A_1557) -> (vector<16x256xf32>, vector<16x100xf32>)  : i32 {
      %reduce_max3A_1838 = arith.constant dense<0xFF800000> : vector<16xf32>
      %reduce_max3A_1839 = vector.multi_reduction <maximumf>, %scan3A_1836, %reduce_max3A_1838 [1] : vector<16x256xf32> to vector<16xf32>
      %broadcast_in_dim3A_1840 = vector.shape_cast %reduce_max3A_1839 : vector<16xf32> to vector<16x1xf32>
      %eq3A_1841 = vector.broadcast %broadcast_in_dim3A_1840 : vector<16x1xf32> to vector<16x256xf32>
      %eq3A_1842 = arith.cmpf oeq, %scan3A_1836, %eq3A_1841 : vector<16x256xf32>
      %jit3A = arith.constant 1073741824 : i32
      %broadcast_in_dim3A_1843 = vector.broadcast %jit3A : i32 to vector<16x256xi32>
      %select_n3A = arith.select %eq3A_1842, %iota3A_1555, %broadcast_in_dim3A_1843 : vector<16x256xi1>, vector<16x256xi32>
      %reduce_min3A = arith.constant dense<2147483647> : vector<16xi32>
      %reduce_min3A_1844 = vector.multi_reduction <minsi>, %select_n3A, %reduce_min3A [1] : vector<16x256xi32> to vector<16xi32>
      %broadcast_in_dim3A_1845 = vector.shape_cast %reduce_min3A_1844 : vector<16xi32> to vector<16x1xi32>
      %eq3A_1846 = vector.broadcast %scan3A_1835 : i32 to vector<16x100xi32>
      %eq3A_1847 = arith.cmpi eq, %iota3A_1554, %eq3A_1846 : vector<16x100xi32>
      %convert_element_type3A_1848 = arith.sitofp %broadcast_in_dim3A_1845 : vector<16x1xi32> to vector<16x1xf32>
      %jit3A_1849 = arith.constant 0.000000e+00 : f32
      %broadcast_in_dim3A_1850 = vector.shape_cast %convert_element_type3A_1848 : vector<16x1xf32> to vector<16x1xf32>
      %broadcast_in_dim3A_1851 = vector.broadcast %broadcast_in_dim3A_1850 : vector<16x1xf32> to vector<16x100xf32>
      %broadcast_in_dim3A_1852 = vector.broadcast %jit3A_1849 : f32 to vector<16x100xf32>
      %select_n3A_1853 = arith.select %eq3A_1847, %broadcast_in_dim3A_1851, %broadcast_in_dim3A_1852 : vector<16x100xi1>, vector<16x100xf32>
      %add3A_1854 = arith.addf %scan3A_1837, %select_n3A_1853 : vector<16x100xf32>
      %eq3A_1855 = vector.broadcast %broadcast_in_dim3A_1845 : vector<16x1xi32> to vector<16x256xi32>
      %eq3A_1856 = arith.cmpi eq, %iota3A_1555, %eq3A_1855 : vector<16x256xi32>
      %jit3A_1857 = arith.constant -2.000000e+00 : f32
      %broadcast_in_dim3A_1858 = vector.broadcast %jit3A_1857 : f32 to vector<16x256xf32>
      %select_n3A_1859 = arith.select %eq3A_1856, %broadcast_in_dim3A_1858, %scan3A_1836 : vector<16x256xi1>, vector<16x256xf32>
      scf.yield %select_n3A_1859, %add3A_1854 : vector<16x256xf32>, vector<16x100xf32>
    }
    %scan3A_1563 = arith.constant 100 : i32
    %iota3A_1564 = tpu.iota {dimensions = array<i32: 0>} : vector<16x16xi32>
    %iota3A_1565 = tpu.iota {dimensions = array<i32: 1>} : vector<16x16xi32>
    %eq3A_1566 = arith.cmpi eq, %iota3A_1564, %iota3A_1565 : vector<16x16xi32>
    %convert_element_type3A_1567 = arith.extui %eq3A_1566 : vector<16x16xi1> to vector<16x16xi32>
    %convert_element_type3A_1568 = arith.sitofp %convert_element_type3A_1567 : vector<16x16xi32> to vector<16x16xf32>
    %dot_general3A_1569 = arith.constant dense<0.000000e+00> : vector<100x16xf32>
    %dot_general3A_1570 = tpu.matmul %scan3A_1562#1, %convert_element_type3A_1568, %dot_general3A_1569 {dimension_numbers = #tpu.dot_dimension_numbers<[0], [0], [1], [1], [0, 1, 1, 1], [], []>, transpose_lhs_hint = false} : vector<16x100xf32>, vector<16x16xf32>, vector<100x16xf32> -> vector<100x16xf32>
    %iota3A_1571 = tpu.iota {dimensions = array<i32: 0>} : vector<16x16xi32>
    %iota3A_1572 = tpu.iota {dimensions = array<i32: 1>} : vector<16x16xi32>
    %eq3A_1573 = arith.cmpi eq, %iota3A_1571, %iota3A_1572 : vector<16x16xi32>
    %convert_element_type3A_1574 = arith.extui %eq3A_1573 : vector<16x16xi1> to vector<16x16xi32>
    %convert_element_type3A_1575 = arith.sitofp %convert_element_type3A_1574 : vector<16x16xi32> to vector<16x16xf32>
    %dot_general3A_1576 = arith.constant dense<0.000000e+00> : vector<256x16xf32>
    %dot_general3A_1577 = tpu.matmul %while3A_1552#0, %convert_element_type3A_1575, %dot_general3A_1576 {dimension_numbers = #tpu.dot_dimension_numbers<[0], [0], [1], [1], [0, 1, 1, 1], [], []>, transpose_lhs_hint = false} : vector<16x256xf32>, vector<16x16xf32>, vector<256x16xf32> -> vector<256x16xf32>
    %iota3A_1578 = tpu.iota {dimensions = array<i32: 1>} : vector<100x256xi32>
    %convert_element_type3A_1579 = arith.sitofp %iota3A_1578 : vector<100x256xi32> to vector<100x256xf32>
    %slice3A_1580 = vector.extract_strided_slice %dot_general3A_1570 {offsets = [0, 0], sizes = [100, 1], strides = [1, 1]} : vector<100x16xf32> to vector<100x1xf32>
    %eq3A_1581 = vector.broadcast %slice3A_1580 : vector<100x1xf32> to vector<100x256xf32>
    %eq3A_1582 = arith.cmpf oeq, %eq3A_1581, %convert_element_type3A_1579 : vector<100x256xf32>
    %convert_element_type3A_1583 = arith.extui %eq3A_1582 : vector<100x256xi1> to vector<100x256xi32>
    %convert_element_type3A_1584 = arith.sitofp %convert_element_type3A_1583 : vector<100x256xi32> to vector<100x256xf32>
    %slice3A_1585 = vector.extract_strided_slice %dot_general3A_1577 {offsets = [0, 0], sizes = [256, 1], strides = [1, 1]} : vector<256x16xf32> to vector<256x1xf32>
    %mul3A_1586 = vector.broadcast %slice3A_1585 : vector<256x1xf32> to vector<256x8xf32>
    %mul3A_1587 = arith.mulf %concatenate3A, %mul3A_1586 : vector<256x8xf32>
    %dot_general3A_1588 = arith.constant dense<0.000000e+00> : vector<100x8xf32>
    %dot_general3A_1589 = tpu.matmul %convert_element_type3A_1584, %mul3A_1587, %dot_general3A_1588 {dimension_numbers = #tpu.dot_dimension_numbers<[1], [0], [0], [1], [0, 0, 1, 1], [], []>, transpose_lhs_hint = false} : vector<100x256xf32>, vector<256x8xf32>, vector<100x8xf32> -> vector<100x8xf32>
    %swap3A = arith.constant 0 : index
    %swap3A_1590 = arith.constant 0 : index
    %swap3A_1591 = arith.constant 0 : index
    %swap3A_1592 = vector.load %arg2[%swap3A, %swap3A_1590, %swap3A_1591] : memref<16x100x8xf32, #tpu.memory_space<vmem>>, vector<1x100x8xf32>
    %swap3A_1593 = vector.shape_cast %swap3A_1592 : vector<1x100x8xf32> to vector<100x8xf32>
    %swap3A_1594 = vector.shape_cast %dot_general3A_1589 : vector<100x8xf32> to vector<1x100x8xf32>
    tpu.vector_store %arg2[%swap3A, %swap3A_1590, %swap3A_1591], %swap3A_1594 {strides = array<i32>} : memref<16x100x8xf32, #tpu.memory_space<vmem>>, vector<1x100x8xf32>,
    %slice3A_1595 = vector.extract_strided_slice %dot_general3A_1570 {offsets = [0, 1], sizes = [100, 1], strides = [1, 1]} : vector<100x16xf32> to vector<100x1xf32>
    %eq3A_1596 = vector.broadcast %slice3A_1595 : vector<100x1xf32> to vector<100x256xf32>
    %eq3A_1597 = arith.cmpf oeq, %eq3A_1596, %convert_element_type3A_1579 : vector<100x256xf32>
    %convert_element_type3A_1598 = arith.extui %eq3A_1597 : vector<100x256xi1> to vector<100x256xi32>
    %convert_element_type3A_1599 = arith.sitofp %convert_element_type3A_1598 : vector<100x256xi32> to vector<100x256xf32>
    %slice3A_1600 = vector.extract_strided_slice %dot_general3A_1577 {offsets = [0, 1], sizes = [256, 1], strides = [1, 1]} : vector<256x16xf32> to vector<256x1xf32>
    %mul3A_1601 = vector.broadcast %slice3A_1600 : vector<256x1xf32> to vector<256x8xf32>
    %mul3A_1602 = arith.mulf %concatenate3A_245, %mul3A_1601 : vector<256x8xf32>
    %dot_general3A_1603 = arith.constant dense<0.000000e+00> : vector<100x8xf32>
    %dot_general3A_1604 = tpu.matmul %convert_element_type3A_1599, %mul3A_1602, %dot_general3A_1603 {dimension_numbers = #tpu.dot_dimension_numbers<[1], [0], [0], [1], [0, 0, 1, 1], [], []>, transpose_lhs_hint = false} : vector<100x256xf32>, vector<256x8xf32>, vector<100x8xf32> -> vector<100x8xf32>
    %swap3A_1605 = arith.constant 1 : index
    %swap3A_1606 = arith.constant 0 : index
    %swap3A_1607 = arith.constant 0 : index
    %swap3A_1608 = vector.load %arg2[%swap3A_1605, %swap3A_1606, %swap3A_1607] : memref<16x100x8xf32, #tpu.memory_space<vmem>>, vector<1x100x8xf32>
    %swap3A_1609 = vector.shape_cast %swap3A_1608 : vector<1x100x8xf32> to vector<100x8xf32>
    %swap3A_1610 = vector.shape_cast %dot_general3A_1604 : vector<100x8xf32> to vector<1x100x8xf32>
    tpu.vector_store %arg2[%swap3A_1605, %swap3A_1606, %swap3A_1607], %swap3A_1610 {strides = array<i32>} : memref<16x100x8xf32, #tpu.memory_space<vmem>>, vector<1x100x8xf32>,
    %slice3A_1611 = vector.extract_strided_slice %dot_general3A_1570 {offsets = [0, 2], sizes = [100, 1], strides = [1, 1]} : vector<100x16xf32> to vector<100x1xf32>
    %eq3A_1612 = vector.broadcast %slice3A_1611 : vector<100x1xf32> to vector<100x256xf32>
    %eq3A_1613 = arith.cmpf oeq, %eq3A_1612, %convert_element_type3A_1579 : vector<100x256xf32>
    %convert_element_type3A_1614 = arith.extui %eq3A_1613 : vector<100x256xi1> to vector<100x256xi32>
    %convert_element_type3A_1615 = arith.sitofp %convert_element_type3A_1614 : vector<100x256xi32> to vector<100x256xf32>
    %slice3A_1616 = vector.extract_strided_slice %dot_general3A_1577 {offsets = [0, 2], sizes = [256, 1], strides = [1, 1]} : vector<256x16xf32> to vector<256x1xf32>
    %mul3A_1617 = vector.broadcast %slice3A_1616 : vector<256x1xf32> to vector<256x8xf32>
    %mul3A_1618 = arith.mulf %concatenate3A_338, %mul3A_1617 : vector<256x8xf32>
    %dot_general3A_1619 = arith.constant dense<0.000000e+00> : vector<100x8xf32>
    %dot_general3A_1620 = tpu.matmul %convert_element_type3A_1615, %mul3A_1618, %dot_general3A_1619 {dimension_numbers = #tpu.dot_dimension_numbers<[1], [0], [0], [1], [0, 0, 1, 1], [], []>, transpose_lhs_hint = false} : vector<100x256xf32>, vector<256x8xf32>, vector<100x8xf32> -> vector<100x8xf32>
    %swap3A_1621 = arith.constant 2 : index
    %swap3A_1622 = arith.constant 0 : index
    %swap3A_1623 = arith.constant 0 : index
    %swap3A_1624 = vector.load %arg2[%swap3A_1621, %swap3A_1622, %swap3A_1623] : memref<16x100x8xf32, #tpu.memory_space<vmem>>, vector<1x100x8xf32>
    %swap3A_1625 = vector.shape_cast %swap3A_1624 : vector<1x100x8xf32> to vector<100x8xf32>
    %swap3A_1626 = vector.shape_cast %dot_general3A_1620 : vector<100x8xf32> to vector<1x100x8xf32>
    tpu.vector_store %arg2[%swap3A_1621, %swap3A_1622, %swap3A_1623], %swap3A_1626 {strides = array<i32>} : memref<16x100x8xf32, #tpu.memory_space<vmem>>, vector<1x100x8xf32>,
    %slice3A_1627 = vector.extract_strided_slice %dot_general3A_1570 {offsets = [0, 3], sizes = [100, 1], strides = [1, 1]} : vector<100x16xf32> to vector<100x1xf32>
    %eq3A_1628 = vector.broadcast %slice3A_1627 : vector<100x1xf32> to vector<100x256xf32>
    %eq3A_1629 = arith.cmpf oeq, %eq3A_1628, %convert_element_type3A_1579 : vector<100x256xf32>
    %convert_element_type3A_1630 = arith.extui %eq3A_1629 : vector<100x256xi1> to vector<100x256xi32>
    %convert_element_type3A_1631 = arith.sitofp %convert_element_type3A_1630 : vector<100x256xi32> to vector<100x256xf32>
    %slice3A_1632 = vector.extract_strided_slice %dot_general3A_1577 {offsets = [0, 3], sizes = [256, 1], strides = [1, 1]} : vector<256x16xf32> to vector<256x1xf32>
    %mul3A_1633 = vector.broadcast %slice3A_1632 : vector<256x1xf32> to vector<256x8xf32>
    %mul3A_1634 = arith.mulf %concatenate3A_431, %mul3A_1633 : vector<256x8xf32>
    %dot_general3A_1635 = arith.constant dense<0.000000e+00> : vector<100x8xf32>
    %dot_general3A_1636 = tpu.matmul %convert_element_type3A_1631, %mul3A_1634, %dot_general3A_1635 {dimension_numbers = #tpu.dot_dimension_numbers<[1], [0], [0], [1], [0, 0, 1, 1], [], []>, transpose_lhs_hint = false} : vector<100x256xf32>, vector<256x8xf32>, vector<100x8xf32> -> vector<100x8xf32>
    %swap3A_1637 = arith.constant 3 : index
    %swap3A_1638 = arith.constant 0 : index
    %swap3A_1639 = arith.constant 0 : index
    %swap3A_1640 = vector.load %arg2[%swap3A_1637, %swap3A_1638, %swap3A_1639] : memref<16x100x8xf32, #tpu.memory_space<vmem>>, vector<1x100x8xf32>
    %swap3A_1641 = vector.shape_cast %swap3A_1640 : vector<1x100x8xf32> to vector<100x8xf32>
    %swap3A_1642 = vector.shape_cast %dot_general3A_1636 : vector<100x8xf32> to vector<1x100x8xf32>
    tpu.vector_store %arg2[%swap3A_1637, %swap3A_1638, %swap3A_1639], %swap3A_1642 {strides = array<i32>} : memref<16x100x8xf32, #tpu.memory_space<vmem>>, vector<1x100x8xf32>,
    %slice3A_1643 = vector.extract_strided_slice %dot_general3A_1570 {offsets = [0, 4], sizes = [100, 1], strides = [1, 1]} : vector<100x16xf32> to vector<100x1xf32>
    %eq3A_1644 = vector.broadcast %slice3A_1643 : vector<100x1xf32> to vector<100x256xf32>
    %eq3A_1645 = arith.cmpf oeq, %eq3A_1644, %convert_element_type3A_1579 : vector<100x256xf32>
    %convert_element_type3A_1646 = arith.extui %eq3A_1645 : vector<100x256xi1> to vector<100x256xi32>
    %convert_element_type3A_1647 = arith.sitofp %convert_element_type3A_1646 : vector<100x256xi32> to vector<100x256xf32>
    %slice3A_1648 = vector.extract_strided_slice %dot_general3A_1577 {offsets = [0, 4], sizes = [256, 1], strides = [1, 1]} : vector<256x16xf32> to vector<256x1xf32>
    %mul3A_1649 = vector.broadcast %slice3A_1648 : vector<256x1xf32> to vector<256x8xf32>
    %mul3A_1650 = arith.mulf %concatenate3A_524, %mul3A_1649 : vector<256x8xf32>
    %dot_general3A_1651 = arith.constant dense<0.000000e+00> : vector<100x8xf32>
    %dot_general3A_1652 = tpu.matmul %convert_element_type3A_1647, %mul3A_1650, %dot_general3A_1651 {dimension_numbers = #tpu.dot_dimension_numbers<[1], [0], [0], [1], [0, 0, 1, 1], [], []>, transpose_lhs_hint = false} : vector<100x256xf32>, vector<256x8xf32>, vector<100x8xf32> -> vector<100x8xf32>
    %swap3A_1653 = arith.constant 4 : index
    %swap3A_1654 = arith.constant 0 : index
    %swap3A_1655 = arith.constant 0 : index
    %swap3A_1656 = vector.load %arg2[%swap3A_1653, %swap3A_1654, %swap3A_1655] : memref<16x100x8xf32, #tpu.memory_space<vmem>>, vector<1x100x8xf32>
    %swap3A_1657 = vector.shape_cast %swap3A_1656 : vector<1x100x8xf32> to vector<100x8xf32>
    %swap3A_1658 = vector.shape_cast %dot_general3A_1652 : vector<100x8xf32> to vector<1x100x8xf32>
    tpu.vector_store %arg2[%swap3A_1653, %swap3A_1654, %swap3A_1655], %swap3A_1658 {strides = array<i32>} : memref<16x100x8xf32, #tpu.memory_space<vmem>>, vector<1x100x8xf32>,
    %slice3A_1659 = vector.extract_strided_slice %dot_general3A_1570 {offsets = [0, 5], sizes = [100, 1], strides = [1, 1]} : vector<100x16xf32> to vector<100x1xf32>
    %eq3A_1660 = vector.broadcast %slice3A_1659 : vector<100x1xf32> to vector<100x256xf32>
    %eq3A_1661 = arith.cmpf oeq, %eq3A_1660, %convert_element_type3A_1579 : vector<100x256xf32>
    %convert_element_type3A_1662 = arith.extui %eq3A_1661 : vector<100x256xi1> to vector<100x256xi32>
    %convert_element_type3A_1663 = arith.sitofp %convert_element_type3A_1662 : vector<100x256xi32> to vector<100x256xf32>
    %slice3A_1664 = vector.extract_strided_slice %dot_general3A_1577 {offsets = [0, 5], sizes = [256, 1], strides = [1, 1]} : vector<256x16xf32> to vector<256x1xf32>
    %mul3A_1665 = vector.broadcast %slice3A_1664 : vector<256x1xf32> to vector<256x8xf32>
    %mul3A_1666 = arith.mulf %concatenate3A_617, %mul3A_1665 : vector<256x8xf32>
    %dot_general3A_1667 = arith.constant dense<0.000000e+00> : vector<100x8xf32>
    %dot_general3A_1668 = tpu.matmul %convert_element_type3A_1663, %mul3A_1666, %dot_general3A_1667 {dimension_numbers = #tpu.dot_dimension_numbers<[1], [0], [0], [1], [0, 0, 1, 1], [], []>, transpose_lhs_hint = false} : vector<100x256xf32>, vector<256x8xf32>, vector<100x8xf32> -> vector<100x8xf32>
    %swap3A_1669 = arith.constant 5 : index
    %swap3A_1670 = arith.constant 0 : index
    %swap3A_1671 = arith.constant 0 : index
    %swap3A_1672 = vector.load %arg2[%swap3A_1669, %swap3A_1670, %swap3A_1671] : memref<16x100x8xf32, #tpu.memory_space<vmem>>, vector<1x100x8xf32>
    %swap3A_1673 = vector.shape_cast %swap3A_1672 : vector<1x100x8xf32> to vector<100x8xf32>
    %swap3A_1674 = vector.shape_cast %dot_general3A_1668 : vector<100x8xf32> to vector<1x100x8xf32>
    tpu.vector_store %arg2[%swap3A_1669, %swap3A_1670, %swap3A_1671], %swap3A_1674 {strides = array<i32>} : memref<16x100x8xf32, #tpu.memory_space<vmem>>, vector<1x100x8xf32>,
    %slice3A_1675 = vector.extract_strided_slice %dot_general3A_1570 {offsets = [0, 6], sizes = [100, 1], strides = [1, 1]} : vector<100x16xf32> to vector<100x1xf32>
    %eq3A_1676 = vector.broadcast %slice3A_1675 : vector<100x1xf32> to vector<100x256xf32>
    %eq3A_1677 = arith.cmpf oeq, %eq3A_1676, %convert_element_type3A_1579 : vector<100x256xf32>
    %convert_element_type3A_1678 = arith.extui %eq3A_1677 : vector<100x256xi1> to vector<100x256xi32>
    %convert_element_type3A_1679 = arith.sitofp %convert_element_type3A_1678 : vector<100x256xi32> to vector<100x256xf32>
    %slice3A_1680 = vector.extract_strided_slice %dot_general3A_1577 {offsets = [0, 6], sizes = [256, 1], strides = [1, 1]} : vector<256x16xf32> to vector<256x1xf32>
    %mul3A_1681 = vector.broadcast %slice3A_1680 : vector<256x1xf32> to vector<256x8xf32>
    %mul3A_1682 = arith.mulf %concatenate3A_710, %mul3A_1681 : vector<256x8xf32>
    %dot_general3A_1683 = arith.constant dense<0.000000e+00> : vector<100x8xf32>
    %dot_general3A_1684 = tpu.matmul %convert_element_type3A_1679, %mul3A_1682, %dot_general3A_1683 {dimension_numbers = #tpu.dot_dimension_numbers<[1], [0], [0], [1], [0, 0, 1, 1], [], []>, transpose_lhs_hint = false} : vector<100x256xf32>, vector<256x8xf32>, vector<100x8xf32> -> vector<100x8xf32>
    %swap3A_1685 = arith.constant 6 : index
    %swap3A_1686 = arith.constant 0 : index
    %swap3A_1687 = arith.constant 0 : index
    %swap3A_1688 = vector.load %arg2[%swap3A_1685, %swap3A_1686, %swap3A_1687] : memref<16x100x8xf32, #tpu.memory_space<vmem>>, vector<1x100x8xf32>
    %swap3A_1689 = vector.shape_cast %swap3A_1688 : vector<1x100x8xf32> to vector<100x8xf32>
    %swap3A_1690 = vector.shape_cast %dot_general3A_1684 : vector<100x8xf32> to vector<1x100x8xf32>
    tpu.vector_store %arg2[%swap3A_1685, %swap3A_1686, %swap3A_1687], %swap3A_1690 {strides = array<i32>} : memref<16x100x8xf32, #tpu.memory_space<vmem>>, vector<1x100x8xf32>,
    %slice3A_1691 = vector.extract_strided_slice %dot_general3A_1570 {offsets = [0, 7], sizes = [100, 1], strides = [1, 1]} : vector<100x16xf32> to vector<100x1xf32>
    %eq3A_1692 = vector.broadcast %slice3A_1691 : vector<100x1xf32> to vector<100x256xf32>
    %eq3A_1693 = arith.cmpf oeq, %eq3A_1692, %convert_element_type3A_1579 : vector<100x256xf32>
    %convert_element_type3A_1694 = arith.extui %eq3A_1693 : vector<100x256xi1> to vector<100x256xi32>
    %convert_element_type3A_1695 = arith.sitofp %convert_element_type3A_1694 : vector<100x256xi32> to vector<100x256xf32>
    %slice3A_1696 = vector.extract_strided_slice %dot_general3A_1577 {offsets = [0, 7], sizes = [256, 1], strides = [1, 1]} : vector<256x16xf32> to vector<256x1xf32>
    %mul3A_1697 = vector.broadcast %slice3A_1696 : vector<256x1xf32> to vector<256x8xf32>
    %mul3A_1698 = arith.mulf %concatenate3A_803, %mul3A_1697 : vector<256x8xf32>
    %dot_general3A_1699 = arith.constant dense<0.000000e+00> : vector<100x8xf32>
    %dot_general3A_1700 = tpu.matmul %convert_element_type3A_1695, %mul3A_1698, %dot_general3A_1699 {dimension_numbers = #tpu.dot_dimension_numbers<[1], [0], [0], [1], [0, 0, 1, 1], [], []>, transpose_lhs_hint = false} : vector<100x256xf32>, vector<256x8xf32>, vector<100x8xf32> -> vector<100x8xf32>
    %swap3A_1701 = arith.constant 7 : index
    %swap3A_1702 = arith.constant 0 : index
    %swap3A_1703 = arith.constant 0 : index
    %swap3A_1704 = vector.load %arg2[%swap3A_1701, %swap3A_1702, %swap3A_1703] : memref<16x100x8xf32, #tpu.memory_space<vmem>>, vector<1x100x8xf32>
    %swap3A_1705 = vector.shape_cast %swap3A_1704 : vector<1x100x8xf32> to vector<100x8xf32>
    %swap3A_1706 = vector.shape_cast %dot_general3A_1700 : vector<100x8xf32> to vector<1x100x8xf32>
    tpu.vector_store %arg2[%swap3A_1701, %swap3A_1702, %swap3A_1703], %swap3A_1706 {strides = array<i32>} : memref<16x100x8xf32, #tpu.memory_space<vmem>>, vector<1x100x8xf32>,
    %slice3A_1707 = vector.extract_strided_slice %dot_general3A_1570 {offsets = [0, 8], sizes = [100, 1], strides = [1, 1]} : vector<100x16xf32> to vector<100x1xf32>
    %eq3A_1708 = vector.broadcast %slice3A_1707 : vector<100x1xf32> to vector<100x256xf32>
    %eq3A_1709 = arith.cmpf oeq, %eq3A_1708, %convert_element_type3A_1579 : vector<100x256xf32>
    %convert_element_type3A_1710 = arith.extui %eq3A_1709 : vector<100x256xi1> to vector<100x256xi32>
    %convert_element_type3A_1711 = arith.sitofp %convert_element_type3A_1710 : vector<100x256xi32> to vector<100x256xf32>
    %slice3A_1712 = vector.extract_strided_slice %dot_general3A_1577 {offsets = [0, 8], sizes = [256, 1], strides = [1, 1]} : vector<256x16xf32> to vector<256x1xf32>
    %mul3A_1713 = vector.broadcast %slice3A_1712 : vector<256x1xf32> to vector<256x8xf32>
    %mul3A_1714 = arith.mulf %concatenate3A_896, %mul3A_1713 : vector<256x8xf32>
    %dot_general3A_1715 = arith.constant dense<0.000000e+00> : vector<100x8xf32>
    %dot_general3A_1716 = tpu.matmul %convert_element_type3A_1711, %mul3A_1714, %dot_general3A_1715 {dimension_numbers = #tpu.dot_dimension_numbers<[1], [0], [0], [1], [0, 0, 1, 1], [], []>, transpose_lhs_hint = false} : vector<100x256xf32>, vector<256x8xf32>, vector<100x8xf32> -> vector<100x8xf32>
    %swap3A_1717 = arith.constant 8 : index
    %swap3A_1718 = arith.constant 0 : index
    %swap3A_1719 = arith.constant 0 : index
    %swap3A_1720 = vector.load %arg2[%swap3A_1717, %swap3A_1718, %swap3A_1719] : memref<16x100x8xf32, #tpu.memory_space<vmem>>, vector<1x100x8xf32>
    %swap3A_1721 = vector.shape_cast %swap3A_1720 : vector<1x100x8xf32> to vector<100x8xf32>
    %swap3A_1722 = vector.shape_cast %dot_general3A_1716 : vector<100x8xf32> to vector<1x100x8xf32>
    tpu.vector_store %arg2[%swap3A_1717, %swap3A_1718, %swap3A_1719], %swap3A_1722 {strides = array<i32>} : memref<16x100x8xf32, #tpu.memory_space<vmem>>, vector<1x100x8xf32>,
    %slice3A_1723 = vector.extract_strided_slice %dot_general3A_1570 {offsets = [0, 9], sizes = [100, 1], strides = [1, 1]} : vector<100x16xf32> to vector<100x1xf32>
    %eq3A_1724 = vector.broadcast %slice3A_1723 : vector<100x1xf32> to vector<100x256xf32>
    %eq3A_1725 = arith.cmpf oeq, %eq3A_1724, %convert_element_type3A_1579 : vector<100x256xf32>
    %convert_element_type3A_1726 = arith.extui %eq3A_1725 : vector<100x256xi1> to vector<100x256xi32>
    %convert_element_type3A_1727 = arith.sitofp %convert_element_type3A_1726 : vector<100x256xi32> to vector<100x256xf32>
    %slice3A_1728 = vector.extract_strided_slice %dot_general3A_1577 {offsets = [0, 9], sizes = [256, 1], strides = [1, 1]} : vector<256x16xf32> to vector<256x1xf32>
    %mul3A_1729 = vector.broadcast %slice3A_1728 : vector<256x1xf32> to vector<256x8xf32>
    %mul3A_1730 = arith.mulf %concatenate3A_989, %mul3A_1729 : vector<256x8xf32>
    %dot_general3A_1731 = arith.constant dense<0.000000e+00> : vector<100x8xf32>
    %dot_general3A_1732 = tpu.matmul %convert_element_type3A_1727, %mul3A_1730, %dot_general3A_1731 {dimension_numbers = #tpu.dot_dimension_numbers<[1], [0], [0], [1], [0, 0, 1, 1], [], []>, transpose_lhs_hint = false} : vector<100x256xf32>, vector<256x8xf32>, vector<100x8xf32> -> vector<100x8xf32>
    %swap3A_1733 = arith.constant 9 : index
    %swap3A_1734 = arith.constant 0 : index
    %swap3A_1735 = arith.constant 0 : index
    %swap3A_1736 = vector.load %arg2[%swap3A_1733, %swap3A_1734, %swap3A_1735] : memref<16x100x8xf32, #tpu.memory_space<vmem>>, vector<1x100x8xf32>
    %swap3A_1737 = vector.shape_cast %swap3A_1736 : vector<1x100x8xf32> to vector<100x8xf32>
    %swap3A_1738 = vector.shape_cast %dot_general3A_1732 : vector<100x8xf32> to vector<1x100x8xf32>
    tpu.vector_store %arg2[%swap3A_1733, %swap3A_1734, %swap3A_1735], %swap3A_1738 {strides = array<i32>} : memref<16x100x8xf32, #tpu.memory_space<vmem>>, vector<1x100x8xf32>,
    %slice3A_1739 = vector.extract_strided_slice %dot_general3A_1570 {offsets = [0, 10], sizes = [100, 1], strides = [1, 1]} : vector<100x16xf32> to vector<100x1xf32>
    %eq3A_1740 = vector.broadcast %slice3A_1739 : vector<100x1xf32> to vector<100x256xf32>
    %eq3A_1741 = arith.cmpf oeq, %eq3A_1740, %convert_element_type3A_1579 : vector<100x256xf32>
    %convert_element_type3A_1742 = arith.extui %eq3A_1741 : vector<100x256xi1> to vector<100x256xi32>
    %convert_element_type3A_1743 = arith.sitofp %convert_element_type3A_1742 : vector<100x256xi32> to vector<100x256xf32>
    %slice3A_1744 = vector.extract_strided_slice %dot_general3A_1577 {offsets = [0, 10], sizes = [256, 1], strides = [1, 1]} : vector<256x16xf32> to vector<256x1xf32>
    %mul3A_1745 = vector.broadcast %slice3A_1744 : vector<256x1xf32> to vector<256x8xf32>
    %mul3A_1746 = arith.mulf %concatenate3A_1082, %mul3A_1745 : vector<256x8xf32>
    %dot_general3A_1747 = arith.constant dense<0.000000e+00> : vector<100x8xf32>
    %dot_general3A_1748 = tpu.matmul %convert_element_type3A_1743, %mul3A_1746, %dot_general3A_1747 {dimension_numbers = #tpu.dot_dimension_numbers<[1], [0], [0], [1], [0, 0, 1, 1], [], []>, transpose_lhs_hint = false} : vector<100x256xf32>, vector<256x8xf32>, vector<100x8xf32> -> vector<100x8xf32>
    %swap3A_1749 = arith.constant 10 : index
    %swap3A_1750 = arith.constant 0 : index
    %swap3A_1751 = arith.constant 0 : index
    %swap3A_1752 = vector.load %arg2[%swap3A_1749, %swap3A_1750, %swap3A_1751] : memref<16x100x8xf32, #tpu.memory_space<vmem>>, vector<1x100x8xf32>
    %swap3A_1753 = vector.shape_cast %swap3A_1752 : vector<1x100x8xf32> to vector<100x8xf32>
    %swap3A_1754 = vector.shape_cast %dot_general3A_1748 : vector<100x8xf32> to vector<1x100x8xf32>
    tpu.vector_store %arg2[%swap3A_1749, %swap3A_1750, %swap3A_1751], %swap3A_1754 {strides = array<i32>} : memref<16x100x8xf32, #tpu.memory_space<vmem>>, vector<1x100x8xf32>,
    %slice3A_1755 = vector.extract_strided_slice %dot_general3A_1570 {offsets = [0, 11], sizes = [100, 1], strides = [1, 1]} : vector<100x16xf32> to vector<100x1xf32>
    %eq3A_1756 = vector.broadcast %slice3A_1755 : vector<100x1xf32> to vector<100x256xf32>
    %eq3A_1757 = arith.cmpf oeq, %eq3A_1756, %convert_element_type3A_1579 : vector<100x256xf32>
    %convert_element_type3A_1758 = arith.extui %eq3A_1757 : vector<100x256xi1> to vector<100x256xi32>
    %convert_element_type3A_1759 = arith.sitofp %convert_element_type3A_1758 : vector<100x256xi32> to vector<100x256xf32>
    %slice3A_1760 = vector.extract_strided_slice %dot_general3A_1577 {offsets = [0, 11], sizes = [256, 1], strides = [1, 1]} : vector<256x16xf32> to vector<256x1xf32>
    %mul3A_1761 = vector.broadcast %slice3A_1760 : vector<256x1xf32> to vector<256x8xf32>
    %mul3A_1762 = arith.mulf %concatenate3A_1175, %mul3A_1761 : vector<256x8xf32>
    %dot_general3A_1763 = arith.constant dense<0.000000e+00> : vector<100x8xf32>
    %dot_general3A_1764 = tpu.matmul %convert_element_type3A_1759, %mul3A_1762, %dot_general3A_1763 {dimension_numbers = #tpu.dot_dimension_numbers<[1], [0], [0], [1], [0, 0, 1, 1], [], []>, transpose_lhs_hint = false} : vector<100x256xf32>, vector<256x8xf32>, vector<100x8xf32> -> vector<100x8xf32>
    %swap3A_1765 = arith.constant 11 : index
    %swap3A_1766 = arith.constant 0 : index
    %swap3A_1767 = arith.constant 0 : index
    %swap3A_1768 = vector.load %arg2[%swap3A_1765, %swap3A_1766, %swap3A_1767] : memref<16x100x8xf32, #tpu.memory_space<vmem>>, vector<1x100x8xf32>
    %swap3A_1769 = vector.shape_cast %swap3A_1768 : vector<1x100x8xf32> to vector<100x8xf32>
    %swap3A_1770 = vector.shape_cast %dot_general3A_1764 : vector<100x8xf32> to vector<1x100x8xf32>
    tpu.vector_store %arg2[%swap3A_1765, %swap3A_1766, %swap3A_1767], %swap3A_1770 {strides = array<i32>} : memref<16x100x8xf32, #tpu.memory_space<vmem>>, vector<1x100x8xf32>,
    %slice3A_1771 = vector.extract_strided_slice %dot_general3A_1570 {offsets = [0, 12], sizes = [100, 1], strides = [1, 1]} : vector<100x16xf32> to vector<100x1xf32>
    %eq3A_1772 = vector.broadcast %slice3A_1771 : vector<100x1xf32> to vector<100x256xf32>
    %eq3A_1773 = arith.cmpf oeq, %eq3A_1772, %convert_element_type3A_1579 : vector<100x256xf32>
    %convert_element_type3A_1774 = arith.extui %eq3A_1773 : vector<100x256xi1> to vector<100x256xi32>
    %convert_element_type3A_1775 = arith.sitofp %convert_element_type3A_1774 : vector<100x256xi32> to vector<100x256xf32>
    %slice3A_1776 = vector.extract_strided_slice %dot_general3A_1577 {offsets = [0, 12], sizes = [256, 1], strides = [1, 1]} : vector<256x16xf32> to vector<256x1xf32>
    %mul3A_1777 = vector.broadcast %slice3A_1776 : vector<256x1xf32> to vector<256x8xf32>
    %mul3A_1778 = arith.mulf %concatenate3A_1268, %mul3A_1777 : vector<256x8xf32>
    %dot_general3A_1779 = arith.constant dense<0.000000e+00> : vector<100x8xf32>
    %dot_general3A_1780 = tpu.matmul %convert_element_type3A_1775, %mul3A_1778, %dot_general3A_1779 {dimension_numbers = #tpu.dot_dimension_numbers<[1], [0], [0], [1], [0, 0, 1, 1], [], []>, transpose_lhs_hint = false} : vector<100x256xf32>, vector<256x8xf32>, vector<100x8xf32> -> vector<100x8xf32>
    %swap3A_1781 = arith.constant 12 : index
    %swap3A_1782 = arith.constant 0 : index
    %swap3A_1783 = arith.constant 0 : index
    %swap3A_1784 = vector.load %arg2[%swap3A_1781, %swap3A_1782, %swap3A_1783] : memref<16x100x8xf32, #tpu.memory_space<vmem>>, vector<1x100x8xf32>
    %swap3A_1785 = vector.shape_cast %swap3A_1784 : vector<1x100x8xf32> to vector<100x8xf32>
    %swap3A_1786 = vector.shape_cast %dot_general3A_1780 : vector<100x8xf32> to vector<1x100x8xf32>
    tpu.vector_store %arg2[%swap3A_1781, %swap3A_1782, %swap3A_1783], %swap3A_1786 {strides = array<i32>} : memref<16x100x8xf32, #tpu.memory_space<vmem>>, vector<1x100x8xf32>,
    %slice3A_1787 = vector.extract_strided_slice %dot_general3A_1570 {offsets = [0, 13], sizes = [100, 1], strides = [1, 1]} : vector<100x16xf32> to vector<100x1xf32>
    %eq3A_1788 = vector.broadcast %slice3A_1787 : vector<100x1xf32> to vector<100x256xf32>
    %eq3A_1789 = arith.cmpf oeq, %eq3A_1788, %convert_element_type3A_1579 : vector<100x256xf32>
    %convert_element_type3A_1790 = arith.extui %eq3A_1789 : vector<100x256xi1> to vector<100x256xi32>
    %convert_element_type3A_1791 = arith.sitofp %convert_element_type3A_1790 : vector<100x256xi32> to vector<100x256xf32>
    %slice3A_1792 = vector.extract_strided_slice %dot_general3A_1577 {offsets = [0, 13], sizes = [256, 1], strides = [1, 1]} : vector<256x16xf32> to vector<256x1xf32>
    %mul3A_1793 = vector.broadcast %slice3A_1792 : vector<256x1xf32> to vector<256x8xf32>
    %mul3A_1794 = arith.mulf %concatenate3A_1361, %mul3A_1793 : vector<256x8xf32>
    %dot_general3A_1795 = arith.constant dense<0.000000e+00> : vector<100x8xf32>
    %dot_general3A_1796 = tpu.matmul %convert_element_type3A_1791, %mul3A_1794, %dot_general3A_1795 {dimension_numbers = #tpu.dot_dimension_numbers<[1], [0], [0], [1], [0, 0, 1, 1], [], []>, transpose_lhs_hint = false} : vector<100x256xf32>, vector<256x8xf32>, vector<100x8xf32> -> vector<100x8xf32>
    %swap3A_1797 = arith.constant 13 : index
    %swap3A_1798 = arith.constant 0 : index
    %swap3A_1799 = arith.constant 0 : index
    %swap3A_1800 = vector.load %arg2[%swap3A_1797, %swap3A_1798, %swap3A_1799] : memref<16x100x8xf32, #tpu.memory_space<vmem>>, vector<1x100x8xf32>
    %swap3A_1801 = vector.shape_cast %swap3A_1800 : vector<1x100x8xf32> to vector<100x8xf32>
    %swap3A_1802 = vector.shape_cast %dot_general3A_1796 : vector<100x8xf32> to vector<1x100x8xf32>
    tpu.vector_store %arg2[%swap3A_1797, %swap3A_1798, %swap3A_1799], %swap3A_1802 {strides = array<i32>} : memref<16x100x8xf32, #tpu.memory_space<vmem>>, vector<1x100x8xf32>,
    %slice3A_1803 = vector.extract_strided_slice %dot_general3A_1570 {offsets = [0, 14], sizes = [100, 1], strides = [1, 1]} : vector<100x16xf32> to vector<100x1xf32>
    %eq3A_1804 = vector.broadcast %slice3A_1803 : vector<100x1xf32> to vector<100x256xf32>
    %eq3A_1805 = arith.cmpf oeq, %eq3A_1804, %convert_element_type3A_1579 : vector<100x256xf32>
    %convert_element_type3A_1806 = arith.extui %eq3A_1805 : vector<100x256xi1> to vector<100x256xi32>
    %convert_element_type3A_1807 = arith.sitofp %convert_element_type3A_1806 : vector<100x256xi32> to vector<100x256xf32>
    %slice3A_1808 = vector.extract_strided_slice %dot_general3A_1577 {offsets = [0, 14], sizes = [256, 1], strides = [1, 1]} : vector<256x16xf32> to vector<256x1xf32>
    %mul3A_1809 = vector.broadcast %slice3A_1808 : vector<256x1xf32> to vector<256x8xf32>
    %mul3A_1810 = arith.mulf %concatenate3A_1454, %mul3A_1809 : vector<256x8xf32>
    %dot_general3A_1811 = arith.constant dense<0.000000e+00> : vector<100x8xf32>
    %dot_general3A_1812 = tpu.matmul %convert_element_type3A_1807, %mul3A_1810, %dot_general3A_1811 {dimension_numbers = #tpu.dot_dimension_numbers<[1], [0], [0], [1], [0, 0, 1, 1], [], []>, transpose_lhs_hint = false} : vector<100x256xf32>, vector<256x8xf32>, vector<100x8xf32> -> vector<100x8xf32>
    %swap3A_1813 = arith.constant 14 : index
    %swap3A_1814 = arith.constant 0 : index
    %swap3A_1815 = arith.constant 0 : index
    %swap3A_1816 = vector.load %arg2[%swap3A_1813, %swap3A_1814, %swap3A_1815] : memref<16x100x8xf32, #tpu.memory_space<vmem>>, vector<1x100x8xf32>
    %swap3A_1817 = vector.shape_cast %swap3A_1816 : vector<1x100x8xf32> to vector<100x8xf32>
    %swap3A_1818 = vector.shape_cast %dot_general3A_1812 : vector<100x8xf32> to vector<1x100x8xf32>
    tpu.vector_store %arg2[%swap3A_1813, %swap3A_1814, %swap3A_1815], %swap3A_1818 {strides = array<i32>} : memref<16x100x8xf32, #tpu.memory_space<vmem>>, vector<1x100x8xf32>,
    %slice3A_1819 = vector.extract_strided_slice %dot_general3A_1570 {offsets = [0, 15], sizes = [100, 1], strides = [1, 1]} : vector<100x16xf32> to vector<100x1xf32>
    %eq3A_1820 = vector.broadcast %slice3A_1819 : vector<100x1xf32> to vector<100x256xf32>
    %eq3A_1821 = arith.cmpf oeq, %eq3A_1820, %convert_element_type3A_1579 : vector<100x256xf32>
    %convert_element_type3A_1822 = arith.extui %eq3A_1821 : vector<100x256xi1> to vector<100x256xi32>
    %convert_element_type3A_1823 = arith.sitofp %convert_element_type3A_1822 : vector<100x256xi32> to vector<100x256xf32>
    %slice3A_1824 = vector.extract_strided_slice %dot_general3A_1577 {offsets = [0, 15], sizes = [256, 1], strides = [1, 1]} : vector<256x16xf32> to vector<256x1xf32>
    %mul3A_1825 = vector.broadcast %slice3A_1824 : vector<256x1xf32> to vector<256x8xf32>
    %mul3A_1826 = arith.mulf %concatenate3A_1547, %mul3A_1825 : vector<256x8xf32>
    %dot_general3A_1827 = arith.constant dense<0.000000e+00> : vector<100x8xf32>
    %dot_general3A_1828 = tpu.matmul %convert_element_type3A_1823, %mul3A_1826, %dot_general3A_1827 {dimension_numbers = #tpu.dot_dimension_numbers<[1], [0], [0], [1], [0, 0, 1, 1], [], []>, transpose_lhs_hint = false} : vector<100x256xf32>, vector<256x8xf32>, vector<100x8xf32> -> vector<100x8xf32>
    %swap3A_1829 = arith.constant 15 : index
    %swap3A_1830 = arith.constant 0 : index
    %swap3A_1831 = arith.constant 0 : index
    %swap3A_1832 = vector.load %arg2[%swap3A_1829, %swap3A_1830, %swap3A_1831] : memref<16x100x8xf32, #tpu.memory_space<vmem>>, vector<1x100x8xf32>
    %swap3A_1833 = vector.shape_cast %swap3A_1832 : vector<1x100x8xf32> to vector<100x8xf32>
    %swap3A_1834 = vector.shape_cast %dot_general3A_1828 : vector<100x8xf32> to vector<1x100x8xf32>
    tpu.vector_store %arg2[%swap3A_1829, %swap3A_1830, %swap3A_1831], %swap3A_1834 {strides = array<i32>} : memref<16x100x8xf32, #tpu.memory_space<vmem>>, vector<1x100x8xf32>,
    return
  }
}

</mosaic_0001>

<sc_bundles>
// kernel: kernel.6.cloned.1.call-start
scs
__scs_entry_jumppad:
0x0: {  	(pc) =	sbr.rel $0x88, $3  }
0x1: {  	(tag) =	ssettag $0x0;
	lr =	simm.s32 $0x1  }
0x2: {  	[smem:$0x3F9E] =	sst lr;
	_ =	strace $0xD0000000  }
0x3: {  	_ = 	snop  }
0x4: {  	_ = 	snop  }
0x5: {  	_ = 	snop  }
0x6: {  	_ = 	snop  }
0x7: {  	_ = 	snop  }
__scs_overlays_trampoline_lowered:
0x8: {  	[smem:$0x3FAD] =	sst s0  }
0x9: {  	[smem:$0x3FAE] =	sst s1  }
0xa: {  	[smem:$0x3FAF] =	sst s2  }
0xb: {  	[smem:$0x3FB0] =	sst s3  }
0xc: {  	[smem:$0x3FB1] =	sst s4  }
0xd: {  	[smem:$0x3FB2] =	sst s5  }
0xe: {  	[smem:$0x3FB3] =	sst s6  }
0xf: {  	[smem:$0x3FB4] =	sst s7  }
0x10: {  	[smem:$0x3FB5] =	sst s8  }
0x11: {  	[smem:$0x3FB6] =	sst s9;
	s0 =	simm.s32 @!p0 $0x0  }
0x12: {  	s1 =	sld [smem:$0x3F9C];
	s0 =	simm.s32 @p0 $0x1  }
0x13: {  	[smem:$0x3FB7] =	sst s0;
	s0 =	simm.s32 @!p1 $0x0  }
0x14: {  	s2 =	sld [smem:$0x3F9B];
	s0 =	simm.s32 @p1 $0x1  }
0x15: {  	[smem:$0x3FB8] =	sst s0;
	s0 =	simm.s32 @!p2 $0x0  }
0x16: {  	s3 =	sld [smem:$0x3FDB];
	s0 =	simm.s32 @p2 $0x1  }
0x17: {  	s4 =	simm.s32 $0x1BF5;
	[smem:$0x3FBA] =	sst s0  }
0x18: {  	s0 =	sld [smem:$0x3F9D];
	_ =	swait.ge [sflag:s4], $0x0  }
0x19: {  	s7 =	sld [smem:$0x3F9E]  }
0x1a: {  	s8 =	sadd.s32 $0xFFFFE003, lr  }
0x1b: {  	s9 =	sadd.s32 $0xFFFFFEF7, lr;
	s5 =	simm.s32 $0xFFFFFFFF;
	p2 =	slt.u32 s8, $0xFFFFF086  }
0x1c: {  	p1 =	slt.u32 s9, $0xF7A;
	s5 =	simm.s32 @!p2 $0x0  }
0x1d: {  	s5 =	simm.s32 @p1 $0x1;
	p0 =	seq.s32 s7, s2  }
0x1e: {  	s7 =	smul.u32 @!p0 $0xF7A, s2;
	p2 =	seq.s32 @!p0 s5, $0x0  }
0x1f: {  	s9 =	smul.u32 $0xF7A, s1;
	s8 =	simm.s32 @!p0 $0x1BF5;
	p2 =	por !p2, p0  }
0x20: {  	[sflag:s8] =	ssyncset.s32 @!p0 $0xFFFFF086;
	s6 =	sadd.s32 @!p0 s3, s7;
	s7 =	simm.s32 @!p0 $0x108  }
0x21: {  	s3 =	sadd.s32 s3, s9;
	s6 =	sadd.s32 @!p0 $0x88, s6;
	s7 =	simm.s32 @p2 $0x1082  }
0x22: {  	[simem:s7], [sflag:s8] =	dma.local @!p0 [hbm:s6], $0xF7A  }
0x23: {  	s9 =	sor.u32 $0xD0000000, s2;
	s6 =	simm.s32 $0x108;
	_ =	swait.ge @!p0 [sflag:s8], $0x0  }
0x24: {  	s3 =	sadd.s32 $0x88, s3;
	s6 =	simm.s32 @!p1 $0x1082;
	[sflag:s4] =	ssyncset.s32 $0xFFFFF086  }
0x25: {  	[simem:s6], [sflag:s4] =	dma.local [hbm:s3], $0xF7A  }
0x26: {  	[smem:$0x3F9E] =	sst s1;
	(tag) =	ssettag s2;
	_ =	strace s9  }
0x27: {  	s1 =	sld [smem:$0x3FAE]  }
0x28: {  	s2 =	sld [smem:$0x3FAF]  }
0x29: {  	s4 =	sld [smem:$0x3FB1]  }
0x2a: {  	p0 =	seq.s32 s5, $0x0;
	s5 =	sld [smem:$0x3FB2]  }
0x2b: {  	s6 =	sld [smem:$0x3FB3]  }
0x2c: {  	s7 =	sld [smem:$0x3FB4]  }
0x2d: {  	s3 =	simm.s32 $0x108;
	s8 =	sld [smem:$0x3FB5]  }
0x2e: {  	s3 =	simm.s32 @!p0 $0x1082;
	s9 =	sld [smem:$0x3FB6]  }
0x2f: {  	lr =	sadd.s32 s0, s3;
	s0 =	sld [smem:$0x3FAD]  }
0x30: {  	s3 =	sld [smem:$0x3FB0]  }
0x31: {  	[smem:$0x3FB9] =	sst s10  }
0x32: {  	s10 =	sld [smem:$0x3FB7];
	_ =	sdelay $0x3  }
0x33: {  	p0 =	seq.s32 s10, $0x1;
	s10 =	sld [smem:$0x3FB9];
	_ =	sdelay $0x3  }
0x34: {  	[smem:$0x3FB9] =	sst s10  }
0x35: {  	s10 =	sld [smem:$0x3FB8];
	_ =	sdelay $0x3  }
0x36: {  	p1 =	seq.s32 s10, $0x1;
	s10 =	sld [smem:$0x3FB9];
	_ =	sdelay $0x3  }
0x37: {  	[smem:$0x3FB9] =	sst s10  }
0x38: {  	s10 =	sld [smem:$0x3FBA]  }
0x39: {  	_ = 	snop;
	(pc) =	sbr.ind lr, $3  }
0x3a: {  	_ = 	snop  }
0x3b: {  	_ = 	snop  }
0x3c: {  	p2 =	seq.s32 s10, $0x1;
	s10 =	sld [smem:$0x3FB9]  }
0x3d: {  	_ =	shalt  }
0x3e: {  	_ =	shalt  }
0x3f: {  	_ =	shalt  }
0x40: {  	_ =	shalt  }
0x41: {  	_ =	shalt  }
0x42: {  	_ =	shalt  }
0x43: {  	_ =	shalt  }
0x44: {  	_ =	shalt  }
0x45: {  	_ =	shalt  }
0x46: {  	_ =	shalt  }
0x47: {  	_ =	shalt  }
0x48: {  	_ =	shalt  }
0x49: {  	_ =	shalt  }
0x4a: {  	_ =	shalt  }
0x4b: {  	_ =	shalt  }
0x4c: {  	_ =	shalt  }
0x4d: {  	_ =	shalt  }
0x4e: {  	_ =	shalt  }
0x4f: {  	_ =	shalt  }
0x50: {  	_ =	shalt  }
0x51: {  	_ =	shalt  }
0x52: {  	_ =	shalt  }
0x53: {  	_ =	shalt  }
0x54: {  	_ =	shalt  }
0x55: {  	_ =	shalt  }
0x56: {  	_ =	shalt  }
0x57: {  	_ =	shalt  }
0x58: {  	_ =	shalt  }
0x59: {  	_ =	shalt  }
0x5a: {  	_ =	shalt  }
0x5b: {  	_ =	shalt  }
0x5c: {  	_ =	shalt  }
0x5d: {  	_ =	shalt  }
0x5e: {  	_ =	shalt  }
0x5f: {  	_ =	shalt  }
0x60: {  	_ =	shalt  }
0x61: {  	_ =	shalt  }
0x62: {  	_ =	shalt  }
0x63: {  	_ =	shalt  }
0x64: {  	_ =	shalt  }
0x65: {  	_ =	shalt  }
0x66: {  	_ =	shalt  }
0x67: {  	_ =	shalt  }
0x68: {  	_ =	shalt  }
0x69: {  	_ =	shalt  }
0x6a: {  	_ =	shalt  }
0x6b: {  	_ =	shalt  }
0x6c: {  	_ =	shalt  }
0x6d: {  	_ =	shalt  }
0x6e: {  	_ =	shalt  }
0x6f: {  	_ =	shalt  }
0x70: {  	_ =	shalt  }
0x71: {  	_ =	shalt  }
0x72: {  	_ =	shalt  }
0x73: {  	_ =	shalt  }
0x74: {  	_ =	shalt  }
0x75: {  	_ =	shalt  }
0x76: {  	_ =	shalt  }
0x77: {  	_ =	shalt  }
0x78: {  	_ =	shalt  }
0x79: {  	_ =	shalt  }
0x7a: {  	_ =	shalt  }
0x7b: {  	_ =	shalt  }
0x7c: {  	_ =	shalt  }
0x7d: {  	_ =	shalt  }
0x7e: {  	_ =	shalt  }
0x7f: {  	_ =	shalt  }
0x80: {  	_ =	shalt  }
0x81: {  	_ =	shalt  }
0x82: {  	_ =	shalt  }
0x83: {  	_ =	shalt  }
0x84: {  	_ =	shalt  }
0x85: {  	_ =	shalt  }
0x86: {  	_ =	shalt  }
0x87: {  	_ =	shalt  }
.Lfunc_end0:
.L_simem_size_0:
called_computation_lowered:
.L_overlay_start_0:
0x88: {  	s2 =	sld [smem:$0x3FD9]  }
0x89: {  	s3 =	sld [smem:$0x3FFE];
	_ =	sdelay $0x1  }
0x8a: {  	s1 =	srdreg.scid  }
0x8b: {  	s0 =	sand.u32 $0x1, s1  }
0x8c: {  	s17 =	sshll.u32 s0, $0xA;
	s2 =	sadd.s32 s3, s2  }
0x8d: {  	s2 =	sadd.s32 s2, s17  }
0x8e: {  	[smem:$0x3FC5] =	sst s2  }
0x8f: {  	_ = 	snop  }
0x90: {  	s2 =	sld [smem:$0x3FD0];
	(tm) =	ssettm $0x1  }
0x91: {  	s18 =	sld [smem:$0x3FFB];
	_ =	sdelay $0x3  }
0x92: {  	_ =	strace s18  }
0x93: {  	s3 =	sld [smem:$0x3FFC];
	_ =	sdelay $0x3  }
0x94: {  	_ =	strace s3  }
0x95: {  	s3 =	sld [smem:$0x3FFD];
	_ =	sdelay $0x3  }
0x96: {  	_ =	strace s3  }
0x97: {  	_ =	strace $0x8FFFFFFF  }
0x98: {  	s19 =	sld [smem:$0x3FDB];
	_ =	sdelay $0x1  }
0x99: {  	s4 =	simm.s32 $_scs_section_size  }
0x9a: {  	s5 =	simm.s32 $_size__tile_overlayer_lowered;
	s6 =	simm.s32 $_tile_overlayer_lowered  }
0x9b: {  	s22 =	simm.s32 $0x1BFF;
	s21 =	sshll.u32 s6, $0x1;
	s3 =	sadd.s32 s4, s19  }
0x9c: {  	s7 =	simm.s32 $0x0;
	s20 =	sshll.u32 s5, $0x1;
	s5 =	sadd.s32 s21, s3  }
0x9d: {  	[timem:s7], [sflag:s22] =	dma.local [hbm:s5], s20  }
0x9e: {  	_ =	swait.ge [sflag:s22], s20  }
0x9f: {  	s4 =	ssub.s32 $0x0, s20;
	[sflag:s22] =	ssyncset.done $0x0  }
0xa0: {  	[sflag:s22] =	ssyncadd.s32 s4;
	_ =	sdelay $0x1  }
0xa1: {  	s23 =	simm.s32 $0x1B8B  }
0xa2: {  	_ =	swait.ge [sflag:s23], $0x1  }
0xa3: {  	[sflag:s23] =	ssyncset.done $0x0  }
0xa4: {  	s25 =	simm.s32 $0x1B8E;
	s24 =	sld [smem:$0x3FFE];
	[sflag:s23] =	ssyncadd.s32 $0xFFFFFFFF  }
0xa5: {  	s26 =	simm.s32 $execute0_lowered;
	[smem:$0x3FD2] =	sst s25  }
0xa6: {  	s5 =	sshll.u32 s26, $0x1;
	_ =	strace $0x80000046;
	[dreg:$0x1] =	wrdreg $0xFFFFFFFF  }
0xa7: {  	s28 =	simm.s32 $_size_execute0_lowered;
	s3 =	sadd.s32 s3, s5;
	[dreg:$0x0] =	wrdreg $0x0  }
0xa8: {  	s5 =	sshll.u32 s28, $0x1;
	[dreg:$0x2] =	wrdreg s3  }
0xa9: {  	[dreg:$0x3] =	wrdreg s5  }
0xaa: {  	[dreg:$0x4] =	wrdreg $0xC0  }
0xab: {  	_ =	task [dreg:s7], $0x5FFFF  }
0xac: {  	[dreg:$0x1] =	wrdreg $0xFFFFFFFF  }
0xad: {  	[dreg:$0x0] =	wrdreg $0x60  }
0xae: {  	[dreg:$0x2] =	wrdreg s24  }
0xaf: {  	[dreg:$0x3] =	wrdreg s2  }
0xb0: {  	[dreg:$0x4] =	wrdreg $0x9  }
0xb1: {  	_ =	task.clear_ibuf [dreg:s7], $0x5FFFF;
	_ =	strace $0x90000046  }
0xb2: {  	s29 =	simm.s32 $0x9;
	_ =	strace $0x80000048  }
0xb3: {  	_ =	swait.ge [sflag:s29], $0x1  }
0xb4: {  	[sflag:s29] =	ssyncadd.s32 $0xFFFFFFFF  }
0xb5: {  	_ =	strace $0x90000048  }
0xb6: {  	_ =	sfence  }
0xb7: {  	s30 =	sld [smem:$0x0];
	_ =	sdelay $0x2  }
0xb8: {  	s31 =	sshll.u32 s1, $0xD;
	s1 =	sshrl.u32 s1, $0x2  }
0xb9: {  	s3 =	sand.u32 $0x4000, s31;
	s1 =	sadd.s32 s1, s30  }
0xba: {  	s0 =	sor.u32 s3, s0;
	s1 =	sshll.u32 s1, $0x11  }
0xbb: {  	s0 =	sor.u32 s1, s0  }
0xbc: {  	s0 =	sadd.s32 $0x8F2B, s0  }
0xbd: {  	[sflag:s0] =	ssyncadd.remote.s32 $0x1  }
0xbe: {  	_ =	sfence.sel $0xFFFF  }
0xbf: {  	[dreg:$0x0] =	wrdreg $0xFFFFFFFF;
	(pc) =	sbr.abs _section_cstart, $3  }
0xc0: {  	[dreg:$0x1] =	wrdreg $0xFFFFFFFF  }
0xc1: {  	_ =	task.clear_ibuf [dreg:s7], $0x2FFFF;
	_ =	strace $0x9FFFFFFF  }
0xc2: {  	(tm) =	ssettm $0x7FFFFFFF  }
0xc3: {  	_ =	shalt  }
tec
execute0_lowered:
.L_overlay_start_1:
0x0: {  	(tag) =	ssettag $0x1  }
0x1: {  	s1 =	srdreg.scid  }
0x2: {  	s8 =	rddreg [dreg:$0x0];
	s0 =	stileid.u32  }
0x3: {  	s3 =	rddreg [dreg:$0x1];
	s2 =	simm.s32 $0x0;
	s6 =	sand.u32 $0x1, s1  }
0x4: {  	s4 =	sshll.u32 s0, $0x8;
	s1 =	rddreg [dreg:$0x2];
	s5 =	sshll.u32 s6, $0x7  }
0x5: {  	s7 =	simm.s32 $0x1;
	[smem:$0x7FF] =	sst s2;
	s9 =	sor.u32 s5, s4  }
0x6: {  	_ =	strace $0x80000047;
	s10 =	ssub.s32 $0x2, s6;
	s4 =	sshrl.u32 s9, $0x3  }
0x7: {  	s6 =	simm.s32 $0x80;
	s4 =	sadd.s32 s3, s4;
	s3 =	simm.s32 $0x2  }
0x8: {  	[tilespmem:s2], [sflag:$0x2] =	stream.linear.gather [hbm4b:s4+s2], $0x80, $0x38;
	[tilespmem:$0x4080] =	vst v63  }
0x9: {  	s5 =	sadd.s32 $0xA00, s8;
	s11 =	sshrl.u32 s10, $0x1;
	_ =	swait.ge [sflag:s3], $0x80  }
0xa: {  	s9 =	sshll.u32 s9, $0x4;
	s31 =	ssub.s32 s10, s11;
	[sflag:s3] =	ssyncset.done $0x0  }
0xb: {  	s8 =	sadd.s32 s9, s8;
	s9 =	smax.u32 s31, $0x1;
	[sflag:s3] =	ssyncadd.s32 $0xFFFFFF80  }
0xc: {  	[tilespmem:s6], [sflag:$0x1] =	stream.indirect.gather [hbm4b:s5+s6], $0x80, s2, s6, $0xb8;
	[tilespmem:$0x4080] =	vst v63  }
0xd: {  	p0 =	sne.s32 s9, $0x1;
	_ =	swait.ge [sflag:s7], $0x4000  }
.Ltmp0:
0xe: {  	[sflag:s7] =	ssyncset.done $0x0;
	(pc) =	sbr.rel @!p0 .LBB2_2-.Ltmp0, $4  }
0xf: {  	s8 =	sadd.s32 $0x150A00, s8;
	[sflag:s7] =	ssyncadd.s32 $0xFFFFC000  }
0x10: {  	[hbm4b:s8+s2] =	stream.linear.scatter [tilespmem:s6], [sflag:$0x2], $0x4000, $0x38;
	[tilespmem:$0x4080] =	vst v63  }
0x11: {  	_ =	swait.ge [sflag:s3], $0x4000  }
0x12: {  	s9 =	sadd.s32 $0xFFFFFFFF, s9;
	[sflag:s3] =	ssyncset.done $0x0  }
.LBB2_1:
0x13: {  	p0 =	sne.s32 s9, $0x1;
	s9 =	sadd.s32 $0xFFFFFFFF, s9;
	[sflag:s3] =	ssyncadd.s32 $0xFFFFC000  }
0x14: {  	[tilespmem:s2], [sflag:$0x2] =	stream.linear.gather [hbm4b:s4+s2], $0x80, $0x38;
	[tilespmem:$0x4080] =	vst v63  }
0x15: {  	_ =	swait.ge [sflag:s3], $0x80  }
0x16: {  	[sflag:s3] =	ssyncset.done $0x0  }
0x17: {  	[sflag:s3] =	ssyncadd.s32 $0xFFFFFF80  }
0x18: {  	[tilespmem:s6], [sflag:$0x1] =	stream.indirect.gather [hbm4b:s5+s6], $0x80, s2, s6, $0xb8;
	[tilespmem:$0x4080] =	vst v63  }
0x19: {  	_ =	swait.ge [sflag:s7], $0x4000  }
.Ltmp1:
0x1a: {  	[sflag:s7] =	ssyncset.done $0x0;
	(pc) =	sbr.rel @p0 .LBB2_1-.Ltmp1, $4  }
0x1b: {  	[sflag:s7] =	ssyncadd.s32 $0xFFFFC000  }
0x1c: {  	[hbm4b:s8+s2] =	stream.linear.scatter [tilespmem:s6], [sflag:$0x2], $0x4000, $0x38;
	[tilespmem:$0x4080] =	vst v63  }
0x1d: {  	_ =	swait.ge [sflag:s3], $0x4000  }
0x1e: {  	[sflag:s3] =	ssyncset.done $0x0  }
.LBB2_2:
0x1f: {  	[sflag:s3] =	ssyncadd.s32 $0xFFFFC000  }
0x20: {  	_ =	sfence.sel $0x180000  }
0x21: {  	[bflag:$0x0] =	sbarrier.arrive $0xFFFF  }
0x22: {  	p0 =	sne.s32 s0, $0x0;
	_ =	strace $0x90000047  }
0x23: {  	s0 =	sadd.s32 @!p0 $0x100000, s1;
	[bflag:$0x2] =	sbarrier.arrive $0xFFFF  }
0x24: {  	[sflag:s0] =	ssyncadd.tile.s32 @!p0 $0x1;
	_ =	shalt  }
.Lfunc_end2:
_tile_overlayer_lowered:
.L_overlay_start_2:
0x25: {  	(tag) =	ssettag $0x2  }
0x26: {  	s0 =	rddreg [dreg:$0x0];
	s2 =	stileid.u32  }
0x27: {  	s1 =	rddreg [dreg:$0x1];
	p0 =	sne.s32 s2, $0x0  }
0x28: {  	s3 =	rddreg [dreg:$0x2];
	[bflag:$0x3] =	sbarrier.arrive $0xFFFF;
	s2 =	simm.s32 @!p0 $0x1C02  }
0x29: {  	[timem:s3], [sflag:s2] =	dma.local @!p0 [hbm:s0], s1  }
0x2a: {  	s0 =	simm.s32 @!p0 $0x2  }
0x2b: {  	_ =	swait.ge @!p0 [sflag:s0], s1  }
0x2c: {  	s1 =	ssub.s32 @!p0 $0x0, s1;
	[sflag:s0] =	ssyncset.done @!p0 $0x0  }
0x2d: {  	[sflag:s0] =	ssyncadd.s32 @!p0 s1  }
0x2e: {  	[bflag:$0x3] =	sbarrier.arrive $0xFFFF  }
0x2f: {  	_ =	shalt  }

</sc_bundles>
